<compile_context>
chip_gen: v7x
topology: tpu7x:2x2x1
jax: 0.10.2.dev20260603
libtpu: 0.0.44.dev20260713+nightly
codegen_flags: <defaults>
</compile_context>

<pallas_src>
import jax
import jax.numpy as jnp
from jax import lax
from jax.experimental import pallas as pl
from jax.experimental.pallas import tpu as pltpu
from jax.experimental.pallas import tpu_sc as plsc

N = 10000
E = 320000
CHUNK = 128
NWORK = 32
E_PAD = NWORK * 80 * CHUNK
NJUNK = 8
SUB_ROWS = 632
LAST_ROWS = N - 15 * SUB_ROWS
BM = 2000
GRID = N // BM


def _copy_rowrange(sid, src_ref, dst_ref):
    @pl.when(sid < 15)
    def _():
        pltpu.sync_copy(src_ref.at[pl.ds(sid * SUB_ROWS, SUB_ROWS)],
                        dst_ref.at[pl.ds(sid * SUB_ROWS, SUB_ROWS)])

    @pl.when(sid == 15)
    def _():
        pltpu.sync_copy(src_ref.at[pl.ds(15 * SUB_ROWS, LAST_ROWS)],
                        dst_ref.at[pl.ds(15 * SUB_ROWS, LAST_ROWS)])


def _make_sc_agg_deep(W: int, tc_tiling: bool, ch: int = CHUNK,
                      with_deg: bool = False):
    mesh = plsc.VectorSubcoreMesh(core_axis_name="c", subcore_axis_name="s")
    NB = 4
    cpw = (E_PAD // NWORK) // ch
    assert cpw % NB == 0
    out_type = [jax.ShapeDtypeStruct((2, N, W), jnp.float32)]
    scratch = (
        [pltpu.VMEM((ch,), jnp.int32) for _ in range(NB)]
        + [pltpu.VMEM((ch,), jnp.int32) for _ in range(NB)]
        + [pltpu.VMEM((ch, W), jnp.float32) for _ in range(NB)]
        + [pltpu.VMEM_SHARED((N + NJUNK, W), jnp.float32)]
        + [pltpu.SemaphoreType.DMA] * (4 * NB)
    )
    if with_deg:
        out_type.append(jax.ShapeDtypeStruct((2, N + NJUNK), jnp.float32))
        scratch += (
            [pltpu.VMEM((ch,), jnp.float32)]
            + [pltpu.VMEM_SHARED((N + NJUNK,), jnp.float32)]
            + [pltpu.SemaphoreType.DMA] * NB
        )

    def body(z, srcm, dstm, zero2, *rest):
        if with_deg:
            zero1 = rest[0]
            rest = rest[1:]
        part = rest[0]
        if with_deg:
            degp = rest[1]
            rest = rest[2:]
        else:
            rest = rest[1:]
        srcb = rest[0:NB]
        dstb = rest[NB:2 * NB]
        rows = rest[2 * NB:3 * NB]
        acc = rest[3 * NB]
        sems = rest[3 * NB + 1:3 * NB + 1 + 4 * NB]
        isem = sems[0:NB]
        jsem = sems[NB:2 * NB]
        gsem = sems[2 * NB:3 * NB]
        ssem = sems[3 * NB:4 * NB]
        if with_deg:
            onesv = rest[3 * NB + 1 + 4 * NB]
            dacc = rest[3 * NB + 2 + 4 * NB]
            dsem = rest[3 * NB + 3 + 4 * NB:3 * NB + 3 + 5 * NB]
        cid = lax.axis_index("c")
        sid = lax.axis_index("s")
        wid = sid * 2 + cid
        ibase = wid * cpw * ch

        def sstart(g, b):
            pltpu.async_copy(srcm.at[pl.ds(ibase + g * ch, ch)],
                             srcb[b], isem[b])

        def iwait(b):
            pltpu.make_async_copy(srcm.at[pl.ds(0, ch)],
                                  srcb[b], isem[b]).wait()

        def dstart(g, b):
            pltpu.async_copy(dstm.at[pl.ds(ibase + g * ch, ch)],
                             dstb[b], jsem[b])

        def dwait(b):
            pltpu.make_async_copy(dstm.at[pl.ds(0, ch)],
                                  dstb[b], jsem[b]).wait()

        def gstart(b):
            pltpu.async_copy(z.at[srcb[b]], rows[b], gsem[b])

        def gwait(b):
            pltpu.make_async_copy(z.at[pl.ds(0, ch)], rows[b], gsem[b]).wait()

        def sc_start(b):
            pltpu.async_copy(rows[b], acc.at[dstb[b]], ssem[b], add=True)
            if with_deg:
                pltpu.async_copy(onesv, dacc.at[dstb[b]], dsem[b], add=True)

        def sc_wait(b):
            pltpu.make_async_copy(rows[b], acc.at[dstb[b]], ssem[b]).wait()
            if with_deg:
                pltpu.make_async_copy(onesv, dacc.at[dstb[b]], dsem[b]).wait()

        for b in range(NB):
            sstart(b, b)
        dstart(0, 0)
        dstart(1, 1)
        iwait(0)
        gstart(0)
        iwait(1)
        gstart(1)
        _copy_rowrange(sid, zero2, acc)
        if with_deg:
            @pl.when(sid == 0)
            def _():
                pltpu.sync_copy(zero1, dacc)
            for i in range(ch // 16):
                onesv[pl.ds(i * 16, 16)] = jnp.ones((16,), jnp.float32)
        plsc.subcore_barrier()

        def step(o, carry):
            for k in range(NB):
                g = o * NB + k
                b = k
                b2 = (k + 2) % NB
                always_x = k < 2

                def xblk(need_swait):
                    if need_swait:
                        sc_wait(b2)
                    dstart(g + 2, b2)
                    iwait(b2)
                    gstart(b2)

                if always_x:
                    @pl.when(o > 0)
                    def _():
                        xblk(True)

                    @pl.when(o == 0)
                    def _():
                        xblk(False)
                else:
                    @pl.when(o < cpw // NB - 1)
                    def _():
                        xblk(True)
                gwait(b)

                @pl.when(o < cpw // NB - 1)
                def _():
                    sstart(o * NB + k + NB, b)
                dwait(b)
                sc_start(b)
            return carry

        lax.fori_loop(0, cpw // NB, step, 0)
        for b in range(NB):
            sc_wait(b)
        plsc.subcore_barrier()
        _copy_rowrange(sid, acc, part.at[cid])
        if with_deg:
            @pl.when(sid == 0)
            def _():
                pltpu.sync_copy(dacc, degp.at[cid])

    params = None if tc_tiling else pltpu.CompilerParams(use_tc_tiling_on_sc=False)
    return pl.kernel(body, out_type=out_type, mesh=mesh, scratch_types=scratch,
                     compiler_params=params)


_sc_agg_deg128 = _make_sc_agg_deep(128, True, ch=64, with_deg=True)
_sc_agg128 = _make_sc_agg_deep(128, True, ch=64)
_sc_agg16 = _make_sc_agg_deep(16, tc_tiling=False)


def _mm_body(x_ref, w_ref, o1_ref, o2_ref):
    d = jnp.dot(x_ref[...], w_ref[...], preferred_element_type=jnp.float32)
    k = o1_ref.shape[1]
    o1_ref[...] = d[:, :k]
    o2_ref[...] = d[:, k:]


def _layer_body(pa, pb, rd_ref, s_ref, b_ref, w_ref, o1_ref, o2_ref):
    h = jnp.maximum((pa[0] + pb[0]) * rd_ref[...] + b_ref[...] + s_ref[...], 0.0)
    d = jnp.dot(h, w_ref[...], preferred_element_type=jnp.float32)
    k = o1_ref.shape[1]
    o1_ref[...] = d[:, :k]
    o2_ref[...] = d[:, k:]


def _layer1_body(pa, pb, dt_ref, s_ref, b_ref, w_ref, o1_ref, o2_ref, rd_ref):
    r = 1.0 / jnp.maximum(dt_ref[...].sum(axis=1, keepdims=True), 1.0)
    h = jnp.maximum((pa[0] + pb[0]) * r + b_ref[...] + s_ref[...], 0.0)
    d = jnp.dot(h, w_ref[...], preferred_element_type=jnp.float32)
    k = o1_ref.shape[1]
    o1_ref[...] = d[:, :k]
    o2_ref[...] = d[:, k:]
    rd_ref[...] = r


def _final_body(pa, pb, rd_ref, s_ref, b_ref, r_ref, o_ref):
    h = jax.nn.sigmoid((pa[0] + pb[0]) * rd_ref[...] + b_ref[...] + s_ref[...])
    contrib = r_ref[...][None, :, :] * h[:, None, :]
    j = lax.broadcasted_iota(jnp.int32, contrib.shape, 2)
    contrib = jnp.where(j < 13, contrib, -jnp.inf)
    o_ref[...] = jnp.max(contrib, axis=2)[:, :13]


def _row_spec(w):
    return pl.BlockSpec((BM, w), lambda i: (i, 0))


def kernel(x, edge_index, Wl0, Wr0, b0, Wl1, Wr1, b1, Wl2, Wr2, b2, R):
    f32 = jnp.float32
    npad = E_PAD - E
    pad_iota = jnp.arange(npad, dtype=jnp.int32)
    src = jnp.concatenate([edge_index[0], pad_iota % N])
    dst = jnp.concatenate([edge_index[1], N + pad_iota % NJUNK])
    zero2_128 = jnp.zeros((N, 128), f32)
    zero2_16 = jnp.zeros((N, 16), f32)
    zero1 = jnp.zeros((N + NJUNK,), f32)

    w0 = jnp.concatenate([Wl0.T, Wr0.T], axis=1)
    w1 = jnp.concatenate([Wl1.T, Wr1.T], axis=1)
    wl2p = jnp.pad(Wl2.T, ((0, 0), (0, 3)))
    wr2p = jnp.pad(Wr2.T, ((0, 0), (0, 3)))
    w2 = jnp.concatenate([wl2p, wr2p], axis=1)
    b0r = b0.reshape(1, 128)
    b1r = b1.reshape(1, 128)
    b2r = jnp.pad(b2, (0, 3)).reshape(1, 16)
    Rp = jnp.pad(R, ((0, 3), (0, 3)))

    z0, s0 = pl.pallas_call(
        _mm_body,
        grid=(GRID,),
        in_specs=[_row_spec(128), pl.BlockSpec((128, 256), lambda i: (0, 0))],
        out_specs=[_row_spec(128), _row_spec(128)],
        out_shape=[jax.ShapeDtypeStruct((N, 128), f32)] * 2,
    )(x, w0)

    part0, degp = _sc_agg_deg128(z0, src, dst, zero2_128, zero1)
    degt = degp[:, :N].T

    z1, s1, rdeg = pl.pallas_call(
        _layer1_body,
        grid=(GRID,),
        in_specs=[
            pl.BlockSpec((1, BM, 128), lambda i: (0, i, 0)),
            pl.BlockSpec((1, BM, 128), lambda i: (1, i, 0)),
            _row_spec(2),
            _row_spec(128),
            pl.BlockSpec((1, 128), lambda i: (0, 0)),
            pl.BlockSpec((128, 256), lambda i: (0, 0)),
        ],
        out_specs=[_row_spec(128), _row_spec(128), _row_spec(1)],
        out_shape=[jax.ShapeDtypeStruct((N, 128), f32),
                   jax.ShapeDtypeStruct((N, 128), f32),
                   jax.ShapeDtypeStruct((N, 1), f32)],
    )(part0, part0, degt, s0, b0r, w1)
    part1 = _sc_agg128(z1, src, dst, zero2_128)[0]

    z2, s2 = pl.pallas_call(
        _layer_body,
        grid=(GRID,),
        in_specs=[
            pl.BlockSpec((1, BM, 128), lambda i: (0, i, 0)),
            pl.BlockSpec((1, BM, 128), lambda i: (1, i, 0)),
            _row_spec(1),
            _row_spec(128),
            pl.BlockSpec((1, 128), lambda i: (0, 0)),
            pl.BlockSpec((128, 32), lambda i: (0, 0)),
        ],
        out_specs=[_row_spec(16), _row_spec(16)],
        out_shape=[jax.ShapeDtypeStruct((N, 16), f32),
                   jax.ShapeDtypeStruct((N, 16), f32)],
    )(part1, part1, rdeg, s1, b1r, w2)
    part2 = _sc_agg16(z2, src, dst, zero2_16)[0]

    out = pl.pallas_call(
        _final_body,
        grid=(GRID,),
        in_specs=[
            pl.BlockSpec((1, BM, 16), lambda i: (0, i, 0)),
            pl.BlockSpec((1, BM, 16), lambda i: (1, i, 0)),
            _row_spec(1),
            _row_spec(16),
            pl.BlockSpec((1, 16), lambda i: (0, 0)),
            pl.BlockSpec((16, 16), lambda i: (0, 0)),
        ],
        out_specs=_row_spec(13),
        out_shape=jax.ShapeDtypeStruct((N, 13), f32),
    )(part2, part2, rdeg, s2, b2r, Rp)
    return out

# --- scband reference (transcript-rebuilt; emitter-appended) ---
"""Pipeline reference for scband-hcfcsage-34763465294563 (READ-ONLY COPY).

The authoritative reference and input builder live on the scoring server;
editing this copy changes nothing except your own understanding.
"""

import jax, jax.numpy as jnp
import numpy as np

N_NODES = 10000
N_EDGES = 320000
D_IN = 128
D_H = 128
D_OUT = 13


def setup_inputs(seed: int = 0) -> dict:
    key = jax.random.key(seed)
    ks = jax.random.split(key, 12)
    x = jax.random.normal(ks[0], (N_NODES, D_IN), dtype=jnp.float32)
    edge_index = jax.random.randint(ks[1], (2, N_EDGES), 0, N_NODES, dtype=jnp.int32)
    # SAGEConv parameters (PyG convention: lin_l applied to aggregated neighbors
    # with bias, lin_r applied to root features without bias).
    def lin(k, out_d, in_d):
        s = 1.0 / np.sqrt(in_d)
        return jax.random.uniform(k, (out_d, in_d), dtype=jnp.float32, minval=-s, maxval=s)
    Wl0 = lin(ks[2], D_H, D_IN)
    Wr0 = lin(ks[3], D_H, D_IN)
    b0 = jnp.zeros((D_H,), dtype=jnp.float32)
    Wl1 = lin(ks[4], D_H, D_H)
    Wr1 = lin(ks[5], D_H, D_H)
    b1 = jnp.zeros((D_H,), dtype=jnp.float32)
    Wl2 = lin(ks[6], D_OUT, D_H)
    Wr2 = lin(ks[7], D_OUT, D_H)
    b2 = jnp.zeros((D_OUT,), dtype=jnp.float32)
    R = jnp.eye(D_OUT, dtype=jnp.float32)  # hierarchy ancestry matrix (identity placeholder)
    return {"x": x, "edge_index": edge_index, "Wl0": Wl0, "Wr0": Wr0, "b0": b0,
            "Wl1": Wl1, "Wr1": Wr1, "b1": b1, "Wl2": Wl2, "Wr2": Wr2, "b2": b2, "R": R}


def _sage_conv(x, edge_index, Wl, Wr, b):
    src = edge_index[0]
    dst = edge_index[1]
    n = x.shape[0]
    msgs = jnp.take(x, src, axis=0)                      # gather
    agg = jax.ops.segment_sum(msgs, dst, num_segments=n)  # scatter-add
    deg = jax.ops.segment_sum(jnp.ones((edge_index.shape[1],), x.dtype), dst, num_segments=n)
    agg = agg / jnp.clip(deg, 1.0)[:, None]              # mean aggregation
    return agg @ Wl.T + b + x @ Wr.T


def _get_constr_out(x, R):
    # out[b, i] = max_j R[i, j] * x[b, j]
    return jnp.max(R[None, :, :] * x[:, None, :], axis=2)


def reference(x, edge_index, Wl0, Wr0, b0, Wl1, Wr1, b1, Wl2, Wr2, b2, R):
    h = _sage_conv(x, edge_index, Wl0, Wr0, b0)
    h = jax.nn.relu(h)  # dropout is identity in eval mode
    h = _sage_conv(h, edge_index, Wl1, Wr1, b1)
    h = jax.nn.relu(h)
    h = _sage_conv(h, edge_index, Wl2, Wr2, b2)
    h = jax.nn.sigmoid(h)
    return _get_constr_out(h, R)

if __name__ == "__main__":
    import jax
    _d = setup_inputs()
    print(jax.jit(kernel)(*tuple(_d.values())))

</pallas_src>

<mosaic_0001>
#map = affine_map<(d0, d1) -> (0, 0)>
#map1 = affine_map<(d0, d1) -> (0)>
#map2 = affine_map<(d0, d1) -> (0, 0, 0)>
module attributes {stable_mosaic.version = 14 : i64} {
  func.func @body(%arg0: i32, %arg1: i32, %arg2: memref<10000x16xf32, #tpu.memory_space<hbm>>, %arg3: memref<327680xi32, #tpu.memory_space<hbm>>, %arg4: memref<327680xi32, #tpu.memory_space<hbm>>, %arg5: memref<10000x16xf32, #tpu.memory_space<hbm>>, %arg6: memref<2x10000x16xf32, #tpu.memory_space<hbm>>, %arg7: memref<128xi32, #tpu.memory_space<vmem>>, %arg8: memref<128xi32, #tpu.memory_space<vmem>>, %arg9: memref<128xi32, #tpu.memory_space<vmem>>, %arg10: memref<128xi32, #tpu.memory_space<vmem>>, %arg11: memref<128xi32, #tpu.memory_space<vmem>>, %arg12: memref<128xi32, #tpu.memory_space<vmem>>, %arg13: memref<128xi32, #tpu.memory_space<vmem>>, %arg14: memref<128xi32, #tpu.memory_space<vmem>>, %arg15: memref<128x16xf32, #tpu.memory_space<vmem>>, %arg16: memref<128x16xf32, #tpu.memory_space<vmem>>, %arg17: memref<128x16xf32, #tpu.memory_space<vmem>>, %arg18: memref<128x16xf32, #tpu.memory_space<vmem>>, %arg19: memref<10008x16xf32, #tpu.memory_space<vmem_shared>>, %arg20: memref<!tpu.dma_semaphore, #tpu.memory_space<semaphore_mem>>, %arg21: memref<!tpu.dma_semaphore, #tpu.memory_space<semaphore_mem>>, %arg22: memref<!tpu.dma_semaphore, #tpu.memory_space<semaphore_mem>>, %arg23: memref<!tpu.dma_semaphore, #tpu.memory_space<semaphore_mem>>, %arg24: memref<!tpu.dma_semaphore, #tpu.memory_space<semaphore_mem>>, %arg25: memref<!tpu.dma_semaphore, #tpu.memory_space<semaphore_mem>>, %arg26: memref<!tpu.dma_semaphore, #tpu.memory_space<semaphore_mem>>, %arg27: memref<!tpu.dma_semaphore, #tpu.memory_space<semaphore_mem>>, %arg28: memref<!tpu.dma_semaphore, #tpu.memory_space<semaphore_mem>>, %arg29: memref<!tpu.dma_semaphore, #tpu.memory_space<semaphore_mem>>, %arg30: memref<!tpu.dma_semaphore, #tpu.memory_space<semaphore_mem>>, %arg31: memref<!tpu.dma_semaphore, #tpu.memory_space<semaphore_mem>>, %arg32: memref<!tpu.dma_semaphore, #tpu.memory_space<semaphore_mem>>, %arg33: memref<!tpu.dma_semaphore, #tpu.memory_space<semaphore_mem>>, %arg34: memref<!tpu.dma_semaphore, #tpu.memory_space<semaphore_mem>>, %arg35: memref<!tpu.dma_semaphore, #tpu.memory_space<semaphore_mem>>) attributes {dimension_semantics = [#tpu.dimension_semantics<core_parallel>, #tpu.dimension_semantics<subcore_parallel>], iteration_bounds = array<i64: 2, 16>, scalar_prefetch = 0 : i64, scratch_operands = 29 : i64, tpu.core_type = #tpu.core_type<sc_vector_subcore>, window_params = [{transform_indices = #map}, {transform_indices = #map1}, {transform_indices = #map1}, {transform_indices = #map}, {transform_indices = #map2}]} {
    %mul3A = arith.constant 2 : i32
    %mul3A_0 = arith.muli %arg1, %mul3A : i32
    %add3A = arith.addi %mul3A_0, %arg0 : i32
    %mul3A_1 = arith.constant 80 : i32
    %mul3A_2 = arith.muli %add3A, %mul3A_1 : i32
    %mul3A_3 = arith.constant 128 : i32
    %mul3A_4 = arith.muli %mul3A_2, %mul3A_3 : i32
    %add3A_5 = arith.constant 0 : i32
    %add3A_6 = arith.addi %mul3A_4, %add3A_5 : i32
    %dma_start3A = tpu.memref_slice %arg3[%add3A_6] : memref<327680xi32, #tpu.memory_space<hbm>> -> memref<128xi32, #tpu.memory_space<hbm>>
    %dma_start3A_7 = tpu.memref_slice %arg3[%add3A_6] : memref<327680xi32, #tpu.memory_space<hbm>> -> memref<128xi32, #tpu.memory_space<hbm>>
    tpu.enqueue_dma source(%dma_start3A_7 : memref<128xi32, #tpu.memory_space<hbm>>) target(%arg7 : memref<128xi32, #tpu.memory_space<vmem>>) target_semaphore(%arg20 : memref<!tpu.dma_semaphore, #tpu.memory_space<semaphore_mem>>)
    %add3A_8 = arith.constant 128 : i32
    %add3A_9 = arith.addi %mul3A_4, %add3A_8 : i32
    %dma_start3A_10 = tpu.memref_slice %arg3[%add3A_9] : memref<327680xi32, #tpu.memory_space<hbm>> -> memref<128xi32, #tpu.memory_space<hbm>>
    %dma_start3A_11 = tpu.memref_slice %arg3[%add3A_9] : memref<327680xi32, #tpu.memory_space<hbm>> -> memref<128xi32, #tpu.memory_space<hbm>>
    tpu.enqueue_dma source(%dma_start3A_11 : memref<128xi32, #tpu.memory_space<hbm>>) target(%arg8 : memref<128xi32, #tpu.memory_space<vmem>>) target_semaphore(%arg21 : memref<!tpu.dma_semaphore, #tpu.memory_space<semaphore_mem>>)
    %add3A_12 = arith.constant 256 : i32
    %add3A_13 = arith.addi %mul3A_4, %add3A_12 : i32
    %dma_start3A_14 = tpu.memref_slice %arg3[%add3A_13] : memref<327680xi32, #tpu.memory_space<hbm>> -> memref<128xi32, #tpu.memory_space<hbm>>
    %dma_start3A_15 = tpu.memref_slice %arg3[%add3A_13] : memref<327680xi32, #tpu.memory_space<hbm>> -> memref<128xi32, #tpu.memory_space<hbm>>
    tpu.enqueue_dma source(%dma_start3A_15 : memref<128xi32, #tpu.memory_space<hbm>>) target(%arg9 : memref<128xi32, #tpu.memory_space<vmem>>) target_semaphore(%arg22 : memref<!tpu.dma_semaphore, #tpu.memory_space<semaphore_mem>>)
    %add3A_16 = arith.constant 384 : i32
    %add3A_17 = arith.addi %mul3A_4, %add3A_16 : i32
    %dma_start3A_18 = tpu.memref_slice %arg3[%add3A_17] : memref<327680xi32, #tpu.memory_space<hbm>> -> memref<128xi32, #tpu.memory_space<hbm>>
    %dma_start3A_19 = tpu.memref_slice %arg3[%add3A_17] : memref<327680xi32, #tpu.memory_space<hbm>> -> memref<128xi32, #tpu.memory_space<hbm>>
    tpu.enqueue_dma source(%dma_start3A_19 : memref<128xi32, #tpu.memory_space<hbm>>) target(%arg10 : memref<128xi32, #tpu.memory_space<vmem>>) target_semaphore(%arg23 : memref<!tpu.dma_semaphore, #tpu.memory_space<semaphore_mem>>)
    %add3A_20 = arith.constant 0 : i32
    %add3A_21 = arith.addi %mul3A_4, %add3A_20 : i32
    %dma_start3A_22 = tpu.memref_slice %arg4[%add3A_21] : memref<327680xi32, #tpu.memory_space<hbm>> -> memref<128xi32, #tpu.memory_space<hbm>>
    %dma_start3A_23 = tpu.memref_slice %arg4[%add3A_21] : memref<327680xi32, #tpu.memory_space<hbm>> -> memref<128xi32, #tpu.memory_space<hbm>>
    tpu.enqueue_dma source(%dma_start3A_23 : memref<128xi32, #tpu.memory_space<hbm>>) target(%arg11 : memref<128xi32, #tpu.memory_space<vmem>>) target_semaphore(%arg24 : memref<!tpu.dma_semaphore, #tpu.memory_space<semaphore_mem>>)
    %add3A_24 = arith.constant 128 : i32
    %add3A_25 = arith.addi %mul3A_4, %add3A_24 : i32
    %dma_start3A_26 = tpu.memref_slice %arg4[%add3A_25] : memref<327680xi32, #tpu.memory_space<hbm>> -> memref<128xi32, #tpu.memory_space<hbm>>
    %dma_start3A_27 = tpu.memref_slice %arg4[%add3A_25] : memref<327680xi32, #tpu.memory_space<hbm>> -> memref<128xi32, #tpu.memory_space<hbm>>
    tpu.enqueue_dma source(%dma_start3A_27 : memref<128xi32, #tpu.memory_space<hbm>>) target(%arg12 : memref<128xi32, #tpu.memory_space<vmem>>) target_semaphore(%arg25 : memref<!tpu.dma_semaphore, #tpu.memory_space<semaphore_mem>>)
    %dma_wait3A = arith.constant 0 : i32
    %dma_wait3A_28 = tpu.memref_slice %arg3[%dma_wait3A] : memref<327680xi32, #tpu.memory_space<hbm>> -> memref<128xi32, #tpu.memory_space<hbm>>
    %dma_wait3A_29 = arith.constant 0 : i32
    %dma_wait3A_30 = tpu.memref_slice %arg3[%dma_wait3A_29] : memref<327680xi32, #tpu.memory_space<hbm>> -> memref<128xi32, #tpu.memory_space<hbm>>
    tpu.wait_dma2 semaphore(%arg20 : memref<!tpu.dma_semaphore, #tpu.memory_space<semaphore_mem>>) src(%dma_wait3A_30 : memref<128xi32, #tpu.memory_space<hbm>>) dst(%arg7 : memref<128xi32, #tpu.memory_space<vmem>>)
    %dma_start3A_31 = arith.constant 0 : i32
    %dma_start3A_32 = arith.constant 0 : i32
    %dma_start3A_33 = tpu.memref_slice %arg2[%dma_start3A_31, %dma_start3A_32] : memref<10000x16xf32, #tpu.memory_space<hbm>> -> memref<10000x16xf32, #tpu.memory_space<hbm>>
    tpu.enqueue_indirect_dma source(%dma_start3A_33 : memref<10000x16xf32, #tpu.memory_space<hbm>>) target(%arg15 : memref<128x16xf32, #tpu.memory_space<vmem>>) offsets(%arg7 : memref<128xi32, #tpu.memory_space<vmem>>) semaphore(%arg28 : memref<!tpu.dma_semaphore, #tpu.memory_space<semaphore_mem>>)
    %dma_wait3A_34 = arith.constant 0 : i32
    %dma_wait3A_35 = tpu.memref_slice %arg3[%dma_wait3A_34] : memref<327680xi32, #tpu.memory_space<hbm>> -> memref<128xi32, #tpu.memory_space<hbm>>
    %dma_wait3A_36 = arith.constant 0 : i32
    %dma_wait3A_37 = tpu.memref_slice %arg3[%dma_wait3A_36] : memref<327680xi32, #tpu.memory_space<hbm>> -> memref<128xi32, #tpu.memory_space<hbm>>
    tpu.wait_dma2 semaphore(%arg21 : memref<!tpu.dma_semaphore, #tpu.memory_space<semaphore_mem>>) src(%dma_wait3A_37 : memref<128xi32, #tpu.memory_space<hbm>>) dst(%arg8 : memref<128xi32, #tpu.memory_space<vmem>>)
    %dma_start3A_38 = arith.constant 0 : i32
    %dma_start3A_39 = arith.constant 0 : i32
    %dma_start3A_40 = tpu.memref_slice %arg2[%dma_start3A_38, %dma_start3A_39] : memref<10000x16xf32, #tpu.memory_space<hbm>> -> memref<10000x16xf32, #tpu.memory_space<hbm>>
    tpu.enqueue_indirect_dma source(%dma_start3A_40 : memref<10000x16xf32, #tpu.memory_space<hbm>>) target(%arg16 : memref<128x16xf32, #tpu.memory_space<vmem>>) offsets(%arg8 : memref<128xi32, #tpu.memory_space<vmem>>) semaphore(%arg29 : memref<!tpu.dma_semaphore, #tpu.memory_space<semaphore_mem>>)
    %lt3A = arith.constant 15 : i32
    %lt3A_41 = arith.cmpi slt, %arg1, %lt3A : i32
    %convert_element_type3A = arith.extui %lt3A_41 : i1 to i32
    %cond3A = arith.constant 0 : i32
    %cond3A_42 = arith.cmpi ne, %convert_element_type3A, %cond3A : i32
    scf.if %cond3A_42 {
      %mul3A_75 = arith.constant 632 : i32
      %mul3A_76 = arith.muli %arg1, %mul3A_75 : i32
      %mul3A_77 = arith.constant 632 : i32
      %mul3A_78 = arith.muli %arg1, %mul3A_77 : i32
      "tpu.region"() ({
        %run_scoped3A = tpu.sem_alloc : memref<!tpu.dma_semaphore, #tpu.memory_space<semaphore_mem>>
        %dma_start3A_79 = arith.constant 0 : i32
        %dma_start3A_80 = tpu.memref_slice %arg19[%mul3A_78, %dma_start3A_79] : memref<10008x16xf32, #tpu.memory_space<vmem_shared>> -> memref<632x16xf32, #tpu.memory_space<vmem_shared>>
        %dma_start3A_81 = arith.constant 0 : i32
        %dma_start3A_82 = tpu.memref_slice %arg5[%mul3A_76, %dma_start3A_81] : memref<10000x16xf32, #tpu.memory_space<hbm>> -> memref<632x16xf32, #tpu.memory_space<hbm>>
        tpu.enqueue_dma source(%dma_start3A_82 : memref<632x16xf32, #tpu.memory_space<hbm>>) target(%dma_start3A_80 : memref<632x16xf32, #tpu.memory_space<vmem_shared>>) target_semaphore(%run_scoped3A : memref<!tpu.dma_semaphore, #tpu.memory_space<semaphore_mem>>)
        %dma_wait3A_83 = arith.constant 0 : i32
        %dma_wait3A_84 = tpu.memref_slice %arg19[%mul3A_78, %dma_wait3A_83] : memref<10008x16xf32, #tpu.memory_space<vmem_shared>> -> memref<632x16xf32, #tpu.memory_space<vmem_shared>>
        %dma_wait3A_85 = arith.constant 0 : i32
        %dma_wait3A_86 = tpu.memref_slice %arg5[%mul3A_76, %dma_wait3A_85] : memref<10000x16xf32, #tpu.memory_space<hbm>> -> memref<632x16xf32, #tpu.memory_space<hbm>>
        tpu.wait_dma2 semaphore(%run_scoped3A : memref<!tpu.dma_semaphore, #tpu.memory_space<semaphore_mem>>) src(%dma_wait3A_86 : memref<632x16xf32, #tpu.memory_space<hbm>>) dst(%dma_wait3A_84 : memref<632x16xf32, #tpu.memory_space<vmem_shared>>)
        tpu.yield
      }) : () -> ()
    } else {
    }
    %eq3A = arith.constant 15 : i32
    %eq3A_43 = arith.cmpi eq, %arg1, %eq3A : i32
    %convert_element_type3A_44 = arith.extui %eq3A_43 : i1 to i32
    %cond3A_45 = arith.constant 0 : i32
    %cond3A_46 = arith.cmpi ne, %convert_element_type3A_44, %cond3A_45 : i32
    scf.if %cond3A_46 {
      "tpu.region"() ({
        %run_scoped3A = tpu.sem_alloc : memref<!tpu.dma_semaphore, #tpu.memory_space<semaphore_mem>>
        %dma_start3A_75 = arith.constant 9480 : i32
        %dma_start3A_76 = arith.constant 0 : i32
        %dma_start3A_77 = tpu.memref_slice %arg19[%dma_start3A_75, %dma_start3A_76] : memref<10008x16xf32, #tpu.memory_space<vmem_shared>> -> memref<520x16xf32, #tpu.memory_space<vmem_shared>>
        %dma_start3A_78 = arith.constant 9480 : i32
        %dma_start3A_79 = arith.constant 0 : i32
        %dma_start3A_80 = tpu.memref_slice %arg5[%dma_start3A_78, %dma_start3A_79] : memref<10000x16xf32, #tpu.memory_space<hbm>> -> memref<520x16xf32, #tpu.memory_space<hbm>>
        tpu.enqueue_dma source(%dma_start3A_80 : memref<520x16xf32, #tpu.memory_space<hbm>>) target(%dma_start3A_77 : memref<520x16xf32, #tpu.memory_space<vmem_shared>>) target_semaphore(%run_scoped3A : memref<!tpu.dma_semaphore, #tpu.memory_space<semaphore_mem>>)
        %dma_wait3A_81 = arith.constant 9480 : i32
        %dma_wait3A_82 = arith.constant 0 : i32
        %dma_wait3A_83 = tpu.memref_slice %arg19[%dma_wait3A_81, %dma_wait3A_82] : memref<10008x16xf32, #tpu.memory_space<vmem_shared>> -> memref<520x16xf32, #tpu.memory_space<vmem_shared>>
        %dma_wait3A_84 = arith.constant 9480 : i32
        %dma_wait3A_85 = arith.constant 0 : i32
        %dma_wait3A_86 = tpu.memref_slice %arg5[%dma_wait3A_84, %dma_wait3A_85] : memref<10000x16xf32, #tpu.memory_space<hbm>> -> memref<520x16xf32, #tpu.memory_space<hbm>>
        tpu.wait_dma2 semaphore(%run_scoped3A : memref<!tpu.dma_semaphore, #tpu.memory_space<semaphore_mem>>) src(%dma_wait3A_86 : memref<520x16xf32, #tpu.memory_space<hbm>>) dst(%dma_wait3A_83 : memref<520x16xf32, #tpu.memory_space<vmem_shared>>)
        tpu.yield
      }) : () -> ()
    } else {
    }
    %barrier3A = arith.constant 0 : index
    tpu.barrier barrier_id(%barrier3A)
    %scan3A = arith.constant 0 : i32
    %scan3A_47 = arith.constant 0 : i32
    %scan3A_48 = arith.constant 20 : i32
    %scan3A_49 = arith.addi %scan3A_47, %scan3A_48 : i32
    %scan3A_50 = arith.constant 1 : i32
    scf.for %scan3A_75 = %scan3A_47 to %scan3A_49 step %scan3A_50  : i32 {
      %mul3A_76 = arith.constant 4 : i32
      %mul3A_77 = arith.muli %scan3A_75, %mul3A_76 : i32
      %add3A_78 = arith.constant 0 : i32
      %add3A_79 = arith.addi %mul3A_77, %add3A_78 : i32
      %gt3A = arith.constant 0 : i32
      %gt3A_80 = arith.cmpi sgt, %scan3A_75, %gt3A : i32
      %convert_element_type3A_81 = arith.extui %gt3A_80 : i1 to i32
      %cond3A_82 = arith.constant 0 : i32
      %cond3A_83 = arith.cmpi ne, %convert_element_type3A_81, %cond3A_82 : i32
      scf.if %cond3A_83 {
        %dma_wait3A_193 = arith.constant 0 : i32
        %dma_wait3A_194 = arith.constant 0 : i32
        %dma_wait3A_195 = tpu.memref_slice %arg19[%dma_wait3A_193, %dma_wait3A_194] : memref<10008x16xf32, #tpu.memory_space<vmem_shared>> -> memref<10008x16xf32, #tpu.memory_space<vmem_shared>>
        tpu.wait_indirect_dma semaphore(%arg34 : memref<!tpu.dma_semaphore, #tpu.memory_space<semaphore_mem>>) src(%arg17 : memref<128x16xf32, #tpu.memory_space<vmem>>) dst(%dma_wait3A_195 : memref<10008x16xf32, #tpu.memory_space<vmem_shared>>)
        %add3A_196 = arith.constant 2 : i32
        %add3A_197 = arith.addi %add3A_79, %add3A_196 : i32
        %mul3A_198 = arith.constant 128 : i32
        %mul3A_199 = arith.muli %add3A_197, %mul3A_198 : i32
        %add3A_200 = arith.addi %mul3A_4, %mul3A_199 : i32
        %dma_start3A_201 = tpu.memref_slice %arg4[%add3A_200] : memref<327680xi32, #tpu.memory_space<hbm>> -> memref<128xi32, #tpu.memory_space<hbm>>
        %dma_start3A_202 = tpu.memref_slice %arg4[%add3A_200] : memref<327680xi32, #tpu.memory_space<hbm>> -> memref<128xi32, #tpu.memory_space<hbm>>
        tpu.enqueue_dma source(%dma_start3A_202 : memref<128xi32, #tpu.memory_space<hbm>>) target(%arg13 : memref<128xi32, #tpu.memory_space<vmem>>) target_semaphore(%arg26 : memref<!tpu.dma_semaphore, #tpu.memory_space<semaphore_mem>>)
        %dma_wait3A_203 = arith.constant 0 : i32
        %dma_wait3A_204 = tpu.memref_slice %arg3[%dma_wait3A_203] : memref<327680xi32, #tpu.memory_space<hbm>> -> memref<128xi32, #tpu.memory_space<hbm>>
        %dma_wait3A_205 = arith.constant 0 : i32
        %dma_wait3A_206 = tpu.memref_slice %arg3[%dma_wait3A_205] : memref<327680xi32, #tpu.memory_space<hbm>> -> memref<128xi32, #tpu.memory_space<hbm>>
        tpu.wait_dma2 semaphore(%arg22 : memref<!tpu.dma_semaphore, #tpu.memory_space<semaphore_mem>>) src(%dma_wait3A_206 : memref<128xi32, #tpu.memory_space<hbm>>) dst(%arg9 : memref<128xi32, #tpu.memory_space<vmem>>)
        %dma_start3A_207 = arith.constant 0 : i32
        %dma_start3A_208 = arith.constant 0 : i32
        %dma_start3A_209 = tpu.memref_slice %arg2[%dma_start3A_207, %dma_start3A_208] : memref<10000x16xf32, #tpu.memory_space<hbm>> -> memref<10000x16xf32, #tpu.memory_space<hbm>>
        tpu.enqueue_indirect_dma source(%dma_start3A_209 : memref<10000x16xf32, #tpu.memory_space<hbm>>) target(%arg17 : memref<128x16xf32, #tpu.memory_space<vmem>>) offsets(%arg9 : memref<128xi32, #tpu.memory_space<vmem>>) semaphore(%arg30 : memref<!tpu.dma_semaphore, #tpu.memory_space<semaphore_mem>>)
      } else {
      }
      %eq3A_84 = arith.constant 0 : i32
      %eq3A_85 = arith.cmpi eq, %scan3A_75, %eq3A_84 : i32
      %convert_element_type3A_86 = arith.extui %eq3A_85 : i1 to i32
      %cond3A_87 = arith.constant 0 : i32
      %cond3A_88 = arith.cmpi ne, %convert_element_type3A_86, %cond3A_87 : i32
      scf.if %cond3A_88 {
        %add3A_193 = arith.constant 2 : i32
        %add3A_194 = arith.addi %add3A_79, %add3A_193 : i32
        %mul3A_195 = arith.constant 128 : i32
        %mul3A_196 = arith.muli %add3A_194, %mul3A_195 : i32
        %add3A_197 = arith.addi %mul3A_4, %mul3A_196 : i32
        %dma_start3A_198 = tpu.memref_slice %arg4[%add3A_197] : memref<327680xi32, #tpu.memory_space<hbm>> -> memref<128xi32, #tpu.memory_space<hbm>>
        %dma_start3A_199 = tpu.memref_slice %arg4[%add3A_197] : memref<327680xi32, #tpu.memory_space<hbm>> -> memref<128xi32, #tpu.memory_space<hbm>>
        tpu.enqueue_dma source(%dma_start3A_199 : memref<128xi32, #tpu.memory_space<hbm>>) target(%arg13 : memref<128xi32, #tpu.memory_space<vmem>>) target_semaphore(%arg26 : memref<!tpu.dma_semaphore, #tpu.memory_space<semaphore_mem>>)
        %dma_wait3A_200 = arith.constant 0 : i32
        %dma_wait3A_201 = tpu.memref_slice %arg3[%dma_wait3A_200] : memref<327680xi32, #tpu.memory_space<hbm>> -> memref<128xi32, #tpu.memory_space<hbm>>
        %dma_wait3A_202 = arith.constant 0 : i32
        %dma_wait3A_203 = tpu.memref_slice %arg3[%dma_wait3A_202] : memref<327680xi32, #tpu.memory_space<hbm>> -> memref<128xi32, #tpu.memory_space<hbm>>
        tpu.wait_dma2 semaphore(%arg22 : memref<!tpu.dma_semaphore, #tpu.memory_space<semaphore_mem>>) src(%dma_wait3A_203 : memref<128xi32, #tpu.memory_space<hbm>>) dst(%arg9 : memref<128xi32, #tpu.memory_space<vmem>>)
        %dma_start3A_204 = arith.constant 0 : i32
        %dma_start3A_205 = arith.constant 0 : i32
        %dma_start3A_206 = tpu.memref_slice %arg2[%dma_start3A_204, %dma_start3A_205] : memref<10000x16xf32, #tpu.memory_space<hbm>> -> memref<10000x16xf32, #tpu.memory_space<hbm>>
        tpu.enqueue_indirect_dma source(%dma_start3A_206 : memref<10000x16xf32, #tpu.memory_space<hbm>>) target(%arg17 : memref<128x16xf32, #tpu.memory_space<vmem>>) offsets(%arg9 : memref<128xi32, #tpu.memory_space<vmem>>) semaphore(%arg30 : memref<!tpu.dma_semaphore, #tpu.memory_space<semaphore_mem>>)
      } else {
      }
      %dma_wait3A_89 = arith.constant 0 : i32
      %dma_wait3A_90 = arith.constant 0 : i32
      %dma_wait3A_91 = tpu.memref_slice %arg2[%dma_wait3A_89, %dma_wait3A_90] : memref<10000x16xf32, #tpu.memory_space<hbm>> -> memref<128x16xf32, #tpu.memory_space<hbm>>
      %dma_wait3A_92 = arith.constant 0 : i32
      %dma_wait3A_93 = arith.constant 0 : i32
      %dma_wait3A_94 = tpu.memref_slice %arg2[%dma_wait3A_92, %dma_wait3A_93] : memref<10000x16xf32, #tpu.memory_space<hbm>> -> memref<128x16xf32, #tpu.memory_space<hbm>>
      tpu.wait_dma2 semaphore(%arg28 : memref<!tpu.dma_semaphore, #tpu.memory_space<semaphore_mem>>) src(%dma_wait3A_94 : memref<128x16xf32, #tpu.memory_space<hbm>>) dst(%arg15 : memref<128x16xf32, #tpu.memory_space<vmem>>)
      %lt3A_95 = arith.constant 19 : i32
      %lt3A_96 = arith.cmpi slt, %scan3A_75, %lt3A_95 : i32
      %convert_element_type3A_97 = arith.extui %lt3A_96 : i1 to i32
      %cond3A_98 = arith.constant 0 : i32
      %cond3A_99 = arith.cmpi ne, %convert_element_type3A_97, %cond3A_98 : i32
      scf.if %cond3A_99 {
        %mul3A_193 = arith.constant 4 : i32
        %mul3A_194 = arith.muli %scan3A_75, %mul3A_193 : i32
        %add3A_195 = arith.constant 0 : i32
        %add3A_196 = arith.addi %mul3A_194, %add3A_195 : i32
        %add3A_197 = arith.constant 4 : i32
        %add3A_198 = arith.addi %add3A_196, %add3A_197 : i32
        %mul3A_199 = arith.constant 128 : i32
        %mul3A_200 = arith.muli %add3A_198, %mul3A_199 : i32
        %add3A_201 = arith.addi %mul3A_4, %mul3A_200 : i32
        %dma_start3A_202 = tpu.memref_slice %arg3[%add3A_201] : memref<327680xi32, #tpu.memory_space<hbm>> -> memref<128xi32, #tpu.memory_space<hbm>>
        %dma_start3A_203 = tpu.memref_slice %arg3[%add3A_201] : memref<327680xi32, #tpu.memory_space<hbm>> -> memref<128xi32, #tpu.memory_space<hbm>>
        tpu.enqueue_dma source(%dma_start3A_203 : memref<128xi32, #tpu.memory_space<hbm>>) target(%arg7 : memref<128xi32, #tpu.memory_space<vmem>>) target_semaphore(%arg20 : memref<!tpu.dma_semaphore, #tpu.memory_space<semaphore_mem>>)
      } else {
      }
      %dma_wait3A_100 = arith.constant 0 : i32
      %dma_wait3A_101 = tpu.memref_slice %arg4[%dma_wait3A_100] : memref<327680xi32, #tpu.memory_space<hbm>> -> memref<128xi32, #tpu.memory_space<hbm>>
      %dma_wait3A_102 = arith.constant 0 : i32
      %dma_wait3A_103 = tpu.memref_slice %arg4[%dma_wait3A_102] : memref<327680xi32, #tpu.memory_space<hbm>> -> memref<128xi32, #tpu.memory_space<hbm>>
      tpu.wait_dma2 semaphore(%arg24 : memref<!tpu.dma_semaphore, #tpu.memory_space<semaphore_mem>>) src(%dma_wait3A_103 : memref<128xi32, #tpu.memory_space<hbm>>) dst(%arg11 : memref<128xi32, #tpu.memory_space<vmem>>)
      %dma_start3A_104 = arith.constant 0 : i32
      %dma_start3A_105 = arith.constant 0 : i32
      %dma_start3A_106 = tpu.memref_slice %arg19[%dma_start3A_104, %dma_start3A_105] : memref<10008x16xf32, #tpu.memory_space<vmem_shared>> -> memref<10008x16xf32, #tpu.memory_space<vmem_shared>>
      tpu.enqueue_indirect_dma source(%arg15 : memref<128x16xf32, #tpu.memory_space<vmem>>) target(%dma_start3A_106 : memref<10008x16xf32, #tpu.memory_space<vmem_shared>>) offsets(%arg11 : memref<128xi32, #tpu.memory_space<vmem>>) semaphore(%arg32 : memref<!tpu.dma_semaphore, #tpu.memory_space<semaphore_mem>>) {add = true}
      %mul3A_107 = arith.constant 4 : i32
      %mul3A_108 = arith.muli %scan3A_75, %mul3A_107 : i32
      %add3A_109 = arith.constant 1 : i32
      %add3A_110 = arith.addi %mul3A_108, %add3A_109 : i32
      %gt3A_111 = arith.constant 0 : i32
      %gt3A_112 = arith.cmpi sgt, %scan3A_75, %gt3A_111 : i32
      %convert_element_type3A_113 = arith.extui %gt3A_112 : i1 to i32
      %cond3A_114 = arith.constant 0 : i32
      %cond3A_115 = arith.cmpi ne, %convert_element_type3A_113, %cond3A_114 : i32
      scf.if %cond3A_115 {
        %dma_wait3A_193 = arith.constant 0 : i32
        %dma_wait3A_194 = arith.constant 0 : i32
        %dma_wait3A_195 = tpu.memref_slice %arg19[%dma_wait3A_193, %dma_wait3A_194] : memref<10008x16xf32, #tpu.memory_space<vmem_shared>> -> memref<10008x16xf32, #tpu.memory_space<vmem_shared>>
        tpu.wait_indirect_dma semaphore(%arg35 : memref<!tpu.dma_semaphore, #tpu.memory_space<semaphore_mem>>) src(%arg18 : memref<128x16xf32, #tpu.memory_space<vmem>>) dst(%dma_wait3A_195 : memref<10008x16xf32, #tpu.memory_space<vmem_shared>>)
        %add3A_196 = arith.constant 2 : i32
        %add3A_197 = arith.addi %add3A_110, %add3A_196 : i32
        %mul3A_198 = arith.constant 128 : i32
        %mul3A_199 = arith.muli %add3A_197, %mul3A_198 : i32
        %add3A_200 = arith.addi %mul3A_4, %mul3A_199 : i32
        %dma_start3A_201 = tpu.memref_slice %arg4[%add3A_200] : memref<327680xi32, #tpu.memory_space<hbm>> -> memref<128xi32, #tpu.memory_space<hbm>>
        %dma_start3A_202 = tpu.memref_slice %arg4[%add3A_200] : memref<327680xi32, #tpu.memory_space<hbm>> -> memref<128xi32, #tpu.memory_space<hbm>>
        tpu.enqueue_dma source(%dma_start3A_202 : memref<128xi32, #tpu.memory_space<hbm>>) target(%arg14 : memref<128xi32, #tpu.memory_space<vmem>>) target_semaphore(%arg27 : memref<!tpu.dma_semaphore, #tpu.memory_space<semaphore_mem>>)
        %dma_wait3A_203 = arith.constant 0 : i32
        %dma_wait3A_204 = tpu.memref_slice %arg3[%dma_wait3A_203] : memref<327680xi32, #tpu.memory_space<hbm>> -> memref<128xi32, #tpu.memory_space<hbm>>
        %dma_wait3A_205 = arith.constant 0 : i32
        %dma_wait3A_206 = tpu.memref_slice %arg3[%dma_wait3A_205] : memref<327680xi32, #tpu.memory_space<hbm>> -> memref<128xi32, #tpu.memory_space<hbm>>
        tpu.wait_dma2 semaphore(%arg23 : memref<!tpu.dma_semaphore, #tpu.memory_space<semaphore_mem>>) src(%dma_wait3A_206 : memref<128xi32, #tpu.memory_space<hbm>>) dst(%arg10 : memref<128xi32, #tpu.memory_space<vmem>>)
        %dma_start3A_207 = arith.constant 0 : i32
        %dma_start3A_208 = arith.constant 0 : i32
        %dma_start3A_209 = tpu.memref_slice %arg2[%dma_start3A_207, %dma_start3A_208] : memref<10000x16xf32, #tpu.memory_space<hbm>> -> memref<10000x16xf32, #tpu.memory_space<hbm>>
        tpu.enqueue_indirect_dma source(%dma_start3A_209 : memref<10000x16xf32, #tpu.memory_space<hbm>>) target(%arg18 : memref<128x16xf32, #tpu.memory_space<vmem>>) offsets(%arg10 : memref<128xi32, #tpu.memory_space<vmem>>) semaphore(%arg31 : memref<!tpu.dma_semaphore, #tpu.memory_space<semaphore_mem>>)
      } else {
      }
      %eq3A_116 = arith.constant 0 : i32
      %eq3A_117 = arith.cmpi eq, %scan3A_75, %eq3A_116 : i32
      %convert_element_type3A_118 = arith.extui %eq3A_117 : i1 to i32
      %cond3A_119 = arith.constant 0 : i32
      %cond3A_120 = arith.cmpi ne, %convert_element_type3A_118, %cond3A_119 : i32
      scf.if %cond3A_120 {
        %add3A_193 = arith.constant 2 : i32
        %add3A_194 = arith.addi %add3A_110, %add3A_193 : i32
        %mul3A_195 = arith.constant 128 : i32
        %mul3A_196 = arith.muli %add3A_194, %mul3A_195 : i32
        %add3A_197 = arith.addi %mul3A_4, %mul3A_196 : i32
        %dma_start3A_198 = tpu.memref_slice %arg4[%add3A_197] : memref<327680xi32, #tpu.memory_space<hbm>> -> memref<128xi32, #tpu.memory_space<hbm>>
        %dma_start3A_199 = tpu.memref_slice %arg4[%add3A_197] : memref<327680xi32, #tpu.memory_space<hbm>> -> memref<128xi32, #tpu.memory_space<hbm>>
        tpu.enqueue_dma source(%dma_start3A_199 : memref<128xi32, #tpu.memory_space<hbm>>) target(%arg14 : memref<128xi32, #tpu.memory_space<vmem>>) target_semaphore(%arg27 : memref<!tpu.dma_semaphore, #tpu.memory_space<semaphore_mem>>)
        %dma_wait3A_200 = arith.constant 0 : i32
        %dma_wait3A_201 = tpu.memref_slice %arg3[%dma_wait3A_200] : memref<327680xi32, #tpu.memory_space<hbm>> -> memref<128xi32, #tpu.memory_space<hbm>>
        %dma_wait3A_202 = arith.constant 0 : i32
        %dma_wait3A_203 = tpu.memref_slice %arg3[%dma_wait3A_202] : memref<327680xi32, #tpu.memory_space<hbm>> -> memref<128xi32, #tpu.memory_space<hbm>>
        tpu.wait_dma2 semaphore(%arg23 : memref<!tpu.dma_semaphore, #tpu.memory_space<semaphore_mem>>) src(%dma_wait3A_203 : memref<128xi32, #tpu.memory_space<hbm>>) dst(%arg10 : memref<128xi32, #tpu.memory_space<vmem>>)
        %dma_start3A_204 = arith.constant 0 : i32
        %dma_start3A_205 = arith.constant 0 : i32
        %dma_start3A_206 = tpu.memref_slice %arg2[%dma_start3A_204, %dma_start3A_205] : memref<10000x16xf32, #tpu.memory_space<hbm>> -> memref<10000x16xf32, #tpu.memory_space<hbm>>
        tpu.enqueue_indirect_dma source(%dma_start3A_206 : memref<10000x16xf32, #tpu.memory_space<hbm>>) target(%arg18 : memref<128x16xf32, #tpu.memory_space<vmem>>) offsets(%arg10 : memref<128xi32, #tpu.memory_space<vmem>>) semaphore(%arg31 : memref<!tpu.dma_semaphore, #tpu.memory_space<semaphore_mem>>)
      } else {
      }
      %dma_wait3A_121 = arith.constant 0 : i32
      %dma_wait3A_122 = arith.constant 0 : i32
      %dma_wait3A_123 = tpu.memref_slice %arg2[%dma_wait3A_121, %dma_wait3A_122] : memref<10000x16xf32, #tpu.memory_space<hbm>> -> memref<128x16xf32, #tpu.memory_space<hbm>>
      %dma_wait3A_124 = arith.constant 0 : i32
      %dma_wait3A_125 = arith.constant 0 : i32
      %dma_wait3A_126 = tpu.memref_slice %arg2[%dma_wait3A_124, %dma_wait3A_125] : memref<10000x16xf32, #tpu.memory_space<hbm>> -> memref<128x16xf32, #tpu.memory_space<hbm>>
      tpu.wait_dma2 semaphore(%arg29 : memref<!tpu.dma_semaphore, #tpu.memory_space<semaphore_mem>>) src(%dma_wait3A_126 : memref<128x16xf32, #tpu.memory_space<hbm>>) dst(%arg16 : memref<128x16xf32, #tpu.memory_space<vmem>>)
      %lt3A_127 = arith.constant 19 : i32
      %lt3A_128 = arith.cmpi slt, %scan3A_75, %lt3A_127 : i32
      %convert_element_type3A_129 = arith.extui %lt3A_128 : i1 to i32
      %cond3A_130 = arith.constant 0 : i32
      %cond3A_131 = arith.cmpi ne, %convert_element_type3A_129, %cond3A_130 : i32
      scf.if %cond3A_131 {
        %mul3A_193 = arith.constant 4 : i32
        %mul3A_194 = arith.muli %scan3A_75, %mul3A_193 : i32
        %add3A_195 = arith.constant 1 : i32
        %add3A_196 = arith.addi %mul3A_194, %add3A_195 : i32
        %add3A_197 = arith.constant 4 : i32
        %add3A_198 = arith.addi %add3A_196, %add3A_197 : i32
        %mul3A_199 = arith.constant 128 : i32
        %mul3A_200 = arith.muli %add3A_198, %mul3A_199 : i32
        %add3A_201 = arith.addi %mul3A_4, %mul3A_200 : i32
        %dma_start3A_202 = tpu.memref_slice %arg3[%add3A_201] : memref<327680xi32, #tpu.memory_space<hbm>> -> memref<128xi32, #tpu.memory_space<hbm>>
        %dma_start3A_203 = tpu.memref_slice %arg3[%add3A_201] : memref<327680xi32, #tpu.memory_space<hbm>> -> memref<128xi32, #tpu.memory_space<hbm>>
        tpu.enqueue_dma source(%dma_start3A_203 : memref<128xi32, #tpu.memory_space<hbm>>) target(%arg8 : memref<128xi32, #tpu.memory_space<vmem>>) target_semaphore(%arg21 : memref<!tpu.dma_semaphore, #tpu.memory_space<semaphore_mem>>)
      } else {
      }
      %dma_wait3A_132 = arith.constant 0 : i32
      %dma_wait3A_133 = tpu.memref_slice %arg4[%dma_wait3A_132] : memref<327680xi32, #tpu.memory_space<hbm>> -> memref<128xi32, #tpu.memory_space<hbm>>
      %dma_wait3A_134 = arith.constant 0 : i32
      %dma_wait3A_135 = tpu.memref_slice %arg4[%dma_wait3A_134] : memref<327680xi32, #tpu.memory_space<hbm>> -> memref<128xi32, #tpu.memory_space<hbm>>
      tpu.wait_dma2 semaphore(%arg25 : memref<!tpu.dma_semaphore, #tpu.memory_space<semaphore_mem>>) src(%dma_wait3A_135 : memref<128xi32, #tpu.memory_space<hbm>>) dst(%arg12 : memref<128xi32, #tpu.memory_space<vmem>>)
      %dma_start3A_136 = arith.constant 0 : i32
      %dma_start3A_137 = arith.constant 0 : i32
      %dma_start3A_138 = tpu.memref_slice %arg19[%dma_start3A_136, %dma_start3A_137] : memref<10008x16xf32, #tpu.memory_space<vmem_shared>> -> memref<10008x16xf32, #tpu.memory_space<vmem_shared>>
      tpu.enqueue_indirect_dma source(%arg16 : memref<128x16xf32, #tpu.memory_space<vmem>>) target(%dma_start3A_138 : memref<10008x16xf32, #tpu.memory_space<vmem_shared>>) offsets(%arg12 : memref<128xi32, #tpu.memory_space<vmem>>) semaphore(%arg33 : memref<!tpu.dma_semaphore, #tpu.memory_space<semaphore_mem>>) {add = true}
      %mul3A_139 = arith.constant 4 : i32
      %mul3A_140 = arith.muli %scan3A_75, %mul3A_139 : i32
      %add3A_141 = arith.constant 2 : i32
      %add3A_142 = arith.addi %mul3A_140, %add3A_141 : i32
      %lt3A_143 = arith.constant 19 : i32
      %lt3A_144 = arith.cmpi slt, %scan3A_75, %lt3A_143 : i32
      %convert_element_type3A_145 = arith.extui %lt3A_144 : i1 to i32
      %cond3A_146 = arith.constant 0 : i32
      %cond3A_147 = arith.cmpi ne, %convert_element_type3A_145, %cond3A_146 : i32
      scf.if %cond3A_147 {
        %dma_wait3A_193 = arith.constant 0 : i32
        %dma_wait3A_194 = arith.constant 0 : i32
        %dma_wait3A_195 = tpu.memref_slice %arg19[%dma_wait3A_193, %dma_wait3A_194] : memref<10008x16xf32, #tpu.memory_space<vmem_shared>> -> memref<10008x16xf32, #tpu.memory_space<vmem_shared>>
        tpu.wait_indirect_dma semaphore(%arg32 : memref<!tpu.dma_semaphore, #tpu.memory_space<semaphore_mem>>) src(%arg15 : memref<128x16xf32, #tpu.memory_space<vmem>>) dst(%dma_wait3A_195 : memref<10008x16xf32, #tpu.memory_space<vmem_shared>>)
        %add3A_196 = arith.constant 2 : i32
        %add3A_197 = arith.addi %add3A_142, %add3A_196 : i32
        %mul3A_198 = arith.constant 128 : i32
        %mul3A_199 = arith.muli %add3A_197, %mul3A_198 : i32
        %add3A_200 = arith.addi %mul3A_4, %mul3A_199 : i32
        %dma_start3A_201 = tpu.memref_slice %arg4[%add3A_200] : memref<327680xi32, #tpu.memory_space<hbm>> -> memref<128xi32, #tpu.memory_space<hbm>>
        %dma_start3A_202 = tpu.memref_slice %arg4[%add3A_200] : memref<327680xi32, #tpu.memory_space<hbm>> -> memref<128xi32, #tpu.memory_space<hbm>>
        tpu.enqueue_dma source(%dma_start3A_202 : memref<128xi32, #tpu.memory_space<hbm>>) target(%arg11 : memref<128xi32, #tpu.memory_space<vmem>>) target_semaphore(%arg24 : memref<!tpu.dma_semaphore, #tpu.memory_space<semaphore_mem>>)
        %dma_wait3A_203 = arith.constant 0 : i32
        %dma_wait3A_204 = tpu.memref_slice %arg3[%dma_wait3A_203] : memref<327680xi32, #tpu.memory_space<hbm>> -> memref<128xi32, #tpu.memory_space<hbm>>
        %dma_wait3A_205 = arith.constant 0 : i32
        %dma_wait3A_206 = tpu.memref_slice %arg3[%dma_wait3A_205] : memref<327680xi32, #tpu.memory_space<hbm>> -> memref<128xi32, #tpu.memory_space<hbm>>
        tpu.wait_dma2 semaphore(%arg20 : memref<!tpu.dma_semaphore, #tpu.memory_space<semaphore_mem>>) src(%dma_wait3A_206 : memref<128xi32, #tpu.memory_space<hbm>>) dst(%arg7 : memref<128xi32, #tpu.memory_space<vmem>>)
        %dma_start3A_207 = arith.constant 0 : i32
        %dma_start3A_208 = arith.constant 0 : i32
        %dma_start3A_209 = tpu.memref_slice %arg2[%dma_start3A_207, %dma_start3A_208] : memref<10000x16xf32, #tpu.memory_space<hbm>> -> memref<10000x16xf32, #tpu.memory_space<hbm>>
        tpu.enqueue_indirect_dma source(%dma_start3A_209 : memref<10000x16xf32, #tpu.memory_space<hbm>>) target(%arg15 : memref<128x16xf32, #tpu.memory_space<vmem>>) offsets(%arg7 : memref<128xi32, #tpu.memory_space<vmem>>) semaphore(%arg28 : memref<!tpu.dma_semaphore, #tpu.memory_space<semaphore_mem>>)
      } else {
      }
      %dma_wait3A_148 = arith.constant 0 : i32
      %dma_wait3A_149 = arith.constant 0 : i32
      %dma_wait3A_150 = tpu.memref_slice %arg2[%dma_wait3A_148, %dma_wait3A_149] : memref<10000x16xf32, #tpu.memory_space<hbm>> -> memref<128x16xf32, #tpu.memory_space<hbm>>
      %dma_wait3A_151 = arith.constant 0 : i32
      %dma_wait3A_152 = arith.constant 0 : i32
      %dma_wait3A_153 = tpu.memref_slice %arg2[%dma_wait3A_151, %dma_wait3A_152] : memref<10000x16xf32, #tpu.memory_space<hbm>> -> memref<128x16xf32, #tpu.memory_space<hbm>>
      tpu.wait_dma2 semaphore(%arg30 : memref<!tpu.dma_semaphore, #tpu.memory_space<semaphore_mem>>) src(%dma_wait3A_153 : memref<128x16xf32, #tpu.memory_space<hbm>>) dst(%arg17 : memref<128x16xf32, #tpu.memory_space<vmem>>)
      %lt3A_154 = arith.constant 19 : i32
      %lt3A_155 = arith.cmpi slt, %scan3A_75, %lt3A_154 : i32
      %convert_element_type3A_156 = arith.extui %lt3A_155 : i1 to i32
      %cond3A_157 = arith.constant 0 : i32
      %cond3A_158 = arith.cmpi ne, %convert_element_type3A_156, %cond3A_157 : i32
      scf.if %cond3A_158 {
        %mul3A_193 = arith.constant 4 : i32
        %mul3A_194 = arith.muli %scan3A_75, %mul3A_193 : i32
        %add3A_195 = arith.constant 2 : i32
        %add3A_196 = arith.addi %mul3A_194, %add3A_195 : i32
        %add3A_197 = arith.constant 4 : i32
        %add3A_198 = arith.addi %add3A_196, %add3A_197 : i32
        %mul3A_199 = arith.constant 128 : i32
        %mul3A_200 = arith.muli %add3A_198, %mul3A_199 : i32
        %add3A_201 = arith.addi %mul3A_4, %mul3A_200 : i32
        %dma_start3A_202 = tpu.memref_slice %arg3[%add3A_201] : memref<327680xi32, #tpu.memory_space<hbm>> -> memref<128xi32, #tpu.memory_space<hbm>>
        %dma_start3A_203 = tpu.memref_slice %arg3[%add3A_201] : memref<327680xi32, #tpu.memory_space<hbm>> -> memref<128xi32, #tpu.memory_space<hbm>>
        tpu.enqueue_dma source(%dma_start3A_203 : memref<128xi32, #tpu.memory_space<hbm>>) target(%arg9 : memref<128xi32, #tpu.memory_space<vmem>>) target_semaphore(%arg22 : memref<!tpu.dma_semaphore, #tpu.memory_space<semaphore_mem>>)
      } else {
      }
      %dma_wait3A_159 = arith.constant 0 : i32
      %dma_wait3A_160 = tpu.memref_slice %arg4[%dma_wait3A_159] : memref<327680xi32, #tpu.memory_space<hbm>> -> memref<128xi32, #tpu.memory_space<hbm>>
      %dma_wait3A_161 = arith.constant 0 : i32
      %dma_wait3A_162 = tpu.memref_slice %arg4[%dma_wait3A_161] : memref<327680xi32, #tpu.memory_space<hbm>> -> memref<128xi32, #tpu.memory_space<hbm>>
      tpu.wait_dma2 semaphore(%arg26 : memref<!tpu.dma_semaphore, #tpu.memory_space<semaphore_mem>>) src(%dma_wait3A_162 : memref<128xi32, #tpu.memory_space<hbm>>) dst(%arg13 : memref<128xi32, #tpu.memory_space<vmem>>)
      %dma_start3A_163 = arith.constant 0 : i32
      %dma_start3A_164 = arith.constant 0 : i32
      %dma_start3A_165 = tpu.memref_slice %arg19[%dma_start3A_163, %dma_start3A_164] : memref<10008x16xf32, #tpu.memory_space<vmem_shared>> -> memref<10008x16xf32, #tpu.memory_space<vmem_shared>>
      tpu.enqueue_indirect_dma source(%arg17 : memref<128x16xf32, #tpu.memory_space<vmem>>) target(%dma_start3A_165 : memref<10008x16xf32, #tpu.memory_space<vmem_shared>>) offsets(%arg13 : memref<128xi32, #tpu.memory_space<vmem>>) semaphore(%arg34 : memref<!tpu.dma_semaphore, #tpu.memory_space<semaphore_mem>>) {add = true}
      %mul3A_166 = arith.constant 4 : i32
      %mul3A_167 = arith.muli %scan3A_75, %mul3A_166 : i32
      %add3A_168 = arith.constant 3 : i32
      %add3A_169 = arith.addi %mul3A_167, %add3A_168 : i32
      %lt3A_170 = arith.constant 19 : i32
      %lt3A_171 = arith.cmpi slt, %scan3A_75, %lt3A_170 : i32
      %convert_element_type3A_172 = arith.extui %lt3A_171 : i1 to i32
      %cond3A_173 = arith.constant 0 : i32
      %cond3A_174 = arith.cmpi ne, %convert_element_type3A_172, %cond3A_173 : i32
      scf.if %cond3A_174 {
        %dma_wait3A_193 = arith.constant 0 : i32
        %dma_wait3A_194 = arith.constant 0 : i32
        %dma_wait3A_195 = tpu.memref_slice %arg19[%dma_wait3A_193, %dma_wait3A_194] : memref<10008x16xf32, #tpu.memory_space<vmem_shared>> -> memref<10008x16xf32, #tpu.memory_space<vmem_shared>>
        tpu.wait_indirect_dma semaphore(%arg33 : memref<!tpu.dma_semaphore, #tpu.memory_space<semaphore_mem>>) src(%arg16 : memref<128x16xf32, #tpu.memory_space<vmem>>) dst(%dma_wait3A_195 : memref<10008x16xf32, #tpu.memory_space<vmem_shared>>)
        %add3A_196 = arith.constant 2 : i32
        %add3A_197 = arith.addi %add3A_169, %add3A_196 : i32
        %mul3A_198 = arith.constant 128 : i32
        %mul3A_199 = arith.muli %add3A_197, %mul3A_198 : i32
        %add3A_200 = arith.addi %mul3A_4, %mul3A_199 : i32
        %dma_start3A_201 = tpu.memref_slice %arg4[%add3A_200] : memref<327680xi32, #tpu.memory_space<hbm>> -> memref<128xi32, #tpu.memory_space<hbm>>
        %dma_start3A_202 = tpu.memref_slice %arg4[%add3A_200] : memref<327680xi32, #tpu.memory_space<hbm>> -> memref<128xi32, #tpu.memory_space<hbm>>
        tpu.enqueue_dma source(%dma_start3A_202 : memref<128xi32, #tpu.memory_space<hbm>>) target(%arg12 : memref<128xi32, #tpu.memory_space<vmem>>) target_semaphore(%arg25 : memref<!tpu.dma_semaphore, #tpu.memory_space<semaphore_mem>>)
        %dma_wait3A_203 = arith.constant 0 : i32
        %dma_wait3A_204 = tpu.memref_slice %arg3[%dma_wait3A_203] : memref<327680xi32, #tpu.memory_space<hbm>> -> memref<128xi32, #tpu.memory_space<hbm>>
        %dma_wait3A_205 = arith.constant 0 : i32
        %dma_wait3A_206 = tpu.memref_slice %arg3[%dma_wait3A_205] : memref<327680xi32, #tpu.memory_space<hbm>> -> memref<128xi32, #tpu.memory_space<hbm>>
        tpu.wait_dma2 semaphore(%arg21 : memref<!tpu.dma_semaphore, #tpu.memory_space<semaphore_mem>>) src(%dma_wait3A_206 : memref<128xi32, #tpu.memory_space<hbm>>) dst(%arg8 : memref<128xi32, #tpu.memory_space<vmem>>)
        %dma_start3A_207 = arith.constant 0 : i32
        %dma_start3A_208 = arith.constant 0 : i32
        %dma_start3A_209 = tpu.memref_slice %arg2[%dma_start3A_207, %dma_start3A_208] : memref<10000x16xf32, #tpu.memory_space<hbm>> -> memref<10000x16xf32, #tpu.memory_space<hbm>>
        tpu.enqueue_indirect_dma source(%dma_start3A_209 : memref<10000x16xf32, #tpu.memory_space<hbm>>) target(%arg16 : memref<128x16xf32, #tpu.memory_space<vmem>>) offsets(%arg8 : memref<128xi32, #tpu.memory_space<vmem>>) semaphore(%arg29 : memref<!tpu.dma_semaphore, #tpu.memory_space<semaphore_mem>>)
      } else {
      }
      %dma_wait3A_175 = arith.constant 0 : i32
      %dma_wait3A_176 = arith.constant 0 : i32
      %dma_wait3A_177 = tpu.memref_slice %arg2[%dma_wait3A_175, %dma_wait3A_176] : memref<10000x16xf32, #tpu.memory_space<hbm>> -> memref<128x16xf32, #tpu.memory_space<hbm>>
      %dma_wait3A_178 = arith.constant 0 : i32
      %dma_wait3A_179 = arith.constant 0 : i32
      %dma_wait3A_180 = tpu.memref_slice %arg2[%dma_wait3A_178, %dma_wait3A_179] : memref<10000x16xf32, #tpu.memory_space<hbm>> -> memref<128x16xf32, #tpu.memory_space<hbm>>
      tpu.wait_dma2 semaphore(%arg31 : memref<!tpu.dma_semaphore, #tpu.memory_space<semaphore_mem>>) src(%dma_wait3A_180 : memref<128x16xf32, #tpu.memory_space<hbm>>) dst(%arg18 : memref<128x16xf32, #tpu.memory_space<vmem>>)
      %lt3A_181 = arith.constant 19 : i32
      %lt3A_182 = arith.cmpi slt, %scan3A_75, %lt3A_181 : i32
      %convert_element_type3A_183 = arith.extui %lt3A_182 : i1 to i32
      %cond3A_184 = arith.constant 0 : i32
      %cond3A_185 = arith.cmpi ne, %convert_element_type3A_183, %cond3A_184 : i32
      scf.if %cond3A_185 {
        %mul3A_193 = arith.constant 4 : i32
        %mul3A_194 = arith.muli %scan3A_75, %mul3A_193 : i32
        %add3A_195 = arith.constant 3 : i32
        %add3A_196 = arith.addi %mul3A_194, %add3A_195 : i32
        %add3A_197 = arith.constant 4 : i32
        %add3A_198 = arith.addi %add3A_196, %add3A_197 : i32
        %mul3A_199 = arith.constant 128 : i32
        %mul3A_200 = arith.muli %add3A_198, %mul3A_199 : i32
        %add3A_201 = arith.addi %mul3A_4, %mul3A_200 : i32
        %dma_start3A_202 = tpu.memref_slice %arg3[%add3A_201] : memref<327680xi32, #tpu.memory_space<hbm>> -> memref<128xi32, #tpu.memory_space<hbm>>
        %dma_start3A_203 = tpu.memref_slice %arg3[%add3A_201] : memref<327680xi32, #tpu.memory_space<hbm>> -> memref<128xi32, #tpu.memory_space<hbm>>
        tpu.enqueue_dma source(%dma_start3A_203 : memref<128xi32, #tpu.memory_space<hbm>>) target(%arg10 : memref<128xi32, #tpu.memory_space<vmem>>) target_semaphore(%arg23 : memref<!tpu.dma_semaphore, #tpu.memory_space<semaphore_mem>>)
      } else {
      }
      %dma_wait3A_186 = arith.constant 0 : i32
      %dma_wait3A_187 = tpu.memref_slice %arg4[%dma_wait3A_186] : memref<327680xi32, #tpu.memory_space<hbm>> -> memref<128xi32, #tpu.memory_space<hbm>>
      %dma_wait3A_188 = arith.constant 0 : i32
      %dma_wait3A_189 = tpu.memref_slice %arg4[%dma_wait3A_188] : memref<327680xi32, #tpu.memory_space<hbm>> -> memref<128xi32, #tpu.memory_space<hbm>>
      tpu.wait_dma2 semaphore(%arg27 : memref<!tpu.dma_semaphore, #tpu.memory_space<semaphore_mem>>) src(%dma_wait3A_189 : memref<128xi32, #tpu.memory_space<hbm>>) dst(%arg14 : memref<128xi32, #tpu.memory_space<vmem>>)
      %dma_start3A_190 = arith.constant 0 : i32
      %dma_start3A_191 = arith.constant 0 : i32
      %dma_start3A_192 = tpu.memref_slice %arg19[%dma_start3A_190, %dma_start3A_191] : memref<10008x16xf32, #tpu.memory_space<vmem_shared>> -> memref<10008x16xf32, #tpu.memory_space<vmem_shared>>
      tpu.enqueue_indirect_dma source(%arg18 : memref<128x16xf32, #tpu.memory_space<vmem>>) target(%dma_start3A_192 : memref<10008x16xf32, #tpu.memory_space<vmem_shared>>) offsets(%arg14 : memref<128xi32, #tpu.memory_space<vmem>>) semaphore(%arg35 : memref<!tpu.dma_semaphore, #tpu.memory_space<semaphore_mem>>) {add = true}
    }
    %scan3A_51 = arith.constant 20 : i32
    %dma_wait3A_52 = arith.constant 0 : i32
    %dma_wait3A_53 = arith.constant 0 : i32
    %dma_wait3A_54 = tpu.memref_slice %arg19[%dma_wait3A_52, %dma_wait3A_53] : memref<10008x16xf32, #tpu.memory_space<vmem_shared>> -> memref<10008x16xf32, #tpu.memory_space<vmem_shared>>
    tpu.wait_indirect_dma semaphore(%arg32 : memref<!tpu.dma_semaphore, #tpu.memory_space<semaphore_mem>>) src(%arg15 : memref<128x16xf32, #tpu.memory_space<vmem>>) dst(%dma_wait3A_54 : memref<10008x16xf32, #tpu.memory_space<vmem_shared>>)
    %dma_wait3A_55 = arith.constant 0 : i32
    %dma_wait3A_56 = arith.constant 0 : i32
    %dma_wait3A_57 = tpu.memref_slice %arg19[%dma_wait3A_55, %dma_wait3A_56] : memref<10008x16xf32, #tpu.memory_space<vmem_shared>> -> memref<10008x16xf32, #tpu.memory_space<vmem_shared>>
    tpu.wait_indirect_dma semaphore(%arg33 : memref<!tpu.dma_semaphore, #tpu.memory_space<semaphore_mem>>) src(%arg16 : memref<128x16xf32, #tpu.memory_space<vmem>>) dst(%dma_wait3A_57 : memref<10008x16xf32, #tpu.memory_space<vmem_shared>>)
    %dma_wait3A_58 = arith.constant 0 : i32
    %dma_wait3A_59 = arith.constant 0 : i32
    %dma_wait3A_60 = tpu.memref_slice %arg19[%dma_wait3A_58, %dma_wait3A_59] : memref<10008x16xf32, #tpu.memory_space<vmem_shared>> -> memref<10008x16xf32, #tpu.memory_space<vmem_shared>>
    tpu.wait_indirect_dma semaphore(%arg34 : memref<!tpu.dma_semaphore, #tpu.memory_space<semaphore_mem>>) src(%arg17 : memref<128x16xf32, #tpu.memory_space<vmem>>) dst(%dma_wait3A_60 : memref<10008x16xf32, #tpu.memory_space<vmem_shared>>)
    %dma_wait3A_61 = arith.constant 0 : i32
    %dma_wait3A_62 = arith.constant 0 : i32
    %dma_wait3A_63 = tpu.memref_slice %arg19[%dma_wait3A_61, %dma_wait3A_62] : memref<10008x16xf32, #tpu.memory_space<vmem_shared>> -> memref<10008x16xf32, #tpu.memory_space<vmem_shared>>
    tpu.wait_indirect_dma semaphore(%arg35 : memref<!tpu.dma_semaphore, #tpu.memory_space<semaphore_mem>>) src(%arg18 : memref<128x16xf32, #tpu.memory_space<vmem>>) dst(%dma_wait3A_63 : memref<10008x16xf32, #tpu.memory_space<vmem_shared>>)
    %barrier3A_64 = arith.constant 0 : index
    tpu.barrier barrier_id(%barrier3A_64)
    %lt3A_65 = arith.constant 15 : i32
    %lt3A_66 = arith.cmpi slt, %arg1, %lt3A_65 : i32
    %convert_element_type3A_67 = arith.extui %lt3A_66 : i1 to i32
    %cond3A_68 = arith.constant 0 : i32
    %cond3A_69 = arith.cmpi ne, %convert_element_type3A_67, %cond3A_68 : i32
    scf.if %cond3A_69 {
      %mul3A_75 = arith.constant 632 : i32
      %mul3A_76 = arith.muli %arg1, %mul3A_75 : i32
      %mul3A_77 = arith.constant 632 : i32
      %mul3A_78 = arith.muli %arg1, %mul3A_77 : i32
      "tpu.region"() ({
        %run_scoped3A = tpu.sem_alloc : memref<!tpu.dma_semaphore, #tpu.memory_space<semaphore_mem>>
        %dma_start3A_79 = arith.constant 0 : i32
        %dma_start3A_80 = arith.constant 0 : i32
        %dma_start3A_81 = tpu.memref_slice %arg6[%arg0, %dma_start3A_79, %dma_start3A_80] : memref<2x10000x16xf32, #tpu.memory_space<hbm>> -> memref<1x10000x16xf32, #tpu.memory_space<hbm>>
        %dma_start3A_82 = tpu.memref_squeeze %dma_start3A_81 : memref<1x10000x16xf32, #tpu.memory_space<hbm>> -> memref<10000x16xf32, #tpu.memory_space<hbm>>
        %dma_start3A_83 = arith.constant 0 : i32
        %dma_start3A_84 = tpu.memref_slice %dma_start3A_82[%mul3A_78, %dma_start3A_83] : memref<10000x16xf32, #tpu.memory_space<hbm>> -> memref<632x16xf32, #tpu.memory_space<hbm>>
        %dma_start3A_85 = arith.constant 0 : i32
        %dma_start3A_86 = tpu.memref_slice %arg19[%mul3A_76, %dma_start3A_85] : memref<10008x16xf32, #tpu.memory_space<vmem_shared>> -> memref<632x16xf32, #tpu.memory_space<vmem_shared>>
        tpu.enqueue_dma source(%dma_start3A_86 : memref<632x16xf32, #tpu.memory_space<vmem_shared>>) target(%dma_start3A_84 : memref<632x16xf32, #tpu.memory_space<hbm>>) target_semaphore(%run_scoped3A : memref<!tpu.dma_semaphore, #tpu.memory_space<semaphore_mem>>)
        %dma_wait3A_87 = arith.constant 0 : i32
        %dma_wait3A_88 = arith.constant 0 : i32
        %dma_wait3A_89 = tpu.memref_slice %arg6[%arg0, %dma_wait3A_87, %dma_wait3A_88] : memref<2x10000x16xf32, #tpu.memory_space<hbm>> -> memref<1x10000x16xf32, #tpu.memory_space<hbm>>
        %dma_wait3A_90 = tpu.memref_squeeze %dma_wait3A_89 : memref<1x10000x16xf32, #tpu.memory_space<hbm>> -> memref<10000x16xf32, #tpu.memory_space<hbm>>
        %dma_wait3A_91 = arith.constant 0 : i32
        %dma_wait3A_92 = tpu.memref_slice %dma_wait3A_90[%mul3A_78, %dma_wait3A_91] : memref<10000x16xf32, #tpu.memory_space<hbm>> -> memref<632x16xf32, #tpu.memory_space<hbm>>
        %dma_wait3A_93 = arith.constant 0 : i32
        %dma_wait3A_94 = tpu.memref_slice %arg19[%mul3A_76, %dma_wait3A_93] : memref<10008x16xf32, #tpu.memory_space<vmem_shared>> -> memref<632x16xf32, #tpu.memory_space<vmem_shared>>
        tpu.wait_dma2 semaphore(%run_scoped3A : memref<!tpu.dma_semaphore, #tpu.memory_space<semaphore_mem>>) src(%dma_wait3A_94 : memref<632x16xf32, #tpu.memory_space<vmem_shared>>) dst(%dma_wait3A_92 : memref<632x16xf32, #tpu.memory_space<hbm>>)
        tpu.yield
      }) : () -> ()
    } else {
    }
    %eq3A_70 = arith.constant 15 : i32
    %eq3A_71 = arith.cmpi eq, %arg1, %eq3A_70 : i32
    %convert_element_type3A_72 = arith.extui %eq3A_71 : i1 to i32
    %cond3A_73 = arith.constant 0 : i32
    %cond3A_74 = arith.cmpi ne, %convert_element_type3A_72, %cond3A_73 : i32
    scf.if %cond3A_74 {
      "tpu.region"() ({
        %run_scoped3A = tpu.sem_alloc : memref<!tpu.dma_semaphore, #tpu.memory_space<semaphore_mem>>
        %dma_start3A_75 = arith.constant 0 : i32
        %dma_start3A_76 = arith.constant 0 : i32
        %dma_start3A_77 = tpu.memref_slice %arg6[%arg0, %dma_start3A_75, %dma_start3A_76] : memref<2x10000x16xf32, #tpu.memory_space<hbm>> -> memref<1x10000x16xf32, #tpu.memory_space<hbm>>
        %dma_start3A_78 = tpu.memref_squeeze %dma_start3A_77 : memref<1x10000x16xf32, #tpu.memory_space<hbm>> -> memref<10000x16xf32, #tpu.memory_space<hbm>>
        %dma_start3A_79 = arith.constant 9480 : i32
        %dma_start3A_80 = arith.constant 0 : i32
        %dma_start3A_81 = tpu.memref_slice %dma_start3A_78[%dma_start3A_79, %dma_start3A_80] : memref<10000x16xf32, #tpu.memory_space<hbm>> -> memref<520x16xf32, #tpu.memory_space<hbm>>
        %dma_start3A_82 = arith.constant 9480 : i32
        %dma_start3A_83 = arith.constant 0 : i32
        %dma_start3A_84 = tpu.memref_slice %arg19[%dma_start3A_82, %dma_start3A_83] : memref<10008x16xf32, #tpu.memory_space<vmem_shared>> -> memref<520x16xf32, #tpu.memory_space<vmem_shared>>
        tpu.enqueue_dma source(%dma_start3A_84 : memref<520x16xf32, #tpu.memory_space<vmem_shared>>) target(%dma_start3A_81 : memref<520x16xf32, #tpu.memory_space<hbm>>) target_semaphore(%run_scoped3A : memref<!tpu.dma_semaphore, #tpu.memory_space<semaphore_mem>>)
        %dma_wait3A_85 = arith.constant 0 : i32
        %dma_wait3A_86 = arith.constant 0 : i32
        %dma_wait3A_87 = tpu.memref_slice %arg6[%arg0, %dma_wait3A_85, %dma_wait3A_86] : memref<2x10000x16xf32, #tpu.memory_space<hbm>> -> memref<1x10000x16xf32, #tpu.memory_space<hbm>>
        %dma_wait3A_88 = tpu.memref_squeeze %dma_wait3A_87 : memref<1x10000x16xf32, #tpu.memory_space<hbm>> -> memref<10000x16xf32, #tpu.memory_space<hbm>>
        %dma_wait3A_89 = arith.constant 9480 : i32
        %dma_wait3A_90 = arith.constant 0 : i32
        %dma_wait3A_91 = tpu.memref_slice %dma_wait3A_88[%dma_wait3A_89, %dma_wait3A_90] : memref<10000x16xf32, #tpu.memory_space<hbm>> -> memref<520x16xf32, #tpu.memory_space<hbm>>
        %dma_wait3A_92 = arith.constant 9480 : i32
        %dma_wait3A_93 = arith.constant 0 : i32
        %dma_wait3A_94 = tpu.memref_slice %arg19[%dma_wait3A_92, %dma_wait3A_93] : memref<10008x16xf32, #tpu.memory_space<vmem_shared>> -> memref<520x16xf32, #tpu.memory_space<vmem_shared>>
        tpu.wait_dma2 semaphore(%run_scoped3A : memref<!tpu.dma_semaphore, #tpu.memory_space<semaphore_mem>>) src(%dma_wait3A_94 : memref<520x16xf32, #tpu.memory_space<vmem_shared>>) dst(%dma_wait3A_91 : memref<520x16xf32, #tpu.memory_space<hbm>>)
        tpu.yield
      }) : () -> ()
    } else {
    }
    return
  }
}

#map = affine_map<(d0, d1) -> (0, 0)>
#map1 = affine_map<(d0, d1) -> (0)>
#map2 = affine_map<(d0, d1) -> (0, 0, 0)>
module attributes {stable_mosaic.version = 14 : i64} {
  func.func @body(%arg0: i32, %arg1: i32, %arg2: memref<10000x128xf32, #tpu.memory_space<hbm>>, %arg3: memref<327680xi32, #tpu.memory_space<hbm>>, %arg4: memref<327680xi32, #tpu.memory_space<hbm>>, %arg5: memref<10000x128xf32, #tpu.memory_space<hbm>>, %arg6: memref<10008xf32, #tpu.memory_space<hbm>>, %arg7: memref<2x10000x128xf32, #tpu.memory_space<hbm>>, %arg8: memref<2x10008xf32, #tpu.memory_space<hbm>>, %arg9: memref<64xi32, #tpu.memory_space<vmem>>, %arg10: memref<64xi32, #tpu.memory_space<vmem>>, %arg11: memref<64xi32, #tpu.memory_space<vmem>>, %arg12: memref<64xi32, #tpu.memory_space<vmem>>, %arg13: memref<64xi32, #tpu.memory_space<vmem>>, %arg14: memref<64xi32, #tpu.memory_space<vmem>>, %arg15: memref<64xi32, #tpu.memory_space<vmem>>, %arg16: memref<64xi32, #tpu.memory_space<vmem>>, %arg17: memref<64x128xf32, #tpu.memory_space<vmem>>, %arg18: memref<64x128xf32, #tpu.memory_space<vmem>>, %arg19: memref<64x128xf32, #tpu.memory_space<vmem>>, %arg20: memref<64x128xf32, #tpu.memory_space<vmem>>, %arg21: memref<10008x128xf32, #tpu.memory_space<vmem_shared>>, %arg22: memref<!tpu.dma_semaphore, #tpu.memory_space<semaphore_mem>>, %arg23: memref<!tpu.dma_semaphore, #tpu.memory_space<semaphore_mem>>, %arg24: memref<!tpu.dma_semaphore, #tpu.memory_space<semaphore_mem>>, %arg25: memref<!tpu.dma_semaphore, #tpu.memory_space<semaphore_mem>>, %arg26: memref<!tpu.dma_semaphore, #tpu.memory_space<semaphore_mem>>, %arg27: memref<!tpu.dma_semaphore, #tpu.memory_space<semaphore_mem>>, %arg28: memref<!tpu.dma_semaphore, #tpu.memory_space<semaphore_mem>>, %arg29: memref<!tpu.dma_semaphore, #tpu.memory_space<semaphore_mem>>, %arg30: memref<!tpu.dma_semaphore, #tpu.memory_space<semaphore_mem>>, %arg31: memref<!tpu.dma_semaphore, #tpu.memory_space<semaphore_mem>>, %arg32: memref<!tpu.dma_semaphore, #tpu.memory_space<semaphore_mem>>, %arg33: memref<!tpu.dma_semaphore, #tpu.memory_space<semaphore_mem>>, %arg34: memref<!tpu.dma_semaphore, #tpu.memory_space<semaphore_mem>>, %arg35: memref<!tpu.dma_semaphore, #tpu.memory_space<semaphore_mem>>, %arg36: memref<!tpu.dma_semaphore, #tpu.memory_space<semaphore_mem>>, %arg37: memref<!tpu.dma_semaphore, #tpu.memory_space<semaphore_mem>>, %arg38: memref<64xf32, #tpu.memory_space<vmem>>, %arg39: memref<10008xf32, #tpu.memory_space<vmem_shared>>, %arg40: memref<!tpu.dma_semaphore, #tpu.memory_space<semaphore_mem>>, %arg41: memref<!tpu.dma_semaphore, #tpu.memory_space<semaphore_mem>>, %arg42: memref<!tpu.dma_semaphore, #tpu.memory_space<semaphore_mem>>, %arg43: memref<!tpu.dma_semaphore, #tpu.memory_space<semaphore_mem>>) attributes {dimension_semantics = [#tpu.dimension_semantics<core_parallel>, #tpu.dimension_semantics<subcore_parallel>], iteration_bounds = array<i64: 2, 16>, scalar_prefetch = 0 : i64, scratch_operands = 35 : i64, tpu.core_type = #tpu.core_type<sc_vector_subcore>, window_params = [{transform_indices = #map}, {transform_indices = #map1}, {transform_indices = #map1}, {transform_indices = #map}, {transform_indices = #map1}, {transform_indices = #map2}, {transform_indices = #map}]} {
    %mul3A = arith.constant 2 : i32
    %mul3A_0 = arith.muli %arg1, %mul3A : i32
    %add3A = arith.addi %mul3A_0, %arg0 : i32
    %mul3A_1 = arith.constant 160 : i32
    %mul3A_2 = arith.muli %add3A, %mul3A_1 : i32
    %mul3A_3 = arith.constant 64 : i32
    %mul3A_4 = arith.muli %mul3A_2, %mul3A_3 : i32
    %add3A_5 = arith.constant 0 : i32
    %add3A_6 = arith.addi %mul3A_4, %add3A_5 : i32
    %dma_start3A = tpu.memref_slice %arg3[%add3A_6] : memref<327680xi32, #tpu.memory_space<hbm>> -> memref<64xi32, #tpu.memory_space<hbm>>
    %dma_start3A_7 = tpu.memref_slice %arg3[%add3A_6] : memref<327680xi32, #tpu.memory_space<hbm>> -> memref<64xi32, #tpu.memory_space<hbm>>
    tpu.enqueue_dma source(%dma_start3A_7 : memref<64xi32, #tpu.memory_space<hbm>>) target(%arg9 : memref<64xi32, #tpu.memory_space<vmem>>) target_semaphore(%arg22 : memref<!tpu.dma_semaphore, #tpu.memory_space<semaphore_mem>>)
    %add3A_8 = arith.constant 64 : i32
    %add3A_9 = arith.addi %mul3A_4, %add3A_8 : i32
    %dma_start3A_10 = tpu.memref_slice %arg3[%add3A_9] : memref<327680xi32, #tpu.memory_space<hbm>> -> memref<64xi32, #tpu.memory_space<hbm>>
    %dma_start3A_11 = tpu.memref_slice %arg3[%add3A_9] : memref<327680xi32, #tpu.memory_space<hbm>> -> memref<64xi32, #tpu.memory_space<hbm>>
    tpu.enqueue_dma source(%dma_start3A_11 : memref<64xi32, #tpu.memory_space<hbm>>) target(%arg10 : memref<64xi32, #tpu.memory_space<vmem>>) target_semaphore(%arg23 : memref<!tpu.dma_semaphore, #tpu.memory_space<semaphore_mem>>)
    %add3A_12 = arith.constant 128 : i32
    %add3A_13 = arith.addi %mul3A_4, %add3A_12 : i32
    %dma_start3A_14 = tpu.memref_slice %arg3[%add3A_13] : memref<327680xi32, #tpu.memory_space<hbm>> -> memref<64xi32, #tpu.memory_space<hbm>>
    %dma_start3A_15 = tpu.memref_slice %arg3[%add3A_13] : memref<327680xi32, #tpu.memory_space<hbm>> -> memref<64xi32, #tpu.memory_space<hbm>>
    tpu.enqueue_dma source(%dma_start3A_15 : memref<64xi32, #tpu.memory_space<hbm>>) target(%arg11 : memref<64xi32, #tpu.memory_space<vmem>>) target_semaphore(%arg24 : memref<!tpu.dma_semaphore, #tpu.memory_space<semaphore_mem>>)
    %add3A_16 = arith.constant 192 : i32
    %add3A_17 = arith.addi %mul3A_4, %add3A_16 : i32
    %dma_start3A_18 = tpu.memref_slice %arg3[%add3A_17] : memref<327680xi32, #tpu.memory_space<hbm>> -> memref<64xi32, #tpu.memory_space<hbm>>
    %dma_start3A_19 = tpu.memref_slice %arg3[%add3A_17] : memref<327680xi32, #tpu.memory_space<hbm>> -> memref<64xi32, #tpu.memory_space<hbm>>
    tpu.enqueue_dma source(%dma_start3A_19 : memref<64xi32, #tpu.memory_space<hbm>>) target(%arg12 : memref<64xi32, #tpu.memory_space<vmem>>) target_semaphore(%arg25 : memref<!tpu.dma_semaphore, #tpu.memory_space<semaphore_mem>>)
    %add3A_20 = arith.constant 0 : i32
    %add3A_21 = arith.addi %mul3A_4, %add3A_20 : i32
    %dma_start3A_22 = tpu.memref_slice %arg4[%add3A_21] : memref<327680xi32, #tpu.memory_space<hbm>> -> memref<64xi32, #tpu.memory_space<hbm>>
    %dma_start3A_23 = tpu.memref_slice %arg4[%add3A_21] : memref<327680xi32, #tpu.memory_space<hbm>> -> memref<64xi32, #tpu.memory_space<hbm>>
    tpu.enqueue_dma source(%dma_start3A_23 : memref<64xi32, #tpu.memory_space<hbm>>) target(%arg13 : memref<64xi32, #tpu.memory_space<vmem>>) target_semaphore(%arg26 : memref<!tpu.dma_semaphore, #tpu.memory_space<semaphore_mem>>)
    %add3A_24 = arith.constant 64 : i32
    %add3A_25 = arith.addi %mul3A_4, %add3A_24 : i32
    %dma_start3A_26 = tpu.memref_slice %arg4[%add3A_25] : memref<327680xi32, #tpu.memory_space<hbm>> -> memref<64xi32, #tpu.memory_space<hbm>>
    %dma_start3A_27 = tpu.memref_slice %arg4[%add3A_25] : memref<327680xi32, #tpu.memory_space<hbm>> -> memref<64xi32, #tpu.memory_space<hbm>>
    tpu.enqueue_dma source(%dma_start3A_27 : memref<64xi32, #tpu.memory_space<hbm>>) target(%arg14 : memref<64xi32, #tpu.memory_space<vmem>>) target_semaphore(%arg27 : memref<!tpu.dma_semaphore, #tpu.memory_space<semaphore_mem>>)
    %dma_wait3A = arith.constant 0 : i32
    %dma_wait3A_28 = tpu.memref_slice %arg3[%dma_wait3A] : memref<327680xi32, #tpu.memory_space<hbm>> -> memref<64xi32, #tpu.memory_space<hbm>>
    %dma_wait3A_29 = arith.constant 0 : i32
    %dma_wait3A_30 = tpu.memref_slice %arg3[%dma_wait3A_29] : memref<327680xi32, #tpu.memory_space<hbm>> -> memref<64xi32, #tpu.memory_space<hbm>>
    tpu.wait_dma2 semaphore(%arg22 : memref<!tpu.dma_semaphore, #tpu.memory_space<semaphore_mem>>) src(%dma_wait3A_30 : memref<64xi32, #tpu.memory_space<hbm>>) dst(%arg9 : memref<64xi32, #tpu.memory_space<vmem>>)
    %dma_start3A_31 = arith.constant 0 : i32
    %dma_start3A_32 = arith.constant 0 : i32
    %dma_start3A_33 = tpu.memref_slice %arg2[%dma_start3A_31, %dma_start3A_32] : memref<10000x128xf32, #tpu.memory_space<hbm>> -> memref<10000x128xf32, #tpu.memory_space<hbm>>
    tpu.enqueue_indirect_dma source(%dma_start3A_33 : memref<10000x128xf32, #tpu.memory_space<hbm>>) target(%arg17 : memref<64x128xf32, #tpu.memory_space<vmem>>) offsets(%arg9 : memref<64xi32, #tpu.memory_space<vmem>>) semaphore(%arg30 : memref<!tpu.dma_semaphore, #tpu.memory_space<semaphore_mem>>)
    %dma_wait3A_34 = arith.constant 0 : i32
    %dma_wait3A_35 = tpu.memref_slice %arg3[%dma_wait3A_34] : memref<327680xi32, #tpu.memory_space<hbm>> -> memref<64xi32, #tpu.memory_space<hbm>>
    %dma_wait3A_36 = arith.constant 0 : i32
    %dma_wait3A_37 = tpu.memref_slice %arg3[%dma_wait3A_36] : memref<327680xi32, #tpu.memory_space<hbm>> -> memref<64xi32, #tpu.memory_space<hbm>>
    tpu.wait_dma2 semaphore(%arg23 : memref<!tpu.dma_semaphore, #tpu.memory_space<semaphore_mem>>) src(%dma_wait3A_37 : memref<64xi32, #tpu.memory_space<hbm>>) dst(%arg10 : memref<64xi32, #tpu.memory_space<vmem>>)
    %dma_start3A_38 = arith.constant 0 : i32
    %dma_start3A_39 = arith.constant 0 : i32
    %dma_start3A_40 = tpu.memref_slice %arg2[%dma_start3A_38, %dma_start3A_39] : memref<10000x128xf32, #tpu.memory_space<hbm>> -> memref<10000x128xf32, #tpu.memory_space<hbm>>
    tpu.enqueue_indirect_dma source(%dma_start3A_40 : memref<10000x128xf32, #tpu.memory_space<hbm>>) target(%arg18 : memref<64x128xf32, #tpu.memory_space<vmem>>) offsets(%arg10 : memref<64xi32, #tpu.memory_space<vmem>>) semaphore(%arg31 : memref<!tpu.dma_semaphore, #tpu.memory_space<semaphore_mem>>)
    %lt3A = arith.constant 15 : i32
    %lt3A_41 = arith.cmpi slt, %arg1, %lt3A : i32
    %convert_element_type3A = arith.extui %lt3A_41 : i1 to i32
    %cond3A = arith.constant 0 : i32
    %cond3A_42 = arith.cmpi ne, %convert_element_type3A, %cond3A : i32
    scf.if %cond3A_42 {
      %mul3A_115 = arith.constant 632 : i32
      %mul3A_116 = arith.muli %arg1, %mul3A_115 : i32
      %mul3A_117 = arith.constant 632 : i32
      %mul3A_118 = arith.muli %arg1, %mul3A_117 : i32
      "tpu.region"() ({
        %run_scoped3A = tpu.sem_alloc : memref<!tpu.dma_semaphore, #tpu.memory_space<semaphore_mem>>
        %dma_start3A_119 = arith.constant 0 : i32
        %dma_start3A_120 = tpu.memref_slice %arg21[%mul3A_118, %dma_start3A_119] : memref<10008x128xf32, #tpu.memory_space<vmem_shared>> -> memref<632x128xf32, #tpu.memory_space<vmem_shared>>
        %dma_start3A_121 = arith.constant 0 : i32
        %dma_start3A_122 = tpu.memref_slice %arg5[%mul3A_116, %dma_start3A_121] : memref<10000x128xf32, #tpu.memory_space<hbm>> -> memref<632x128xf32, #tpu.memory_space<hbm>>
        tpu.enqueue_dma source(%dma_start3A_122 : memref<632x128xf32, #tpu.memory_space<hbm>>) target(%dma_start3A_120 : memref<632x128xf32, #tpu.memory_space<vmem_shared>>) target_semaphore(%run_scoped3A : memref<!tpu.dma_semaphore, #tpu.memory_space<semaphore_mem>>)
        %dma_wait3A_123 = arith.constant 0 : i32
        %dma_wait3A_124 = tpu.memref_slice %arg21[%mul3A_118, %dma_wait3A_123] : memref<10008x128xf32, #tpu.memory_space<vmem_shared>> -> memref<632x128xf32, #tpu.memory_space<vmem_shared>>
        %dma_wait3A_125 = arith.constant 0 : i32
        %dma_wait3A_126 = tpu.memref_slice %arg5[%mul3A_116, %dma_wait3A_125] : memref<10000x128xf32, #tpu.memory_space<hbm>> -> memref<632x128xf32, #tpu.memory_space<hbm>>
        tpu.wait_dma2 semaphore(%run_scoped3A : memref<!tpu.dma_semaphore, #tpu.memory_space<semaphore_mem>>) src(%dma_wait3A_126 : memref<632x128xf32, #tpu.memory_space<hbm>>) dst(%dma_wait3A_124 : memref<632x128xf32, #tpu.memory_space<vmem_shared>>)
        tpu.yield
      }) : () -> ()
    } else {
    }
    %eq3A = arith.constant 15 : i32
    %eq3A_43 = arith.cmpi eq, %arg1, %eq3A : i32
    %convert_element_type3A_44 = arith.extui %eq3A_43 : i1 to i32
    %cond3A_45 = arith.constant 0 : i32
    %cond3A_46 = arith.cmpi ne, %convert_element_type3A_44, %cond3A_45 : i32
    scf.if %cond3A_46 {
      "tpu.region"() ({
        %run_scoped3A = tpu.sem_alloc : memref<!tpu.dma_semaphore, #tpu.memory_space<semaphore_mem>>
        %dma_start3A_115 = arith.constant 9480 : i32
        %dma_start3A_116 = arith.constant 0 : i32
        %dma_start3A_117 = tpu.memref_slice %arg21[%dma_start3A_115, %dma_start3A_116] : memref<10008x128xf32, #tpu.memory_space<vmem_shared>> -> memref<520x128xf32, #tpu.memory_space<vmem_shared>>
        %dma_start3A_118 = arith.constant 9480 : i32
        %dma_start3A_119 = arith.constant 0 : i32
        %dma_start3A_120 = tpu.memref_slice %arg5[%dma_start3A_118, %dma_start3A_119] : memref<10000x128xf32, #tpu.memory_space<hbm>> -> memref<520x128xf32, #tpu.memory_space<hbm>>
        tpu.enqueue_dma source(%dma_start3A_120 : memref<520x128xf32, #tpu.memory_space<hbm>>) target(%dma_start3A_117 : memref<520x128xf32, #tpu.memory_space<vmem_shared>>) target_semaphore(%run_scoped3A : memref<!tpu.dma_semaphore, #tpu.memory_space<semaphore_mem>>)
        %dma_wait3A_121 = arith.constant 9480 : i32
        %dma_wait3A_122 = arith.constant 0 : i32
        %dma_wait3A_123 = tpu.memref_slice %arg21[%dma_wait3A_121, %dma_wait3A_122] : memref<10008x128xf32, #tpu.memory_space<vmem_shared>> -> memref<520x128xf32, #tpu.memory_space<vmem_shared>>
        %dma_wait3A_124 = arith.constant 9480 : i32
        %dma_wait3A_125 = arith.constant 0 : i32
        %dma_wait3A_126 = tpu.memref_slice %arg5[%dma_wait3A_124, %dma_wait3A_125] : memref<10000x128xf32, #tpu.memory_space<hbm>> -> memref<520x128xf32, #tpu.memory_space<hbm>>
        tpu.wait_dma2 semaphore(%run_scoped3A : memref<!tpu.dma_semaphore, #tpu.memory_space<semaphore_mem>>) src(%dma_wait3A_126 : memref<520x128xf32, #tpu.memory_space<hbm>>) dst(%dma_wait3A_123 : memref<520x128xf32, #tpu.memory_space<vmem_shared>>)
        tpu.yield
      }) : () -> ()
    } else {
    }
    %eq3A_47 = arith.constant 0 : i32
    %eq3A_48 = arith.cmpi eq, %arg1, %eq3A_47 : i32
    %convert_element_type3A_49 = arith.extui %eq3A_48 : i1 to i32
    %cond3A_50 = arith.constant 0 : i32
    %cond3A_51 = arith.cmpi ne, %convert_element_type3A_49, %cond3A_50 : i32
    scf.if %cond3A_51 {
      "tpu.region"() ({
        %run_scoped3A = tpu.sem_alloc : memref<!tpu.dma_semaphore, #tpu.memory_space<semaphore_mem>>
        tpu.enqueue_dma source(%arg6 : memref<10008xf32, #tpu.memory_space<hbm>>) target(%arg39 : memref<10008xf32, #tpu.memory_space<vmem_shared>>) target_semaphore(%run_scoped3A : memref<!tpu.dma_semaphore, #tpu.memory_space<semaphore_mem>>)
        tpu.wait_dma2 semaphore(%run_scoped3A : memref<!tpu.dma_semaphore, #tpu.memory_space<semaphore_mem>>) src(%arg6 : memref<10008xf32, #tpu.memory_space<hbm>>) dst(%arg39 : memref<10008xf32, #tpu.memory_space<vmem_shared>>)
        tpu.yield
      }) : () -> ()
    } else {
    }
    %broadcast_in_dim3A = arith.constant 1.000000e+00 : f32
    %broadcast_in_dim3A_52 = vector.broadcast %broadcast_in_dim3A : f32 to vector<16xf32>
    %swap3A = arith.constant 0 : index
    %swap3A_53 = tpu.vector_load %arg38[%swap3A] {strides = array<i32>} : memref<64xf32, #tpu.memory_space<vmem>>, vector<16xf32>,
    %swap3A_54 = vector.shape_cast %swap3A_53 : vector<16xf32> to vector<16xf32>
    %swap3A_55 = vector.shape_cast %broadcast_in_dim3A_52 : vector<16xf32> to vector<16xf32>
    tpu.vector_store %arg38[%swap3A], %swap3A_55 {strides = array<i32>} : memref<64xf32, #tpu.memory_space<vmem>>, vector<16xf32>,
    %broadcast_in_dim3A_56 = arith.constant 1.000000e+00 : f32
    %broadcast_in_dim3A_57 = vector.broadcast %broadcast_in_dim3A_56 : f32 to vector<16xf32>
    %swap3A_58 = arith.constant 16 : index
    %swap3A_59 = tpu.vector_load %arg38[%swap3A_58] {strides = array<i32>} : memref<64xf32, #tpu.memory_space<vmem>>, vector<16xf32>,
    %swap3A_60 = vector.shape_cast %swap3A_59 : vector<16xf32> to vector<16xf32>
    %swap3A_61 = vector.shape_cast %broadcast_in_dim3A_57 : vector<16xf32> to vector<16xf32>
    tpu.vector_store %arg38[%swap3A_58], %swap3A_61 {strides = array<i32>} : memref<64xf32, #tpu.memory_space<vmem>>, vector<16xf32>,
    %broadcast_in_dim3A_62 = arith.constant 1.000000e+00 : f32
    %broadcast_in_dim3A_63 = vector.broadcast %broadcast_in_dim3A_62 : f32 to vector<16xf32>
    %swap3A_64 = arith.constant 32 : index
    %swap3A_65 = tpu.vector_load %arg38[%swap3A_64] {strides = array<i32>} : memref<64xf32, #tpu.memory_space<vmem>>, vector<16xf32>,
    %swap3A_66 = vector.shape_cast %swap3A_65 : vector<16xf32> to vector<16xf32>
    %swap3A_67 = vector.shape_cast %broadcast_in_dim3A_63 : vector<16xf32> to vector<16xf32>
    tpu.vector_store %arg38[%swap3A_64], %swap3A_67 {strides = array<i32>} : memref<64xf32, #tpu.memory_space<vmem>>, vector<16xf32>,
    %broadcast_in_dim3A_68 = arith.constant 1.000000e+00 : f32
    %broadcast_in_dim3A_69 = vector.broadcast %broadcast_in_dim3A_68 : f32 to vector<16xf32>
    %swap3A_70 = arith.constant 48 : index
    %swap3A_71 = tpu.vector_load %arg38[%swap3A_70] {strides = array<i32>} : memref<64xf32, #tpu.memory_space<vmem>>, vector<16xf32>,
    %swap3A_72 = vector.shape_cast %swap3A_71 : vector<16xf32> to vector<16xf32>
    %swap3A_73 = vector.shape_cast %broadcast_in_dim3A_69 : vector<16xf32> to vector<16xf32>
    tpu.vector_store %arg38[%swap3A_70], %swap3A_73 {strides = array<i32>} : memref<64xf32, #tpu.memory_space<vmem>>, vector<16xf32>,
    %barrier3A = arith.constant 0 : index
    tpu.barrier barrier_id(%barrier3A)
    %scan3A = arith.constant 0 : i32
    %scan3A_74 = arith.constant 0 : i32
    %scan3A_75 = arith.constant 40 : i32
    %scan3A_76 = arith.addi %scan3A_74, %scan3A_75 : i32
    %scan3A_77 = arith.constant 1 : i32
    scf.for %scan3A_115 = %scan3A_74 to %scan3A_76 step %scan3A_77  : i32 {
      %mul3A_116 = arith.constant 4 : i32
      %mul3A_117 = arith.muli %scan3A_115, %mul3A_116 : i32
      %add3A_118 = arith.constant 0 : i32
      %add3A_119 = arith.addi %mul3A_117, %add3A_118 : i32
      %gt3A = arith.constant 0 : i32
      %gt3A_120 = arith.cmpi sgt, %scan3A_115, %gt3A : i32
      %convert_element_type3A_121 = arith.extui %gt3A_120 : i1 to i32
      %cond3A_122 = arith.constant 0 : i32
      %cond3A_123 = arith.cmpi ne, %convert_element_type3A_121, %cond3A_122 : i32
      scf.if %cond3A_123 {
        %dma_wait3A_241 = arith.constant 0 : i32
        %dma_wait3A_242 = arith.constant 0 : i32
        %dma_wait3A_243 = tpu.memref_slice %arg21[%dma_wait3A_241, %dma_wait3A_242] : memref<10008x128xf32, #tpu.memory_space<vmem_shared>> -> memref<10008x128xf32, #tpu.memory_space<vmem_shared>>
        tpu.wait_indirect_dma semaphore(%arg36 : memref<!tpu.dma_semaphore, #tpu.memory_space<semaphore_mem>>) src(%arg19 : memref<64x128xf32, #tpu.memory_space<vmem>>) dst(%dma_wait3A_243 : memref<10008x128xf32, #tpu.memory_space<vmem_shared>>)
        %dma_wait3A_244 = arith.constant 0 : i32
        %dma_wait3A_245 = tpu.memref_slice %arg39[%dma_wait3A_244] : memref<10008xf32, #tpu.memory_space<vmem_shared>> -> memref<10008xf32, #tpu.memory_space<vmem_shared>>
        tpu.wait_indirect_dma semaphore(%arg42 : memref<!tpu.dma_semaphore, #tpu.memory_space<semaphore_mem>>) src(%arg38 : memref<64xf32, #tpu.memory_space<vmem>>) dst(%dma_wait3A_245 : memref<10008xf32, #tpu.memory_space<vmem_shared>>)
        %add3A_246 = arith.constant 2 : i32
        %add3A_247 = arith.addi %add3A_119, %add3A_246 : i32
        %mul3A_248 = arith.constant 64 : i32
        %mul3A_249 = arith.muli %add3A_247, %mul3A_248 : i32
        %add3A_250 = arith.addi %mul3A_4, %mul3A_249 : i32
        %dma_start3A_251 = tpu.memref_slice %arg4[%add3A_250] : memref<327680xi32, #tpu.memory_space<hbm>> -> memref<64xi32, #tpu.memory_space<hbm>>
        %dma_start3A_252 = tpu.memref_slice %arg4[%add3A_250] : memref<327680xi32, #tpu.memory_space<hbm>> -> memref<64xi32, #tpu.memory_space<hbm>>
        tpu.enqueue_dma source(%dma_start3A_252 : memref<64xi32, #tpu.memory_space<hbm>>) target(%arg15 : memref<64xi32, #tpu.memory_space<vmem>>) target_semaphore(%arg28 : memref<!tpu.dma_semaphore, #tpu.memory_space<semaphore_mem>>)
        %dma_wait3A_253 = arith.constant 0 : i32
        %dma_wait3A_254 = tpu.memref_slice %arg3[%dma_wait3A_253] : memref<327680xi32, #tpu.memory_space<hbm>> -> memref<64xi32, #tpu.memory_space<hbm>>
        %dma_wait3A_255 = arith.constant 0 : i32
        %dma_wait3A_256 = tpu.memref_slice %arg3[%dma_wait3A_255] : memref<327680xi32, #tpu.memory_space<hbm>> -> memref<64xi32, #tpu.memory_space<hbm>>
        tpu.wait_dma2 semaphore(%arg24 : memref<!tpu.dma_semaphore, #tpu.memory_space<semaphore_mem>>) src(%dma_wait3A_256 : memref<64xi32, #tpu.memory_space<hbm>>) dst(%arg11 : memref<64xi32, #tpu.memory_space<vmem>>)
        %dma_start3A_257 = arith.constant 0 : i32
        %dma_start3A_258 = arith.constant 0 : i32
        %dma_start3A_259 = tpu.memref_slice %arg2[%dma_start3A_257, %dma_start3A_258] : memref<10000x128xf32, #tpu.memory_space<hbm>> -> memref<10000x128xf32, #tpu.memory_space<hbm>>
        tpu.enqueue_indirect_dma source(%dma_start3A_259 : memref<10000x128xf32, #tpu.memory_space<hbm>>) target(%arg19 : memref<64x128xf32, #tpu.memory_space<vmem>>) offsets(%arg11 : memref<64xi32, #tpu.memory_space<vmem>>) semaphore(%arg32 : memref<!tpu.dma_semaphore, #tpu.memory_space<semaphore_mem>>)
      } else {
      }
      %eq3A_124 = arith.constant 0 : i32
      %eq3A_125 = arith.cmpi eq, %scan3A_115, %eq3A_124 : i32
      %convert_element_type3A_126 = arith.extui %eq3A_125 : i1 to i32
      %cond3A_127 = arith.constant 0 : i32
      %cond3A_128 = arith.cmpi ne, %convert_element_type3A_126, %cond3A_127 : i32
      scf.if %cond3A_128 {
        %add3A_241 = arith.constant 2 : i32
        %add3A_242 = arith.addi %add3A_119, %add3A_241 : i32
        %mul3A_243 = arith.constant 64 : i32
        %mul3A_244 = arith.muli %add3A_242, %mul3A_243 : i32
        %add3A_245 = arith.addi %mul3A_4, %mul3A_244 : i32
        %dma_start3A_246 = tpu.memref_slice %arg4[%add3A_245] : memref<327680xi32, #tpu.memory_space<hbm>> -> memref<64xi32, #tpu.memory_space<hbm>>
        %dma_start3A_247 = tpu.memref_slice %arg4[%add3A_245] : memref<327680xi32, #tpu.memory_space<hbm>> -> memref<64xi32, #tpu.memory_space<hbm>>
        tpu.enqueue_dma source(%dma_start3A_247 : memref<64xi32, #tpu.memory_space<hbm>>) target(%arg15 : memref<64xi32, #tpu.memory_space<vmem>>) target_semaphore(%arg28 : memref<!tpu.dma_semaphore, #tpu.memory_space<semaphore_mem>>)
        %dma_wait3A_248 = arith.constant 0 : i32
        %dma_wait3A_249 = tpu.memref_slice %arg3[%dma_wait3A_248] : memref<327680xi32, #tpu.memory_space<hbm>> -> memref<64xi32, #tpu.memory_space<hbm>>
        %dma_wait3A_250 = arith.constant 0 : i32
        %dma_wait3A_251 = tpu.memref_slice %arg3[%dma_wait3A_250] : memref<327680xi32, #tpu.memory_space<hbm>> -> memref<64xi32, #tpu.memory_space<hbm>>
        tpu.wait_dma2 semaphore(%arg24 : memref<!tpu.dma_semaphore, #tpu.memory_space<semaphore_mem>>) src(%dma_wait3A_251 : memref<64xi32, #tpu.memory_space<hbm>>) dst(%arg11 : memref<64xi32, #tpu.memory_space<vmem>>)
        %dma_start3A_252 = arith.constant 0 : i32
        %dma_start3A_253 = arith.constant 0 : i32
        %dma_start3A_254 = tpu.memref_slice %arg2[%dma_start3A_252, %dma_start3A_253] : memref<10000x128xf32, #tpu.memory_space<hbm>> -> memref<10000x128xf32, #tpu.memory_space<hbm>>
        tpu.enqueue_indirect_dma source(%dma_start3A_254 : memref<10000x128xf32, #tpu.memory_space<hbm>>) target(%arg19 : memref<64x128xf32, #tpu.memory_space<vmem>>) offsets(%arg11 : memref<64xi32, #tpu.memory_space<vmem>>) semaphore(%arg32 : memref<!tpu.dma_semaphore, #tpu.memory_space<semaphore_mem>>)
      } else {
      }
      %dma_wait3A_129 = arith.constant 0 : i32
      %dma_wait3A_130 = arith.constant 0 : i32
      %dma_wait3A_131 = tpu.memref_slice %arg2[%dma_wait3A_129, %dma_wait3A_130] : memref<10000x128xf32, #tpu.memory_space<hbm>> -> memref<64x128xf32, #tpu.memory_space<hbm>>
      %dma_wait3A_132 = arith.constant 0 : i32
      %dma_wait3A_133 = arith.constant 0 : i32
      %dma_wait3A_134 = tpu.memref_slice %arg2[%dma_wait3A_132, %dma_wait3A_133] : memref<10000x128xf32, #tpu.memory_space<hbm>> -> memref<64x128xf32, #tpu.memory_space<hbm>>
      tpu.wait_dma2 semaphore(%arg30 : memref<!tpu.dma_semaphore, #tpu.memory_space<semaphore_mem>>) src(%dma_wait3A_134 : memref<64x128xf32, #tpu.memory_space<hbm>>) dst(%arg17 : memref<64x128xf32, #tpu.memory_space<vmem>>)
      %lt3A_135 = arith.constant 39 : i32
      %lt3A_136 = arith.cmpi slt, %scan3A_115, %lt3A_135 : i32
      %convert_element_type3A_137 = arith.extui %lt3A_136 : i1 to i32
      %cond3A_138 = arith.constant 0 : i32
      %cond3A_139 = arith.cmpi ne, %convert_element_type3A_137, %cond3A_138 : i32
      scf.if %cond3A_139 {
        %mul3A_241 = arith.constant 4 : i32
        %mul3A_242 = arith.muli %scan3A_115, %mul3A_241 : i32
        %add3A_243 = arith.constant 0 : i32
        %add3A_244 = arith.addi %mul3A_242, %add3A_243 : i32
        %add3A_245 = arith.constant 4 : i32
        %add3A_246 = arith.addi %add3A_244, %add3A_245 : i32
        %mul3A_247 = arith.constant 64 : i32
        %mul3A_248 = arith.muli %add3A_246, %mul3A_247 : i32
        %add3A_249 = arith.addi %mul3A_4, %mul3A_248 : i32
        %dma_start3A_250 = tpu.memref_slice %arg3[%add3A_249] : memref<327680xi32, #tpu.memory_space<hbm>> -> memref<64xi32, #tpu.memory_space<hbm>>
        %dma_start3A_251 = tpu.memref_slice %arg3[%add3A_249] : memref<327680xi32, #tpu.memory_space<hbm>> -> memref<64xi32, #tpu.memory_space<hbm>>
        tpu.enqueue_dma source(%dma_start3A_251 : memref<64xi32, #tpu.memory_space<hbm>>) target(%arg9 : memref<64xi32, #tpu.memory_space<vmem>>) target_semaphore(%arg22 : memref<!tpu.dma_semaphore, #tpu.memory_space<semaphore_mem>>)
      } else {
      }
      %dma_wait3A_140 = arith.constant 0 : i32
      %dma_wait3A_141 = tpu.memref_slice %arg4[%dma_wait3A_140] : memref<327680xi32, #tpu.memory_space<hbm>> -> memref<64xi32, #tpu.memory_space<hbm>>
      %dma_wait3A_142 = arith.constant 0 : i32
      %dma_wait3A_143 = tpu.memref_slice %arg4[%dma_wait3A_142] : memref<327680xi32, #tpu.memory_space<hbm>> -> memref<64xi32, #tpu.memory_space<hbm>>
      tpu.wait_dma2 semaphore(%arg26 : memref<!tpu.dma_semaphore, #tpu.memory_space<semaphore_mem>>) src(%dma_wait3A_143 : memref<64xi32, #tpu.memory_space<hbm>>) dst(%arg13 : memref<64xi32, #tpu.memory_space<vmem>>)
      %dma_start3A_144 = arith.constant 0 : i32
      %dma_start3A_145 = arith.constant 0 : i32
      %dma_start3A_146 = tpu.memref_slice %arg21[%dma_start3A_144, %dma_start3A_145] : memref<10008x128xf32, #tpu.memory_space<vmem_shared>> -> memref<10008x128xf32, #tpu.memory_space<vmem_shared>>
      tpu.enqueue_indirect_dma source(%arg17 : memref<64x128xf32, #tpu.memory_space<vmem>>) target(%dma_start3A_146 : memref<10008x128xf32, #tpu.memory_space<vmem_shared>>) offsets(%arg13 : memref<64xi32, #tpu.memory_space<vmem>>) semaphore(%arg34 : memref<!tpu.dma_semaphore, #tpu.memory_space<semaphore_mem>>) {add = true}
      %dma_start3A_147 = arith.constant 0 : i32
      %dma_start3A_148 = tpu.memref_slice %arg39[%dma_start3A_147] : memref<10008xf32, #tpu.memory_space<vmem_shared>> -> memref<10008xf32, #tpu.memory_space<vmem_shared>>
      tpu.enqueue_indirect_dma source(%arg38 : memref<64xf32, #tpu.memory_space<vmem>>) target(%dma_start3A_148 : memref<10008xf32, #tpu.memory_space<vmem_shared>>) offsets(%arg13 : memref<64xi32, #tpu.memory_space<vmem>>) semaphore(%arg40 : memref<!tpu.dma_semaphore, #tpu.memory_space<semaphore_mem>>) {add = true}
      %mul3A_149 = arith.constant 4 : i32
      %mul3A_150 = arith.muli %scan3A_115, %mul3A_149 : i32
      %add3A_151 = arith.constant 1 : i32
      %add3A_152 = arith.addi %mul3A_150, %add3A_151 : i32
      %gt3A_153 = arith.constant 0 : i32
      %gt3A_154 = arith.cmpi sgt, %scan3A_115, %gt3A_153 : i32
      %convert_element_type3A_155 = arith.extui %gt3A_154 : i1 to i32
      %cond3A_156 = arith.constant 0 : i32
      %cond3A_157 = arith.cmpi ne, %convert_element_type3A_155, %cond3A_156 : i32
      scf.if %cond3A_157 {
        %dma_wait3A_241 = arith.constant 0 : i32
        %dma_wait3A_242 = arith.constant 0 : i32
        %dma_wait3A_243 = tpu.memref_slice %arg21[%dma_wait3A_241, %dma_wait3A_242] : memref<10008x128xf32, #tpu.memory_space<vmem_shared>> -> memref<10008x128xf32, #tpu.memory_space<vmem_shared>>
        tpu.wait_indirect_dma semaphore(%arg37 : memref<!tpu.dma_semaphore, #tpu.memory_space<semaphore_mem>>) src(%arg20 : memref<64x128xf32, #tpu.memory_space<vmem>>) dst(%dma_wait3A_243 : memref<10008x128xf32, #tpu.memory_space<vmem_shared>>)
        %dma_wait3A_244 = arith.constant 0 : i32
        %dma_wait3A_245 = tpu.memref_slice %arg39[%dma_wait3A_244] : memref<10008xf32, #tpu.memory_space<vmem_shared>> -> memref<10008xf32, #tpu.memory_space<vmem_shared>>
        tpu.wait_indirect_dma semaphore(%arg43 : memref<!tpu.dma_semaphore, #tpu.memory_space<semaphore_mem>>) src(%arg38 : memref<64xf32, #tpu.memory_space<vmem>>) dst(%dma_wait3A_245 : memref<10008xf32, #tpu.memory_space<vmem_shared>>)
        %add3A_246 = arith.constant 2 : i32
        %add3A_247 = arith.addi %add3A_152, %add3A_246 : i32
        %mul3A_248 = arith.constant 64 : i32
        %mul3A_249 = arith.muli %add3A_247, %mul3A_248 : i32
        %add3A_250 = arith.addi %mul3A_4, %mul3A_249 : i32
        %dma_start3A_251 = tpu.memref_slice %arg4[%add3A_250] : memref<327680xi32, #tpu.memory_space<hbm>> -> memref<64xi32, #tpu.memory_space<hbm>>
        %dma_start3A_252 = tpu.memref_slice %arg4[%add3A_250] : memref<327680xi32, #tpu.memory_space<hbm>> -> memref<64xi32, #tpu.memory_space<hbm>>
        tpu.enqueue_dma source(%dma_start3A_252 : memref<64xi32, #tpu.memory_space<hbm>>) target(%arg16 : memref<64xi32, #tpu.memory_space<vmem>>) target_semaphore(%arg29 : memref<!tpu.dma_semaphore, #tpu.memory_space<semaphore_mem>>)
        %dma_wait3A_253 = arith.constant 0 : i32
        %dma_wait3A_254 = tpu.memref_slice %arg3[%dma_wait3A_253] : memref<327680xi32, #tpu.memory_space<hbm>> -> memref<64xi32, #tpu.memory_space<hbm>>
        %dma_wait3A_255 = arith.constant 0 : i32
        %dma_wait3A_256 = tpu.memref_slice %arg3[%dma_wait3A_255] : memref<327680xi32, #tpu.memory_space<hbm>> -> memref<64xi32, #tpu.memory_space<hbm>>
        tpu.wait_dma2 semaphore(%arg25 : memref<!tpu.dma_semaphore, #tpu.memory_space<semaphore_mem>>) src(%dma_wait3A_256 : memref<64xi32, #tpu.memory_space<hbm>>) dst(%arg12 : memref<64xi32, #tpu.memory_space<vmem>>)
        %dma_start3A_257 = arith.constant 0 : i32
        %dma_start3A_258 = arith.constant 0 : i32
        %dma_start3A_259 = tpu.memref_slice %arg2[%dma_start3A_257, %dma_start3A_258] : memref<10000x128xf32, #tpu.memory_space<hbm>> -> memref<10000x128xf32, #tpu.memory_space<hbm>>
        tpu.enqueue_indirect_dma source(%dma_start3A_259 : memref<10000x128xf32, #tpu.memory_space<hbm>>) target(%arg20 : memref<64x128xf32, #tpu.memory_space<vmem>>) offsets(%arg12 : memref<64xi32, #tpu.memory_space<vmem>>) semaphore(%arg33 : memref<!tpu.dma_semaphore, #tpu.memory_space<semaphore_mem>>)
      } else {
      }
      %eq3A_158 = arith.constant 0 : i32
      %eq3A_159 = arith.cmpi eq, %scan3A_115, %eq3A_158 : i32
      %convert_element_type3A_160 = arith.extui %eq3A_159 : i1 to i32
      %cond3A_161 = arith.constant 0 : i32
      %cond3A_162 = arith.cmpi ne, %convert_element_type3A_160, %cond3A_161 : i32
      scf.if %cond3A_162 {
        %add3A_241 = arith.constant 2 : i32
        %add3A_242 = arith.addi %add3A_152, %add3A_241 : i32
        %mul3A_243 = arith.constant 64 : i32
        %mul3A_244 = arith.muli %add3A_242, %mul3A_243 : i32
        %add3A_245 = arith.addi %mul3A_4, %mul3A_244 : i32
        %dma_start3A_246 = tpu.memref_slice %arg4[%add3A_245] : memref<327680xi32, #tpu.memory_space<hbm>> -> memref<64xi32, #tpu.memory_space<hbm>>
        %dma_start3A_247 = tpu.memref_slice %arg4[%add3A_245] : memref<327680xi32, #tpu.memory_space<hbm>> -> memref<64xi32, #tpu.memory_space<hbm>>
        tpu.enqueue_dma source(%dma_start3A_247 : memref<64xi32, #tpu.memory_space<hbm>>) target(%arg16 : memref<64xi32, #tpu.memory_space<vmem>>) target_semaphore(%arg29 : memref<!tpu.dma_semaphore, #tpu.memory_space<semaphore_mem>>)
        %dma_wait3A_248 = arith.constant 0 : i32
        %dma_wait3A_249 = tpu.memref_slice %arg3[%dma_wait3A_248] : memref<327680xi32, #tpu.memory_space<hbm>> -> memref<64xi32, #tpu.memory_space<hbm>>
        %dma_wait3A_250 = arith.constant 0 : i32
        %dma_wait3A_251 = tpu.memref_slice %arg3[%dma_wait3A_250] : memref<327680xi32, #tpu.memory_space<hbm>> -> memref<64xi32, #tpu.memory_space<hbm>>
        tpu.wait_dma2 semaphore(%arg25 : memref<!tpu.dma_semaphore, #tpu.memory_space<semaphore_mem>>) src(%dma_wait3A_251 : memref<64xi32, #tpu.memory_space<hbm>>) dst(%arg12 : memref<64xi32, #tpu.memory_space<vmem>>)
        %dma_start3A_252 = arith.constant 0 : i32
        %dma_start3A_253 = arith.constant 0 : i32
        %dma_start3A_254 = tpu.memref_slice %arg2[%dma_start3A_252, %dma_start3A_253] : memref<10000x128xf32, #tpu.memory_space<hbm>> -> memref<10000x128xf32, #tpu.memory_space<hbm>>
        tpu.enqueue_indirect_dma source(%dma_start3A_254 : memref<10000x128xf32, #tpu.memory_space<hbm>>) target(%arg20 : memref<64x128xf32, #tpu.memory_space<vmem>>) offsets(%arg12 : memref<64xi32, #tpu.memory_space<vmem>>) semaphore(%arg33 : memref<!tpu.dma_semaphore, #tpu.memory_space<semaphore_mem>>)
      } else {
      }
      %dma_wait3A_163 = arith.constant 0 : i32
      %dma_wait3A_164 = arith.constant 0 : i32
      %dma_wait3A_165 = tpu.memref_slice %arg2[%dma_wait3A_163, %dma_wait3A_164] : memref<10000x128xf32, #tpu.memory_space<hbm>> -> memref<64x128xf32, #tpu.memory_space<hbm>>
      %dma_wait3A_166 = arith.constant 0 : i32
      %dma_wait3A_167 = arith.constant 0 : i32
      %dma_wait3A_168 = tpu.memref_slice %arg2[%dma_wait3A_166, %dma_wait3A_167] : memref<10000x128xf32, #tpu.memory_space<hbm>> -> memref<64x128xf32, #tpu.memory_space<hbm>>
      tpu.wait_dma2 semaphore(%arg31 : memref<!tpu.dma_semaphore, #tpu.memory_space<semaphore_mem>>) src(%dma_wait3A_168 : memref<64x128xf32, #tpu.memory_space<hbm>>) dst(%arg18 : memref<64x128xf32, #tpu.memory_space<vmem>>)
      %lt3A_169 = arith.constant 39 : i32
      %lt3A_170 = arith.cmpi slt, %scan3A_115, %lt3A_169 : i32
      %convert_element_type3A_171 = arith.extui %lt3A_170 : i1 to i32
      %cond3A_172 = arith.constant 0 : i32
      %cond3A_173 = arith.cmpi ne, %convert_element_type3A_171, %cond3A_172 : i32
      scf.if %cond3A_173 {
        %mul3A_241 = arith.constant 4 : i32
        %mul3A_242 = arith.muli %scan3A_115, %mul3A_241 : i32
        %add3A_243 = arith.constant 1 : i32
        %add3A_244 = arith.addi %mul3A_242, %add3A_243 : i32
        %add3A_245 = arith.constant 4 : i32
        %add3A_246 = arith.addi %add3A_244, %add3A_245 : i32
        %mul3A_247 = arith.constant 64 : i32
        %mul3A_248 = arith.muli %add3A_246, %mul3A_247 : i32
        %add3A_249 = arith.addi %mul3A_4, %mul3A_248 : i32
        %dma_start3A_250 = tpu.memref_slice %arg3[%add3A_249] : memref<327680xi32, #tpu.memory_space<hbm>> -> memref<64xi32, #tpu.memory_space<hbm>>
        %dma_start3A_251 = tpu.memref_slice %arg3[%add3A_249] : memref<327680xi32, #tpu.memory_space<hbm>> -> memref<64xi32, #tpu.memory_space<hbm>>
        tpu.enqueue_dma source(%dma_start3A_251 : memref<64xi32, #tpu.memory_space<hbm>>) target(%arg10 : memref<64xi32, #tpu.memory_space<vmem>>) target_semaphore(%arg23 : memref<!tpu.dma_semaphore, #tpu.memory_space<semaphore_mem>>)
      } else {
      }
      %dma_wait3A_174 = arith.constant 0 : i32
      %dma_wait3A_175 = tpu.memref_slice %arg4[%dma_wait3A_174] : memref<327680xi32, #tpu.memory_space<hbm>> -> memref<64xi32, #tpu.memory_space<hbm>>
      %dma_wait3A_176 = arith.constant 0 : i32
      %dma_wait3A_177 = tpu.memref_slice %arg4[%dma_wait3A_176] : memref<327680xi32, #tpu.memory_space<hbm>> -> memref<64xi32, #tpu.memory_space<hbm>>
      tpu.wait_dma2 semaphore(%arg27 : memref<!tpu.dma_semaphore, #tpu.memory_space<semaphore_mem>>) src(%dma_wait3A_177 : memref<64xi32, #tpu.memory_space<hbm>>) dst(%arg14 : memref<64xi32, #tpu.memory_space<vmem>>)
      %dma_start3A_178 = arith.constant 0 : i32
      %dma_start3A_179 = arith.constant 0 : i32
      %dma_start3A_180 = tpu.memref_slice %arg21[%dma_start3A_178, %dma_start3A_179] : memref<10008x128xf32, #tpu.memory_space<vmem_shared>> -> memref<10008x128xf32, #tpu.memory_space<vmem_shared>>
      tpu.enqueue_indirect_dma source(%arg18 : memref<64x128xf32, #tpu.memory_space<vmem>>) target(%dma_start3A_180 : memref<10008x128xf32, #tpu.memory_space<vmem_shared>>) offsets(%arg14 : memref<64xi32, #tpu.memory_space<vmem>>) semaphore(%arg35 : memref<!tpu.dma_semaphore, #tpu.memory_space<semaphore_mem>>) {add = true}
      %dma_start3A_181 = arith.constant 0 : i32
      %dma_start3A_182 = tpu.memref_slice %arg39[%dma_start3A_181] : memref<10008xf32, #tpu.memory_space<vmem_shared>> -> memref<10008xf32, #tpu.memory_space<vmem_shared>>
      tpu.enqueue_indirect_dma source(%arg38 : memref<64xf32, #tpu.memory_space<vmem>>) target(%dma_start3A_182 : memref<10008xf32, #tpu.memory_space<vmem_shared>>) offsets(%arg14 : memref<64xi32, #tpu.memory_space<vmem>>) semaphore(%arg41 : memref<!tpu.dma_semaphore, #tpu.memory_space<semaphore_mem>>) {add = true}
      %mul3A_183 = arith.constant 4 : i32
      %mul3A_184 = arith.muli %scan3A_115, %mul3A_183 : i32
      %add3A_185 = arith.constant 2 : i32
      %add3A_186 = arith.addi %mul3A_184, %add3A_185 : i32
      %lt3A_187 = arith.constant 39 : i32
      %lt3A_188 = arith.cmpi slt, %scan3A_115, %lt3A_187 : i32
      %convert_element_type3A_189 = arith.extui %lt3A_188 : i1 to i32
      %cond3A_190 = arith.constant 0 : i32
      %cond3A_191 = arith.cmpi ne, %convert_element_type3A_189, %cond3A_190 : i32
      scf.if %cond3A_191 {
        %dma_wait3A_241 = arith.constant 0 : i32
        %dma_wait3A_242 = arith.constant 0 : i32
        %dma_wait3A_243 = tpu.memref_slice %arg21[%dma_wait3A_241, %dma_wait3A_242] : memref<10008x128xf32, #tpu.memory_space<vmem_shared>> -> memref<10008x128xf32, #tpu.memory_space<vmem_shared>>
        tpu.wait_indirect_dma semaphore(%arg34 : memref<!tpu.dma_semaphore, #tpu.memory_space<semaphore_mem>>) src(%arg17 : memref<64x128xf32, #tpu.memory_space<vmem>>) dst(%dma_wait3A_243 : memref<10008x128xf32, #tpu.memory_space<vmem_shared>>)
        %dma_wait3A_244 = arith.constant 0 : i32
        %dma_wait3A_245 = tpu.memref_slice %arg39[%dma_wait3A_244] : memref<10008xf32, #tpu.memory_space<vmem_shared>> -> memref<10008xf32, #tpu.memory_space<vmem_shared>>
        tpu.wait_indirect_dma semaphore(%arg40 : memref<!tpu.dma_semaphore, #tpu.memory_space<semaphore_mem>>) src(%arg38 : memref<64xf32, #tpu.memory_space<vmem>>) dst(%dma_wait3A_245 : memref<10008xf32, #tpu.memory_space<vmem_shared>>)
        %add3A_246 = arith.constant 2 : i32
        %add3A_247 = arith.addi %add3A_186, %add3A_246 : i32
        %mul3A_248 = arith.constant 64 : i32
        %mul3A_249 = arith.muli %add3A_247, %mul3A_248 : i32
        %add3A_250 = arith.addi %mul3A_4, %mul3A_249 : i32
        %dma_start3A_251 = tpu.memref_slice %arg4[%add3A_250] : memref<327680xi32, #tpu.memory_space<hbm>> -> memref<64xi32, #tpu.memory_space<hbm>>
        %dma_start3A_252 = tpu.memref_slice %arg4[%add3A_250] : memref<327680xi32, #tpu.memory_space<hbm>> -> memref<64xi32, #tpu.memory_space<hbm>>
        tpu.enqueue_dma source(%dma_start3A_252 : memref<64xi32, #tpu.memory_space<hbm>>) target(%arg13 : memref<64xi32, #tpu.memory_space<vmem>>) target_semaphore(%arg26 : memref<!tpu.dma_semaphore, #tpu.memory_space<semaphore_mem>>)
        %dma_wait3A_253 = arith.constant 0 : i32
        %dma_wait3A_254 = tpu.memref_slice %arg3[%dma_wait3A_253] : memref<327680xi32, #tpu.memory_space<hbm>> -> memref<64xi32, #tpu.memory_space<hbm>>
        %dma_wait3A_255 = arith.constant 0 : i32
        %dma_wait3A_256 = tpu.memref_slice %arg3[%dma_wait3A_255] : memref<327680xi32, #tpu.memory_space<hbm>> -> memref<64xi32, #tpu.memory_space<hbm>>
        tpu.wait_dma2 semaphore(%arg22 : memref<!tpu.dma_semaphore, #tpu.memory_space<semaphore_mem>>) src(%dma_wait3A_256 : memref<64xi32, #tpu.memory_space<hbm>>) dst(%arg9 : memref<64xi32, #tpu.memory_space<vmem>>)
        %dma_start3A_257 = arith.constant 0 : i32
        %dma_start3A_258 = arith.constant 0 : i32
        %dma_start3A_259 = tpu.memref_slice %arg2[%dma_start3A_257, %dma_start3A_258] : memref<10000x128xf32, #tpu.memory_space<hbm>> -> memref<10000x128xf32, #tpu.memory_space<hbm>>
        tpu.enqueue_indirect_dma source(%dma_start3A_259 : memref<10000x128xf32, #tpu.memory_space<hbm>>) target(%arg17 : memref<64x128xf32, #tpu.memory_space<vmem>>) offsets(%arg9 : memref<64xi32, #tpu.memory_space<vmem>>) semaphore(%arg30 : memref<!tpu.dma_semaphore, #tpu.memory_space<semaphore_mem>>)
      } else {
      }
      %dma_wait3A_192 = arith.constant 0 : i32
      %dma_wait3A_193 = arith.constant 0 : i32
      %dma_wait3A_194 = tpu.memref_slice %arg2[%dma_wait3A_192, %dma_wait3A_193] : memref<10000x128xf32, #tpu.memory_space<hbm>> -> memref<64x128xf32, #tpu.memory_space<hbm>>
      %dma_wait3A_195 = arith.constant 0 : i32
      %dma_wait3A_196 = arith.constant 0 : i32
      %dma_wait3A_197 = tpu.memref_slice %arg2[%dma_wait3A_195, %dma_wait3A_196] : memref<10000x128xf32, #tpu.memory_space<hbm>> -> memref<64x128xf32, #tpu.memory_space<hbm>>
      tpu.wait_dma2 semaphore(%arg32 : memref<!tpu.dma_semaphore, #tpu.memory_space<semaphore_mem>>) src(%dma_wait3A_197 : memref<64x128xf32, #tpu.memory_space<hbm>>) dst(%arg19 : memref<64x128xf32, #tpu.memory_space<vmem>>)
      %lt3A_198 = arith.constant 39 : i32
      %lt3A_199 = arith.cmpi slt, %scan3A_115, %lt3A_198 : i32
      %convert_element_type3A_200 = arith.extui %lt3A_199 : i1 to i32
      %cond3A_201 = arith.constant 0 : i32
      %cond3A_202 = arith.cmpi ne, %convert_element_type3A_200, %cond3A_201 : i32
      scf.if %cond3A_202 {
        %mul3A_241 = arith.constant 4 : i32
        %mul3A_242 = arith.muli %scan3A_115, %mul3A_241 : i32
        %add3A_243 = arith.constant 2 : i32
        %add3A_244 = arith.addi %mul3A_242, %add3A_243 : i32
        %add3A_245 = arith.constant 4 : i32
        %add3A_246 = arith.addi %add3A_244, %add3A_245 : i32
        %mul3A_247 = arith.constant 64 : i32
        %mul3A_248 = arith.muli %add3A_246, %mul3A_247 : i32
        %add3A_249 = arith.addi %mul3A_4, %mul3A_248 : i32
        %dma_start3A_250 = tpu.memref_slice %arg3[%add3A_249] : memref<327680xi32, #tpu.memory_space<hbm>> -> memref<64xi32, #tpu.memory_space<hbm>>
        %dma_start3A_251 = tpu.memref_slice %arg3[%add3A_249] : memref<327680xi32, #tpu.memory_space<hbm>> -> memref<64xi32, #tpu.memory_space<hbm>>
        tpu.enqueue_dma source(%dma_start3A_251 : memref<64xi32, #tpu.memory_space<hbm>>) target(%arg11 : memref<64xi32, #tpu.memory_space<vmem>>) target_semaphore(%arg24 : memref<!tpu.dma_semaphore, #tpu.memory_space<semaphore_mem>>)
      } else {
      }
      %dma_wait3A_203 = arith.constant 0 : i32
      %dma_wait3A_204 = tpu.memref_slice %arg4[%dma_wait3A_203] : memref<327680xi32, #tpu.memory_space<hbm>> -> memref<64xi32, #tpu.memory_space<hbm>>
      %dma_wait3A_205 = arith.constant 0 : i32
      %dma_wait3A_206 = tpu.memref_slice %arg4[%dma_wait3A_205] : memref<327680xi32, #tpu.memory_space<hbm>> -> memref<64xi32, #tpu.memory_space<hbm>>
      tpu.wait_dma2 semaphore(%arg28 : memref<!tpu.dma_semaphore, #tpu.memory_space<semaphore_mem>>) src(%dma_wait3A_206 : memref<64xi32, #tpu.memory_space<hbm>>) dst(%arg15 : memref<64xi32, #tpu.memory_space<vmem>>)
      %dma_start3A_207 = arith.constant 0 : i32
      %dma_start3A_208 = arith.constant 0 : i32
      %dma_start3A_209 = tpu.memref_slice %arg21[%dma_start3A_207, %dma_start3A_208] : memref<10008x128xf32, #tpu.memory_space<vmem_shared>> -> memref<10008x128xf32, #tpu.memory_space<vmem_shared>>
      tpu.enqueue_indirect_dma source(%arg19 : memref<64x128xf32, #tpu.memory_space<vmem>>) target(%dma_start3A_209 : memref<10008x128xf32, #tpu.memory_space<vmem_shared>>) offsets(%arg15 : memref<64xi32, #tpu.memory_space<vmem>>) semaphore(%arg36 : memref<!tpu.dma_semaphore, #tpu.memory_space<semaphore_mem>>) {add = true}
      %dma_start3A_210 = arith.constant 0 : i32
      %dma_start3A_211 = tpu.memref_slice %arg39[%dma_start3A_210] : memref<10008xf32, #tpu.memory_space<vmem_shared>> -> memref<10008xf32, #tpu.memory_space<vmem_shared>>
      tpu.enqueue_indirect_dma source(%arg38 : memref<64xf32, #tpu.memory_space<vmem>>) target(%dma_start3A_211 : memref<10008xf32, #tpu.memory_space<vmem_shared>>) offsets(%arg15 : memref<64xi32, #tpu.memory_space<vmem>>) semaphore(%arg42 : memref<!tpu.dma_semaphore, #tpu.memory_space<semaphore_mem>>) {add = true}
      %mul3A_212 = arith.constant 4 : i32
      %mul3A_213 = arith.muli %scan3A_115, %mul3A_212 : i32
      %add3A_214 = arith.constant 3 : i32
      %add3A_215 = arith.addi %mul3A_213, %add3A_214 : i32
      %lt3A_216 = arith.constant 39 : i32
      %lt3A_217 = arith.cmpi slt, %scan3A_115, %lt3A_216 : i32
      %convert_element_type3A_218 = arith.extui %lt3A_217 : i1 to i32
      %cond3A_219 = arith.constant 0 : i32
      %cond3A_220 = arith.cmpi ne, %convert_element_type3A_218, %cond3A_219 : i32
      scf.if %cond3A_220 {
        %dma_wait3A_241 = arith.constant 0 : i32
        %dma_wait3A_242 = arith.constant 0 : i32
        %dma_wait3A_243 = tpu.memref_slice %arg21[%dma_wait3A_241, %dma_wait3A_242] : memref<10008x128xf32, #tpu.memory_space<vmem_shared>> -> memref<10008x128xf32, #tpu.memory_space<vmem_shared>>
        tpu.wait_indirect_dma semaphore(%arg35 : memref<!tpu.dma_semaphore, #tpu.memory_space<semaphore_mem>>) src(%arg18 : memref<64x128xf32, #tpu.memory_space<vmem>>) dst(%dma_wait3A_243 : memref<10008x128xf32, #tpu.memory_space<vmem_shared>>)
        %dma_wait3A_244 = arith.constant 0 : i32
        %dma_wait3A_245 = tpu.memref_slice %arg39[%dma_wait3A_244] : memref<10008xf32, #tpu.memory_space<vmem_shared>> -> memref<10008xf32, #tpu.memory_space<vmem_shared>>
        tpu.wait_indirect_dma semaphore(%arg41 : memref<!tpu.dma_semaphore, #tpu.memory_space<semaphore_mem>>) src(%arg38 : memref<64xf32, #tpu.memory_space<vmem>>) dst(%dma_wait3A_245 : memref<10008xf32, #tpu.memory_space<vmem_shared>>)
        %add3A_246 = arith.constant 2 : i32
        %add3A_247 = arith.addi %add3A_215, %add3A_246 : i32
        %mul3A_248 = arith.constant 64 : i32
        %mul3A_249 = arith.muli %add3A_247, %mul3A_248 : i32
        %add3A_250 = arith.addi %mul3A_4, %mul3A_249 : i32
        %dma_start3A_251 = tpu.memref_slice %arg4[%add3A_250] : memref<327680xi32, #tpu.memory_space<hbm>> -> memref<64xi32, #tpu.memory_space<hbm>>
        %dma_start3A_252 = tpu.memref_slice %arg4[%add3A_250] : memref<327680xi32, #tpu.memory_space<hbm>> -> memref<64xi32, #tpu.memory_space<hbm>>
        tpu.enqueue_dma source(%dma_start3A_252 : memref<64xi32, #tpu.memory_space<hbm>>) target(%arg14 : memref<64xi32, #tpu.memory_space<vmem>>) target_semaphore(%arg27 : memref<!tpu.dma_semaphore, #tpu.memory_space<semaphore_mem>>)
        %dma_wait3A_253 = arith.constant 0 : i32
        %dma_wait3A_254 = tpu.memref_slice %arg3[%dma_wait3A_253] : memref<327680xi32, #tpu.memory_space<hbm>> -> memref<64xi32, #tpu.memory_space<hbm>>
        %dma_wait3A_255 = arith.constant 0 : i32
        %dma_wait3A_256 = tpu.memref_slice %arg3[%dma_wait3A_255] : memref<327680xi32, #tpu.memory_space<hbm>> -> memref<64xi32, #tpu.memory_space<hbm>>
        tpu.wait_dma2 semaphore(%arg23 : memref<!tpu.dma_semaphore, #tpu.memory_space<semaphore_mem>>) src(%dma_wait3A_256 : memref<64xi32, #tpu.memory_space<hbm>>) dst(%arg10 : memref<64xi32, #tpu.memory_space<vmem>>)
        %dma_start3A_257 = arith.constant 0 : i32
        %dma_start3A_258 = arith.constant 0 : i32
        %dma_start3A_259 = tpu.memref_slice %arg2[%dma_start3A_257, %dma_start3A_258] : memref<10000x128xf32, #tpu.memory_space<hbm>> -> memref<10000x128xf32, #tpu.memory_space<hbm>>
        tpu.enqueue_indirect_dma source(%dma_start3A_259 : memref<10000x128xf32, #tpu.memory_space<hbm>>) target(%arg18 : memref<64x128xf32, #tpu.memory_space<vmem>>) offsets(%arg10 : memref<64xi32, #tpu.memory_space<vmem>>) semaphore(%arg31 : memref<!tpu.dma_semaphore, #tpu.memory_space<semaphore_mem>>)
      } else {
      }
      %dma_wait3A_221 = arith.constant 0 : i32
      %dma_wait3A_222 = arith.constant 0 : i32
      %dma_wait3A_223 = tpu.memref_slice %arg2[%dma_wait3A_221, %dma_wait3A_222] : memref<10000x128xf32, #tpu.memory_space<hbm>> -> memref<64x128xf32, #tpu.memory_space<hbm>>
      %dma_wait3A_224 = arith.constant 0 : i32
      %dma_wait3A_225 = arith.constant 0 : i32
      %dma_wait3A_226 = tpu.memref_slice %arg2[%dma_wait3A_224, %dma_wait3A_225] : memref<10000x128xf32, #tpu.memory_space<hbm>> -> memref<64x128xf32, #tpu.memory_space<hbm>>
      tpu.wait_dma2 semaphore(%arg33 : memref<!tpu.dma_semaphore, #tpu.memory_space<semaphore_mem>>) src(%dma_wait3A_226 : memref<64x128xf32, #tpu.memory_space<hbm>>) dst(%arg20 : memref<64x128xf32, #tpu.memory_space<vmem>>)
      %lt3A_227 = arith.constant 39 : i32
      %lt3A_228 = arith.cmpi slt, %scan3A_115, %lt3A_227 : i32
      %convert_element_type3A_229 = arith.extui %lt3A_228 : i1 to i32
      %cond3A_230 = arith.constant 0 : i32
      %cond3A_231 = arith.cmpi ne, %convert_element_type3A_229, %cond3A_230 : i32
      scf.if %cond3A_231 {
        %mul3A_241 = arith.constant 4 : i32
        %mul3A_242 = arith.muli %scan3A_115, %mul3A_241 : i32
        %add3A_243 = arith.constant 3 : i32
        %add3A_244 = arith.addi %mul3A_242, %add3A_243 : i32
        %add3A_245 = arith.constant 4 : i32
        %add3A_246 = arith.addi %add3A_244, %add3A_245 : i32
        %mul3A_247 = arith.constant 64 : i32
        %mul3A_248 = arith.muli %add3A_246, %mul3A_247 : i32
        %add3A_249 = arith.addi %mul3A_4, %mul3A_248 : i32
        %dma_start3A_250 = tpu.memref_slice %arg3[%add3A_249] : memref<327680xi32, #tpu.memory_space<hbm>> -> memref<64xi32, #tpu.memory_space<hbm>>
        %dma_start3A_251 = tpu.memref_slice %arg3[%add3A_249] : memref<327680xi32, #tpu.memory_space<hbm>> -> memref<64xi32, #tpu.memory_space<hbm>>
        tpu.enqueue_dma source(%dma_start3A_251 : memref<64xi32, #tpu.memory_space<hbm>>) target(%arg12 : memref<64xi32, #tpu.memory_space<vmem>>) target_semaphore(%arg25 : memref<!tpu.dma_semaphore, #tpu.memory_space<semaphore_mem>>)
      } else {
      }
      %dma_wait3A_232 = arith.constant 0 : i32
      %dma_wait3A_233 = tpu.memref_slice %arg4[%dma_wait3A_232] : memref<327680xi32, #tpu.memory_space<hbm>> -> memref<64xi32, #tpu.memory_space<hbm>>
      %dma_wait3A_234 = arith.constant 0 : i32
      %dma_wait3A_235 = tpu.memref_slice %arg4[%dma_wait3A_234] : memref<327680xi32, #tpu.memory_space<hbm>> -> memref<64xi32, #tpu.memory_space<hbm>>
      tpu.wait_dma2 semaphore(%arg29 : memref<!tpu.dma_semaphore, #tpu.memory_space<semaphore_mem>>) src(%dma_wait3A_235 : memref<64xi32, #tpu.memory_space<hbm>>) dst(%arg16 : memref<64xi32, #tpu.memory_space<vmem>>)
      %dma_start3A_236 = arith.constant 0 : i32
      %dma_start3A_237 = arith.constant 0 : i32
      %dma_start3A_238 = tpu.memref_slice %arg21[%dma_start3A_236, %dma_start3A_237] : memref<10008x128xf32, #tpu.memory_space<vmem_shared>> -> memref<10008x128xf32, #tpu.memory_space<vmem_shared>>
      tpu.enqueue_indirect_dma source(%arg20 : memref<64x128xf32, #tpu.memory_space<vmem>>) target(%dma_start3A_238 : memref<10008x128xf32, #tpu.memory_space<vmem_shared>>) offsets(%arg16 : memref<64xi32, #tpu.memory_space<vmem>>) semaphore(%arg37 : memref<!tpu.dma_semaphore, #tpu.memory_space<semaphore_mem>>) {add = true}
      %dma_start3A_239 = arith.constant 0 : i32
      %dma_start3A_240 = tpu.memref_slice %arg39[%dma_start3A_239] : memref<10008xf32, #tpu.memory_space<vmem_shared>> -> memref<10008xf32, #tpu.memory_space<vmem_shared>>
      tpu.enqueue_indirect_dma source(%arg38 : memref<64xf32, #tpu.memory_space<vmem>>) target(%dma_start3A_240 : memref<10008xf32, #tpu.memory_space<vmem_shared>>) offsets(%arg16 : memref<64xi32, #tpu.memory_space<vmem>>) semaphore(%arg43 : memref<!tpu.dma_semaphore, #tpu.memory_space<semaphore_mem>>) {add = true}
    }
    %scan3A_78 = arith.constant 40 : i32
    %dma_wait3A_79 = arith.constant 0 : i32
    %dma_wait3A_80 = arith.constant 0 : i32
    %dma_wait3A_81 = tpu.memref_slice %arg21[%dma_wait3A_79, %dma_wait3A_80] : memref<10008x128xf32, #tpu.memory_space<vmem_shared>> -> memref<10008x128xf32, #tpu.memory_space<vmem_shared>>
    tpu.wait_indirect_dma semaphore(%arg34 : memref<!tpu.dma_semaphore, #tpu.memory_space<semaphore_mem>>) src(%arg17 : memref<64x128xf32, #tpu.memory_space<vmem>>) dst(%dma_wait3A_81 : memref<10008x128xf32, #tpu.memory_space<vmem_shared>>)
    %dma_wait3A_82 = arith.constant 0 : i32
    %dma_wait3A_83 = tpu.memref_slice %arg39[%dma_wait3A_82] : memref<10008xf32, #tpu.memory_space<vmem_shared>> -> memref<10008xf32, #tpu.memory_space<vmem_shared>>
    tpu.wait_indirect_dma semaphore(%arg40 : memref<!tpu.dma_semaphore, #tpu.memory_space<semaphore_mem>>) src(%arg38 : memref<64xf32, #tpu.memory_space<vmem>>) dst(%dma_wait3A_83 : memref<10008xf32, #tpu.memory_space<vmem_shared>>)
    %dma_wait3A_84 = arith.constant 0 : i32
    %dma_wait3A_85 = arith.constant 0 : i32
    %dma_wait3A_86 = tpu.memref_slice %arg21[%dma_wait3A_84, %dma_wait3A_85] : memref<10008x128xf32, #tpu.memory_space<vmem_shared>> -> memref<10008x128xf32, #tpu.memory_space<vmem_shared>>
    tpu.wait_indirect_dma semaphore(%arg35 : memref<!tpu.dma_semaphore, #tpu.memory_space<semaphore_mem>>) src(%arg18 : memref<64x128xf32, #tpu.memory_space<vmem>>) dst(%dma_wait3A_86 : memref<10008x128xf32, #tpu.memory_space<vmem_shared>>)
    %dma_wait3A_87 = arith.constant 0 : i32
    %dma_wait3A_88 = tpu.memref_slice %arg39[%dma_wait3A_87] : memref<10008xf32, #tpu.memory_space<vmem_shared>> -> memref<10008xf32, #tpu.memory_space<vmem_shared>>
    tpu.wait_indirect_dma semaphore(%arg41 : memref<!tpu.dma_semaphore, #tpu.memory_space<semaphore_mem>>) src(%arg38 : memref<64xf32, #tpu.memory_space<vmem>>) dst(%dma_wait3A_88 : memref<10008xf32, #tpu.memory_space<vmem_shared>>)
    %dma_wait3A_89 = arith.constant 0 : i32
    %dma_wait3A_90 = arith.constant 0 : i32
    %dma_wait3A_91 = tpu.memref_slice %arg21[%dma_wait3A_89, %dma_wait3A_90] : memref<10008x128xf32, #tpu.memory_space<vmem_shared>> -> memref<10008x128xf32, #tpu.memory_space<vmem_shared>>
    tpu.wait_indirect_dma semaphore(%arg36 : memref<!tpu.dma_semaphore, #tpu.memory_space<semaphore_mem>>) src(%arg19 : memref<64x128xf32, #tpu.memory_space<vmem>>) dst(%dma_wait3A_91 : memref<10008x128xf32, #tpu.memory_space<vmem_shared>>)
    %dma_wait3A_92 = arith.constant 0 : i32
    %dma_wait3A_93 = tpu.memref_slice %arg39[%dma_wait3A_92] : memref<10008xf32, #tpu.memory_space<vmem_shared>> -> memref<10008xf32, #tpu.memory_space<vmem_shared>>
    tpu.wait_indirect_dma semaphore(%arg42 : memref<!tpu.dma_semaphore, #tpu.memory_space<semaphore_mem>>) src(%arg38 : memref<64xf32, #tpu.memory_space<vmem>>) dst(%dma_wait3A_93 : memref<10008xf32, #tpu.memory_space<vmem_shared>>)
    %dma_wait3A_94 = arith.constant 0 : i32
    %dma_wait3A_95 = arith.constant 0 : i32
    %dma_wait3A_96 = tpu.memref_slice %arg21[%dma_wait3A_94, %dma_wait3A_95] : memref<10008x128xf32, #tpu.memory_space<vmem_shared>> -> memref<10008x128xf32, #tpu.memory_space<vmem_shared>>
    tpu.wait_indirect_dma semaphore(%arg37 : memref<!tpu.dma_semaphore, #tpu.memory_space<semaphore_mem>>) src(%arg20 : memref<64x128xf32, #tpu.memory_space<vmem>>) dst(%dma_wait3A_96 : memref<10008x128xf32, #tpu.memory_space<vmem_shared>>)
    %dma_wait3A_97 = arith.constant 0 : i32
    %dma_wait3A_98 = tpu.memref_slice %arg39[%dma_wait3A_97] : memref<10008xf32, #tpu.memory_space<vmem_shared>> -> memref<10008xf32, #tpu.memory_space<vmem_shared>>
    tpu.wait_indirect_dma semaphore(%arg43 : memref<!tpu.dma_semaphore, #tpu.memory_space<semaphore_mem>>) src(%arg38 : memref<64xf32, #tpu.memory_space<vmem>>) dst(%dma_wait3A_98 : memref<10008xf32, #tpu.memory_space<vmem_shared>>)
    %barrier3A_99 = arith.constant 0 : index
    tpu.barrier barrier_id(%barrier3A_99)
    %lt3A_100 = arith.constant 15 : i32
    %lt3A_101 = arith.cmpi slt, %arg1, %lt3A_100 : i32
    %convert_element_type3A_102 = arith.extui %lt3A_101 : i1 to i32
    %cond3A_103 = arith.constant 0 : i32
    %cond3A_104 = arith.cmpi ne, %convert_element_type3A_102, %cond3A_103 : i32
    scf.if %cond3A_104 {
      %mul3A_115 = arith.constant 632 : i32
      %mul3A_116 = arith.muli %arg1, %mul3A_115 : i32
      %mul3A_117 = arith.constant 632 : i32
      %mul3A_118 = arith.muli %arg1, %mul3A_117 : i32
      "tpu.region"() ({
        %run_scoped3A = tpu.sem_alloc : memref<!tpu.dma_semaphore, #tpu.memory_space<semaphore_mem>>
        %dma_start3A_119 = arith.constant 0 : i32
        %dma_start3A_120 = arith.constant 0 : i32
        %dma_start3A_121 = tpu.memref_slice %arg7[%arg0, %dma_start3A_119, %dma_start3A_120] : memref<2x10000x128xf32, #tpu.memory_space<hbm>> -> memref<1x10000x128xf32, #tpu.memory_space<hbm>>
        %dma_start3A_122 = tpu.memref_squeeze %dma_start3A_121 : memref<1x10000x128xf32, #tpu.memory_space<hbm>> -> memref<10000x128xf32, #tpu.memory_space<hbm>>
        %dma_start3A_123 = arith.constant 0 : i32
        %dma_start3A_124 = tpu.memref_slice %dma_start3A_122[%mul3A_118, %dma_start3A_123] : memref<10000x128xf32, #tpu.memory_space<hbm>> -> memref<632x128xf32, #tpu.memory_space<hbm>>
        %dma_start3A_125 = arith.constant 0 : i32
        %dma_start3A_126 = tpu.memref_slice %arg21[%mul3A_116, %dma_start3A_125] : memref<10008x128xf32, #tpu.memory_space<vmem_shared>> -> memref<632x128xf32, #tpu.memory_space<vmem_shared>>
        tpu.enqueue_dma source(%dma_start3A_126 : memref<632x128xf32, #tpu.memory_space<vmem_shared>>) target(%dma_start3A_124 : memref<632x128xf32, #tpu.memory_space<hbm>>) target_semaphore(%run_scoped3A : memref<!tpu.dma_semaphore, #tpu.memory_space<semaphore_mem>>)
        %dma_wait3A_127 = arith.constant 0 : i32
        %dma_wait3A_128 = arith.constant 0 : i32
        %dma_wait3A_129 = tpu.memref_slice %arg7[%arg0, %dma_wait3A_127, %dma_wait3A_128] : memref<2x10000x128xf32, #tpu.memory_space<hbm>> -> memref<1x10000x128xf32, #tpu.memory_space<hbm>>
        %dma_wait3A_130 = tpu.memref_squeeze %dma_wait3A_129 : memref<1x10000x128xf32, #tpu.memory_space<hbm>> -> memref<10000x128xf32, #tpu.memory_space<hbm>>
        %dma_wait3A_131 = arith.constant 0 : i32
        %dma_wait3A_132 = tpu.memref_slice %dma_wait3A_130[%mul3A_118, %dma_wait3A_131] : memref<10000x128xf32, #tpu.memory_space<hbm>> -> memref<632x128xf32, #tpu.memory_space<hbm>>
        %dma_wait3A_133 = arith.constant 0 : i32
        %dma_wait3A_134 = tpu.memref_slice %arg21[%mul3A_116, %dma_wait3A_133] : memref<10008x128xf32, #tpu.memory_space<vmem_shared>> -> memref<632x128xf32, #tpu.memory_space<vmem_shared>>
        tpu.wait_dma2 semaphore(%run_scoped3A : memref<!tpu.dma_semaphore, #tpu.memory_space<semaphore_mem>>) src(%dma_wait3A_134 : memref<632x128xf32, #tpu.memory_space<vmem_shared>>) dst(%dma_wait3A_132 : memref<632x128xf32, #tpu.memory_space<hbm>>)
        tpu.yield
      }) : () -> ()
    } else {
    }
    %eq3A_105 = arith.constant 15 : i32
    %eq3A_106 = arith.cmpi eq, %arg1, %eq3A_105 : i32
    %convert_element_type3A_107 = arith.extui %eq3A_106 : i1 to i32
    %cond3A_108 = arith.constant 0 : i32
    %cond3A_109 = arith.cmpi ne, %convert_element_type3A_107, %cond3A_108 : i32
    scf.if %cond3A_109 {
      "tpu.region"() ({
        %run_scoped3A = tpu.sem_alloc : memref<!tpu.dma_semaphore, #tpu.memory_space<semaphore_mem>>
        %dma_start3A_115 = arith.constant 0 : i32
        %dma_start3A_116 = arith.constant 0 : i32
        %dma_start3A_117 = tpu.memref_slice %arg7[%arg0, %dma_start3A_115, %dma_start3A_116] : memref<2x10000x128xf32, #tpu.memory_space<hbm>> -> memref<1x10000x128xf32, #tpu.memory_space<hbm>>
        %dma_start3A_118 = tpu.memref_squeeze %dma_start3A_117 : memref<1x10000x128xf32, #tpu.memory_space<hbm>> -> memref<10000x128xf32, #tpu.memory_space<hbm>>
        %dma_start3A_119 = arith.constant 9480 : i32
        %dma_start3A_120 = arith.constant 0 : i32
        %dma_start3A_121 = tpu.memref_slice %dma_start3A_118[%dma_start3A_119, %dma_start3A_120] : memref<10000x128xf32, #tpu.memory_space<hbm>> -> memref<520x128xf32, #tpu.memory_space<hbm>>
        %dma_start3A_122 = arith.constant 9480 : i32
        %dma_start3A_123 = arith.constant 0 : i32
        %dma_start3A_124 = tpu.memref_slice %arg21[%dma_start3A_122, %dma_start3A_123] : memref<10008x128xf32, #tpu.memory_space<vmem_shared>> -> memref<520x128xf32, #tpu.memory_space<vmem_shared>>
        tpu.enqueue_dma source(%dma_start3A_124 : memref<520x128xf32, #tpu.memory_space<vmem_shared>>) target(%dma_start3A_121 : memref<520x128xf32, #tpu.memory_space<hbm>>) target_semaphore(%run_scoped3A : memref<!tpu.dma_semaphore, #tpu.memory_space<semaphore_mem>>)
        %dma_wait3A_125 = arith.constant 0 : i32
        %dma_wait3A_126 = arith.constant 0 : i32
        %dma_wait3A_127 = tpu.memref_slice %arg7[%arg0, %dma_wait3A_125, %dma_wait3A_126] : memref<2x10000x128xf32, #tpu.memory_space<hbm>> -> memref<1x10000x128xf32, #tpu.memory_space<hbm>>
        %dma_wait3A_128 = tpu.memref_squeeze %dma_wait3A_127 : memref<1x10000x128xf32, #tpu.memory_space<hbm>> -> memref<10000x128xf32, #tpu.memory_space<hbm>>
        %dma_wait3A_129 = arith.constant 9480 : i32
        %dma_wait3A_130 = arith.constant 0 : i32
        %dma_wait3A_131 = tpu.memref_slice %dma_wait3A_128[%dma_wait3A_129, %dma_wait3A_130] : memref<10000x128xf32, #tpu.memory_space<hbm>> -> memref<520x128xf32, #tpu.memory_space<hbm>>
        %dma_wait3A_132 = arith.constant 9480 : i32
        %dma_wait3A_133 = arith.constant 0 : i32
        %dma_wait3A_134 = tpu.memref_slice %arg21[%dma_wait3A_132, %dma_wait3A_133] : memref<10008x128xf32, #tpu.memory_space<vmem_shared>> -> memref<520x128xf32, #tpu.memory_space<vmem_shared>>
        tpu.wait_dma2 semaphore(%run_scoped3A : memref<!tpu.dma_semaphore, #tpu.memory_space<semaphore_mem>>) src(%dma_wait3A_134 : memref<520x128xf32, #tpu.memory_space<vmem_shared>>) dst(%dma_wait3A_131 : memref<520x128xf32, #tpu.memory_space<hbm>>)
        tpu.yield
      }) : () -> ()
    } else {
    }
    %eq3A_110 = arith.constant 0 : i32
    %eq3A_111 = arith.cmpi eq, %arg1, %eq3A_110 : i32
    %convert_element_type3A_112 = arith.extui %eq3A_111 : i1 to i32
    %cond3A_113 = arith.constant 0 : i32
    %cond3A_114 = arith.cmpi ne, %convert_element_type3A_112, %cond3A_113 : i32
    scf.if %cond3A_114 {
      "tpu.region"() ({
        %run_scoped3A = tpu.sem_alloc : memref<!tpu.dma_semaphore, #tpu.memory_space<semaphore_mem>>
        %dma_start3A_115 = arith.constant 0 : i32
        %dma_start3A_116 = tpu.memref_slice %arg8[%arg0, %dma_start3A_115] : memref<2x10008xf32, #tpu.memory_space<hbm>> -> memref<1x10008xf32, #tpu.memory_space<hbm>>
        %dma_start3A_117 = tpu.memref_squeeze %dma_start3A_116 : memref<1x10008xf32, #tpu.memory_space<hbm>> -> memref<10008xf32, #tpu.memory_space<hbm>>
        tpu.enqueue_dma source(%arg39 : memref<10008xf32, #tpu.memory_space<vmem_shared>>) target(%dma_start3A_117 : memref<10008xf32, #tpu.memory_space<hbm>>) target_semaphore(%run_scoped3A : memref<!tpu.dma_semaphore, #tpu.memory_space<semaphore_mem>>)
        %dma_wait3A_118 = arith.constant 0 : i32
        %dma_wait3A_119 = tpu.memref_slice %arg8[%arg0, %dma_wait3A_118] : memref<2x10008xf32, #tpu.memory_space<hbm>> -> memref<1x10008xf32, #tpu.memory_space<hbm>>
        %dma_wait3A_120 = tpu.memref_squeeze %dma_wait3A_119 : memref<1x10008xf32, #tpu.memory_space<hbm>> -> memref<10008xf32, #tpu.memory_space<hbm>>
        tpu.wait_dma2 semaphore(%run_scoped3A : memref<!tpu.dma_semaphore, #tpu.memory_space<semaphore_mem>>) src(%arg39 : memref<10008xf32, #tpu.memory_space<vmem_shared>>) dst(%dma_wait3A_120 : memref<10008xf32, #tpu.memory_space<hbm>>)
        tpu.yield
      }) : () -> ()
    } else {
    }
    return
  }
}

#map = affine_map<(d0, d1) -> (0, 0)>
#map1 = affine_map<(d0, d1) -> (0)>
#map2 = affine_map<(d0, d1) -> (0, 0, 0)>
module attributes {stable_mosaic.version = 14 : i64} {
  func.func @body(%arg0: i32, %arg1: i32, %arg2: memref<10000x128xf32, #tpu.memory_space<hbm>>, %arg3: memref<327680xi32, #tpu.memory_space<hbm>>, %arg4: memref<327680xi32, #tpu.memory_space<hbm>>, %arg5: memref<10000x128xf32, #tpu.memory_space<hbm>>, %arg6: memref<2x10000x128xf32, #tpu.memory_space<hbm>>, %arg7: memref<64xi32, #tpu.memory_space<vmem>>, %arg8: memref<64xi32, #tpu.memory_space<vmem>>, %arg9: memref<64xi32, #tpu.memory_space<vmem>>, %arg10: memref<64xi32, #tpu.memory_space<vmem>>, %arg11: memref<64xi32, #tpu.memory_space<vmem>>, %arg12: memref<64xi32, #tpu.memory_space<vmem>>, %arg13: memref<64xi32, #tpu.memory_space<vmem>>, %arg14: memref<64xi32, #tpu.memory_space<vmem>>, %arg15: memref<64x128xf32, #tpu.memory_space<vmem>>, %arg16: memref<64x128xf32, #tpu.memory_space<vmem>>, %arg17: memref<64x128xf32, #tpu.memory_space<vmem>>, %arg18: memref<64x128xf32, #tpu.memory_space<vmem>>, %arg19: memref<10008x128xf32, #tpu.memory_space<vmem_shared>>, %arg20: memref<!tpu.dma_semaphore, #tpu.memory_space<semaphore_mem>>, %arg21: memref<!tpu.dma_semaphore, #tpu.memory_space<semaphore_mem>>, %arg22: memref<!tpu.dma_semaphore, #tpu.memory_space<semaphore_mem>>, %arg23: memref<!tpu.dma_semaphore, #tpu.memory_space<semaphore_mem>>, %arg24: memref<!tpu.dma_semaphore, #tpu.memory_space<semaphore_mem>>, %arg25: memref<!tpu.dma_semaphore, #tpu.memory_space<semaphore_mem>>, %arg26: memref<!tpu.dma_semaphore, #tpu.memory_space<semaphore_mem>>, %arg27: memref<!tpu.dma_semaphore, #tpu.memory_space<semaphore_mem>>, %arg28: memref<!tpu.dma_semaphore, #tpu.memory_space<semaphore_mem>>, %arg29: memref<!tpu.dma_semaphore, #tpu.memory_space<semaphore_mem>>, %arg30: memref<!tpu.dma_semaphore, #tpu.memory_space<semaphore_mem>>, %arg31: memref<!tpu.dma_semaphore, #tpu.memory_space<semaphore_mem>>, %arg32: memref<!tpu.dma_semaphore, #tpu.memory_space<semaphore_mem>>, %arg33: memref<!tpu.dma_semaphore, #tpu.memory_space<semaphore_mem>>, %arg34: memref<!tpu.dma_semaphore, #tpu.memory_space<semaphore_mem>>, %arg35: memref<!tpu.dma_semaphore, #tpu.memory_space<semaphore_mem>>) attributes {dimension_semantics = [#tpu.dimension_semantics<core_parallel>, #tpu.dimension_semantics<subcore_parallel>], iteration_bounds = array<i64: 2, 16>, scalar_prefetch = 0 : i64, scratch_operands = 29 : i64, tpu.core_type = #tpu.core_type<sc_vector_subcore>, window_params = [{transform_indices = #map}, {transform_indices = #map1}, {transform_indices = #map1}, {transform_indices = #map}, {transform_indices = #map2}]} {
    %mul3A = arith.constant 2 : i32
    %mul3A_0 = arith.muli %arg1, %mul3A : i32
    %add3A = arith.addi %mul3A_0, %arg0 : i32
    %mul3A_1 = arith.constant 160 : i32
    %mul3A_2 = arith.muli %add3A, %mul3A_1 : i32
    %mul3A_3 = arith.constant 64 : i32
    %mul3A_4 = arith.muli %mul3A_2, %mul3A_3 : i32
    %add3A_5 = arith.constant 0 : i32
    %add3A_6 = arith.addi %mul3A_4, %add3A_5 : i32
    %dma_start3A = tpu.memref_slice %arg3[%add3A_6] : memref<327680xi32, #tpu.memory_space<hbm>> -> memref<64xi32, #tpu.memory_space<hbm>>
    %dma_start3A_7 = tpu.memref_slice %arg3[%add3A_6] : memref<327680xi32, #tpu.memory_space<hbm>> -> memref<64xi32, #tpu.memory_space<hbm>>
    tpu.enqueue_dma source(%dma_start3A_7 : memref<64xi32, #tpu.memory_space<hbm>>) target(%arg7 : memref<64xi32, #tpu.memory_space<vmem>>) target_semaphore(%arg20 : memref<!tpu.dma_semaphore, #tpu.memory_space<semaphore_mem>>)
    %add3A_8 = arith.constant 64 : i32
    %add3A_9 = arith.addi %mul3A_4, %add3A_8 : i32
    %dma_start3A_10 = tpu.memref_slice %arg3[%add3A_9] : memref<327680xi32, #tpu.memory_space<hbm>> -> memref<64xi32, #tpu.memory_space<hbm>>
    %dma_start3A_11 = tpu.memref_slice %arg3[%add3A_9] : memref<327680xi32, #tpu.memory_space<hbm>> -> memref<64xi32, #tpu.memory_space<hbm>>
    tpu.enqueue_dma source(%dma_start3A_11 : memref<64xi32, #tpu.memory_space<hbm>>) target(%arg8 : memref<64xi32, #tpu.memory_space<vmem>>) target_semaphore(%arg21 : memref<!tpu.dma_semaphore, #tpu.memory_space<semaphore_mem>>)
    %add3A_12 = arith.constant 128 : i32
    %add3A_13 = arith.addi %mul3A_4, %add3A_12 : i32
    %dma_start3A_14 = tpu.memref_slice %arg3[%add3A_13] : memref<327680xi32, #tpu.memory_space<hbm>> -> memref<64xi32, #tpu.memory_space<hbm>>
    %dma_start3A_15 = tpu.memref_slice %arg3[%add3A_13] : memref<327680xi32, #tpu.memory_space<hbm>> -> memref<64xi32, #tpu.memory_space<hbm>>
    tpu.enqueue_dma source(%dma_start3A_15 : memref<64xi32, #tpu.memory_space<hbm>>) target(%arg9 : memref<64xi32, #tpu.memory_space<vmem>>) target_semaphore(%arg22 : memref<!tpu.dma_semaphore, #tpu.memory_space<semaphore_mem>>)
    %add3A_16 = arith.constant 192 : i32
    %add3A_17 = arith.addi %mul3A_4, %add3A_16 : i32
    %dma_start3A_18 = tpu.memref_slice %arg3[%add3A_17] : memref<327680xi32, #tpu.memory_space<hbm>> -> memref<64xi32, #tpu.memory_space<hbm>>
    %dma_start3A_19 = tpu.memref_slice %arg3[%add3A_17] : memref<327680xi32, #tpu.memory_space<hbm>> -> memref<64xi32, #tpu.memory_space<hbm>>
    tpu.enqueue_dma source(%dma_start3A_19 : memref<64xi32, #tpu.memory_space<hbm>>) target(%arg10 : memref<64xi32, #tpu.memory_space<vmem>>) target_semaphore(%arg23 : memref<!tpu.dma_semaphore, #tpu.memory_space<semaphore_mem>>)
    %add3A_20 = arith.constant 0 : i32
    %add3A_21 = arith.addi %mul3A_4, %add3A_20 : i32
    %dma_start3A_22 = tpu.memref_slice %arg4[%add3A_21] : memref<327680xi32, #tpu.memory_space<hbm>> -> memref<64xi32, #tpu.memory_space<hbm>>
    %dma_start3A_23 = tpu.memref_slice %arg4[%add3A_21] : memref<327680xi32, #tpu.memory_space<hbm>> -> memref<64xi32, #tpu.memory_space<hbm>>
    tpu.enqueue_dma source(%dma_start3A_23 : memref<64xi32, #tpu.memory_space<hbm>>) target(%arg11 : memref<64xi32, #tpu.memory_space<vmem>>) target_semaphore(%arg24 : memref<!tpu.dma_semaphore, #tpu.memory_space<semaphore_mem>>)
    %add3A_24 = arith.constant 64 : i32
    %add3A_25 = arith.addi %mul3A_4, %add3A_24 : i32
    %dma_start3A_26 = tpu.memref_slice %arg4[%add3A_25] : memref<327680xi32, #tpu.memory_space<hbm>> -> memref<64xi32, #tpu.memory_space<hbm>>
    %dma_start3A_27 = tpu.memref_slice %arg4[%add3A_25] : memref<327680xi32, #tpu.memory_space<hbm>> -> memref<64xi32, #tpu.memory_space<hbm>>
    tpu.enqueue_dma source(%dma_start3A_27 : memref<64xi32, #tpu.memory_space<hbm>>) target(%arg12 : memref<64xi32, #tpu.memory_space<vmem>>) target_semaphore(%arg25 : memref<!tpu.dma_semaphore, #tpu.memory_space<semaphore_mem>>)
    %dma_wait3A = arith.constant 0 : i32
    %dma_wait3A_28 = tpu.memref_slice %arg3[%dma_wait3A] : memref<327680xi32, #tpu.memory_space<hbm>> -> memref<64xi32, #tpu.memory_space<hbm>>
    %dma_wait3A_29 = arith.constant 0 : i32
    %dma_wait3A_30 = tpu.memref_slice %arg3[%dma_wait3A_29] : memref<327680xi32, #tpu.memory_space<hbm>> -> memref<64xi32, #tpu.memory_space<hbm>>
    tpu.wait_dma2 semaphore(%arg20 : memref<!tpu.dma_semaphore, #tpu.memory_space<semaphore_mem>>) src(%dma_wait3A_30 : memref<64xi32, #tpu.memory_space<hbm>>) dst(%arg7 : memref<64xi32, #tpu.memory_space<vmem>>)
    %dma_start3A_31 = arith.constant 0 : i32
    %dma_start3A_32 = arith.constant 0 : i32
    %dma_start3A_33 = tpu.memref_slice %arg2[%dma_start3A_31, %dma_start3A_32] : memref<10000x128xf32, #tpu.memory_space<hbm>> -> memref<10000x128xf32, #tpu.memory_space<hbm>>
    tpu.enqueue_indirect_dma source(%dma_start3A_33 : memref<10000x128xf32, #tpu.memory_space<hbm>>) target(%arg15 : memref<64x128xf32, #tpu.memory_space<vmem>>) offsets(%arg7 : memref<64xi32, #tpu.memory_space<vmem>>) semaphore(%arg28 : memref<!tpu.dma_semaphore, #tpu.memory_space<semaphore_mem>>)
    %dma_wait3A_34 = arith.constant 0 : i32
    %dma_wait3A_35 = tpu.memref_slice %arg3[%dma_wait3A_34] : memref<327680xi32, #tpu.memory_space<hbm>> -> memref<64xi32, #tpu.memory_space<hbm>>
    %dma_wait3A_36 = arith.constant 0 : i32
    %dma_wait3A_37 = tpu.memref_slice %arg3[%dma_wait3A_36] : memref<327680xi32, #tpu.memory_space<hbm>> -> memref<64xi32, #tpu.memory_space<hbm>>
    tpu.wait_dma2 semaphore(%arg21 : memref<!tpu.dma_semaphore, #tpu.memory_space<semaphore_mem>>) src(%dma_wait3A_37 : memref<64xi32, #tpu.memory_space<hbm>>) dst(%arg8 : memref<64xi32, #tpu.memory_space<vmem>>)
    %dma_start3A_38 = arith.constant 0 : i32
    %dma_start3A_39 = arith.constant 0 : i32
    %dma_start3A_40 = tpu.memref_slice %arg2[%dma_start3A_38, %dma_start3A_39] : memref<10000x128xf32, #tpu.memory_space<hbm>> -> memref<10000x128xf32, #tpu.memory_space<hbm>>
    tpu.enqueue_indirect_dma source(%dma_start3A_40 : memref<10000x128xf32, #tpu.memory_space<hbm>>) target(%arg16 : memref<64x128xf32, #tpu.memory_space<vmem>>) offsets(%arg8 : memref<64xi32, #tpu.memory_space<vmem>>) semaphore(%arg29 : memref<!tpu.dma_semaphore, #tpu.memory_space<semaphore_mem>>)
    %lt3A = arith.constant 15 : i32
    %lt3A_41 = arith.cmpi slt, %arg1, %lt3A : i32
    %convert_element_type3A = arith.extui %lt3A_41 : i1 to i32
    %cond3A = arith.constant 0 : i32
    %cond3A_42 = arith.cmpi ne, %convert_element_type3A, %cond3A : i32
    scf.if %cond3A_42 {
      %mul3A_75 = arith.constant 632 : i32
      %mul3A_76 = arith.muli %arg1, %mul3A_75 : i32
      %mul3A_77 = arith.constant 632 : i32
      %mul3A_78 = arith.muli %arg1, %mul3A_77 : i32
      "tpu.region"() ({
        %run_scoped3A = tpu.sem_alloc : memref<!tpu.dma_semaphore, #tpu.memory_space<semaphore_mem>>
        %dma_start3A_79 = arith.constant 0 : i32
        %dma_start3A_80 = tpu.memref_slice %arg19[%mul3A_78, %dma_start3A_79] : memref<10008x128xf32, #tpu.memory_space<vmem_shared>> -> memref<632x128xf32, #tpu.memory_space<vmem_shared>>
        %dma_start3A_81 = arith.constant 0 : i32
        %dma_start3A_82 = tpu.memref_slice %arg5[%mul3A_76, %dma_start3A_81] : memref<10000x128xf32, #tpu.memory_space<hbm>> -> memref<632x128xf32, #tpu.memory_space<hbm>>
        tpu.enqueue_dma source(%dma_start3A_82 : memref<632x128xf32, #tpu.memory_space<hbm>>) target(%dma_start3A_80 : memref<632x128xf32, #tpu.memory_space<vmem_shared>>) target_semaphore(%run_scoped3A : memref<!tpu.dma_semaphore, #tpu.memory_space<semaphore_mem>>)
        %dma_wait3A_83 = arith.constant 0 : i32
        %dma_wait3A_84 = tpu.memref_slice %arg19[%mul3A_78, %dma_wait3A_83] : memref<10008x128xf32, #tpu.memory_space<vmem_shared>> -> memref<632x128xf32, #tpu.memory_space<vmem_shared>>
        %dma_wait3A_85 = arith.constant 0 : i32
        %dma_wait3A_86 = tpu.memref_slice %arg5[%mul3A_76, %dma_wait3A_85] : memref<10000x128xf32, #tpu.memory_space<hbm>> -> memref<632x128xf32, #tpu.memory_space<hbm>>
        tpu.wait_dma2 semaphore(%run_scoped3A : memref<!tpu.dma_semaphore, #tpu.memory_space<semaphore_mem>>) src(%dma_wait3A_86 : memref<632x128xf32, #tpu.memory_space<hbm>>) dst(%dma_wait3A_84 : memref<632x128xf32, #tpu.memory_space<vmem_shared>>)
        tpu.yield
      }) : () -> ()
    } else {
    }
    %eq3A = arith.constant 15 : i32
    %eq3A_43 = arith.cmpi eq, %arg1, %eq3A : i32
    %convert_element_type3A_44 = arith.extui %eq3A_43 : i1 to i32
    %cond3A_45 = arith.constant 0 : i32
    %cond3A_46 = arith.cmpi ne, %convert_element_type3A_44, %cond3A_45 : i32
    scf.if %cond3A_46 {
      "tpu.region"() ({
        %run_scoped3A = tpu.sem_alloc : memref<!tpu.dma_semaphore, #tpu.memory_space<semaphore_mem>>
        %dma_start3A_75 = arith.constant 9480 : i32
        %dma_start3A_76 = arith.constant 0 : i32
        %dma_start3A_77 = tpu.memref_slice %arg19[%dma_start3A_75, %dma_start3A_76] : memref<10008x128xf32, #tpu.memory_space<vmem_shared>> -> memref<520x128xf32, #tpu.memory_space<vmem_shared>>
        %dma_start3A_78 = arith.constant 9480 : i32
        %dma_start3A_79 = arith.constant 0 : i32
        %dma_start3A_80 = tpu.memref_slice %arg5[%dma_start3A_78, %dma_start3A_79] : memref<10000x128xf32, #tpu.memory_space<hbm>> -> memref<520x128xf32, #tpu.memory_space<hbm>>
        tpu.enqueue_dma source(%dma_start3A_80 : memref<520x128xf32, #tpu.memory_space<hbm>>) target(%dma_start3A_77 : memref<520x128xf32, #tpu.memory_space<vmem_shared>>) target_semaphore(%run_scoped3A : memref<!tpu.dma_semaphore, #tpu.memory_space<semaphore_mem>>)
        %dma_wait3A_81 = arith.constant 9480 : i32
        %dma_wait3A_82 = arith.constant 0 : i32
        %dma_wait3A_83 = tpu.memref_slice %arg19[%dma_wait3A_81, %dma_wait3A_82] : memref<10008x128xf32, #tpu.memory_space<vmem_shared>> -> memref<520x128xf32, #tpu.memory_space<vmem_shared>>
        %dma_wait3A_84 = arith.constant 9480 : i32
        %dma_wait3A_85 = arith.constant 0 : i32
        %dma_wait3A_86 = tpu.memref_slice %arg5[%dma_wait3A_84, %dma_wait3A_85] : memref<10000x128xf32, #tpu.memory_space<hbm>> -> memref<520x128xf32, #tpu.memory_space<hbm>>
        tpu.wait_dma2 semaphore(%run_scoped3A : memref<!tpu.dma_semaphore, #tpu.memory_space<semaphore_mem>>) src(%dma_wait3A_86 : memref<520x128xf32, #tpu.memory_space<hbm>>) dst(%dma_wait3A_83 : memref<520x128xf32, #tpu.memory_space<vmem_shared>>)
        tpu.yield
      }) : () -> ()
    } else {
    }
    %barrier3A = arith.constant 0 : index
    tpu.barrier barrier_id(%barrier3A)
    %scan3A = arith.constant 0 : i32
    %scan3A_47 = arith.constant 0 : i32
    %scan3A_48 = arith.constant 40 : i32
    %scan3A_49 = arith.addi %scan3A_47, %scan3A_48 : i32
    %scan3A_50 = arith.constant 1 : i32
    scf.for %scan3A_75 = %scan3A_47 to %scan3A_49 step %scan3A_50  : i32 {
      %mul3A_76 = arith.constant 4 : i32
      %mul3A_77 = arith.muli %scan3A_75, %mul3A_76 : i32
      %add3A_78 = arith.constant 0 : i32
      %add3A_79 = arith.addi %mul3A_77, %add3A_78 : i32
      %gt3A = arith.constant 0 : i32
      %gt3A_80 = arith.cmpi sgt, %scan3A_75, %gt3A : i32
      %convert_element_type3A_81 = arith.extui %gt3A_80 : i1 to i32
      %cond3A_82 = arith.constant 0 : i32
      %cond3A_83 = arith.cmpi ne, %convert_element_type3A_81, %cond3A_82 : i32
      scf.if %cond3A_83 {
        %dma_wait3A_193 = arith.constant 0 : i32
        %dma_wait3A_194 = arith.constant 0 : i32
        %dma_wait3A_195 = tpu.memref_slice %arg19[%dma_wait3A_193, %dma_wait3A_194] : memref<10008x128xf32, #tpu.memory_space<vmem_shared>> -> memref<10008x128xf32, #tpu.memory_space<vmem_shared>>
        tpu.wait_indirect_dma semaphore(%arg34 : memref<!tpu.dma_semaphore, #tpu.memory_space<semaphore_mem>>) src(%arg17 : memref<64x128xf32, #tpu.memory_space<vmem>>) dst(%dma_wait3A_195 : memref<10008x128xf32, #tpu.memory_space<vmem_shared>>)
        %add3A_196 = arith.constant 2 : i32
        %add3A_197 = arith.addi %add3A_79, %add3A_196 : i32
        %mul3A_198 = arith.constant 64 : i32
        %mul3A_199 = arith.muli %add3A_197, %mul3A_198 : i32
        %add3A_200 = arith.addi %mul3A_4, %mul3A_199 : i32
        %dma_start3A_201 = tpu.memref_slice %arg4[%add3A_200] : memref<327680xi32, #tpu.memory_space<hbm>> -> memref<64xi32, #tpu.memory_space<hbm>>
        %dma_start3A_202 = tpu.memref_slice %arg4[%add3A_200] : memref<327680xi32, #tpu.memory_space<hbm>> -> memref<64xi32, #tpu.memory_space<hbm>>
        tpu.enqueue_dma source(%dma_start3A_202 : memref<64xi32, #tpu.memory_space<hbm>>) target(%arg13 : memref<64xi32, #tpu.memory_space<vmem>>) target_semaphore(%arg26 : memref<!tpu.dma_semaphore, #tpu.memory_space<semaphore_mem>>)
        %dma_wait3A_203 = arith.constant 0 : i32
        %dma_wait3A_204 = tpu.memref_slice %arg3[%dma_wait3A_203] : memref<327680xi32, #tpu.memory_space<hbm>> -> memref<64xi32, #tpu.memory_space<hbm>>
        %dma_wait3A_205 = arith.constant 0 : i32
        %dma_wait3A_206 = tpu.memref_slice %arg3[%dma_wait3A_205] : memref<327680xi32, #tpu.memory_space<hbm>> -> memref<64xi32, #tpu.memory_space<hbm>>
        tpu.wait_dma2 semaphore(%arg22 : memref<!tpu.dma_semaphore, #tpu.memory_space<semaphore_mem>>) src(%dma_wait3A_206 : memref<64xi32, #tpu.memory_space<hbm>>) dst(%arg9 : memref<64xi32, #tpu.memory_space<vmem>>)
        %dma_start3A_207 = arith.constant 0 : i32
        %dma_start3A_208 = arith.constant 0 : i32
        %dma_start3A_209 = tpu.memref_slice %arg2[%dma_start3A_207, %dma_start3A_208] : memref<10000x128xf32, #tpu.memory_space<hbm>> -> memref<10000x128xf32, #tpu.memory_space<hbm>>
        tpu.enqueue_indirect_dma source(%dma_start3A_209 : memref<10000x128xf32, #tpu.memory_space<hbm>>) target(%arg17 : memref<64x128xf32, #tpu.memory_space<vmem>>) offsets(%arg9 : memref<64xi32, #tpu.memory_space<vmem>>) semaphore(%arg30 : memref<!tpu.dma_semaphore, #tpu.memory_space<semaphore_mem>>)
      } else {
      }
      %eq3A_84 = arith.constant 0 : i32
      %eq3A_85 = arith.cmpi eq, %scan3A_75, %eq3A_84 : i32
      %convert_element_type3A_86 = arith.extui %eq3A_85 : i1 to i32
      %cond3A_87 = arith.constant 0 : i32
      %cond3A_88 = arith.cmpi ne, %convert_element_type3A_86, %cond3A_87 : i32
      scf.if %cond3A_88 {
        %add3A_193 = arith.constant 2 : i32
        %add3A_194 = arith.addi %add3A_79, %add3A_193 : i32
        %mul3A_195 = arith.constant 64 : i32
        %mul3A_196 = arith.muli %add3A_194, %mul3A_195 : i32
        %add3A_197 = arith.addi %mul3A_4, %mul3A_196 : i32
        %dma_start3A_198 = tpu.memref_slice %arg4[%add3A_197] : memref<327680xi32, #tpu.memory_space<hbm>> -> memref<64xi32, #tpu.memory_space<hbm>>
        %dma_start3A_199 = tpu.memref_slice %arg4[%add3A_197] : memref<327680xi32, #tpu.memory_space<hbm>> -> memref<64xi32, #tpu.memory_space<hbm>>
        tpu.enqueue_dma source(%dma_start3A_199 : memref<64xi32, #tpu.memory_space<hbm>>) target(%arg13 : memref<64xi32, #tpu.memory_space<vmem>>) target_semaphore(%arg26 : memref<!tpu.dma_semaphore, #tpu.memory_space<semaphore_mem>>)
        %dma_wait3A_200 = arith.constant 0 : i32
        %dma_wait3A_201 = tpu.memref_slice %arg3[%dma_wait3A_200] : memref<327680xi32, #tpu.memory_space<hbm>> -> memref<64xi32, #tpu.memory_space<hbm>>
        %dma_wait3A_202 = arith.constant 0 : i32
        %dma_wait3A_203 = tpu.memref_slice %arg3[%dma_wait3A_202] : memref<327680xi32, #tpu.memory_space<hbm>> -> memref<64xi32, #tpu.memory_space<hbm>>
        tpu.wait_dma2 semaphore(%arg22 : memref<!tpu.dma_semaphore, #tpu.memory_space<semaphore_mem>>) src(%dma_wait3A_203 : memref<64xi32, #tpu.memory_space<hbm>>) dst(%arg9 : memref<64xi32, #tpu.memory_space<vmem>>)
        %dma_start3A_204 = arith.constant 0 : i32
        %dma_start3A_205 = arith.constant 0 : i32
        %dma_start3A_206 = tpu.memref_slice %arg2[%dma_start3A_204, %dma_start3A_205] : memref<10000x128xf32, #tpu.memory_space<hbm>> -> memref<10000x128xf32, #tpu.memory_space<hbm>>
        tpu.enqueue_indirect_dma source(%dma_start3A_206 : memref<10000x128xf32, #tpu.memory_space<hbm>>) target(%arg17 : memref<64x128xf32, #tpu.memory_space<vmem>>) offsets(%arg9 : memref<64xi32, #tpu.memory_space<vmem>>) semaphore(%arg30 : memref<!tpu.dma_semaphore, #tpu.memory_space<semaphore_mem>>)
      } else {
      }
      %dma_wait3A_89 = arith.constant 0 : i32
      %dma_wait3A_90 = arith.constant 0 : i32
      %dma_wait3A_91 = tpu.memref_slice %arg2[%dma_wait3A_89, %dma_wait3A_90] : memref<10000x128xf32, #tpu.memory_space<hbm>> -> memref<64x128xf32, #tpu.memory_space<hbm>>
      %dma_wait3A_92 = arith.constant 0 : i32
      %dma_wait3A_93 = arith.constant 0 : i32
      %dma_wait3A_94 = tpu.memref_slice %arg2[%dma_wait3A_92, %dma_wait3A_93] : memref<10000x128xf32, #tpu.memory_space<hbm>> -> memref<64x128xf32, #tpu.memory_space<hbm>>
      tpu.wait_dma2 semaphore(%arg28 : memref<!tpu.dma_semaphore, #tpu.memory_space<semaphore_mem>>) src(%dma_wait3A_94 : memref<64x128xf32, #tpu.memory_space<hbm>>) dst(%arg15 : memref<64x128xf32, #tpu.memory_space<vmem>>)
      %lt3A_95 = arith.constant 39 : i32
      %lt3A_96 = arith.cmpi slt, %scan3A_75, %lt3A_95 : i32
      %convert_element_type3A_97 = arith.extui %lt3A_96 : i1 to i32
      %cond3A_98 = arith.constant 0 : i32
      %cond3A_99 = arith.cmpi ne, %convert_element_type3A_97, %cond3A_98 : i32
      scf.if %cond3A_99 {
        %mul3A_193 = arith.constant 4 : i32
        %mul3A_194 = arith.muli %scan3A_75, %mul3A_193 : i32
        %add3A_195 = arith.constant 0 : i32
        %add3A_196 = arith.addi %mul3A_194, %add3A_195 : i32
        %add3A_197 = arith.constant 4 : i32
        %add3A_198 = arith.addi %add3A_196, %add3A_197 : i32
        %mul3A_199 = arith.constant 64 : i32
        %mul3A_200 = arith.muli %add3A_198, %mul3A_199 : i32
        %add3A_201 = arith.addi %mul3A_4, %mul3A_200 : i32
        %dma_start3A_202 = tpu.memref_slice %arg3[%add3A_201] : memref<327680xi32, #tpu.memory_space<hbm>> -> memref<64xi32, #tpu.memory_space<hbm>>
        %dma_start3A_203 = tpu.memref_slice %arg3[%add3A_201] : memref<327680xi32, #tpu.memory_space<hbm>> -> memref<64xi32, #tpu.memory_space<hbm>>
        tpu.enqueue_dma source(%dma_start3A_203 : memref<64xi32, #tpu.memory_space<hbm>>) target(%arg7 : memref<64xi32, #tpu.memory_space<vmem>>) target_semaphore(%arg20 : memref<!tpu.dma_semaphore, #tpu.memory_space<semaphore_mem>>)
      } else {
      }
      %dma_wait3A_100 = arith.constant 0 : i32
      %dma_wait3A_101 = tpu.memref_slice %arg4[%dma_wait3A_100] : memref<327680xi32, #tpu.memory_space<hbm>> -> memref<64xi32, #tpu.memory_space<hbm>>
      %dma_wait3A_102 = arith.constant 0 : i32
      %dma_wait3A_103 = tpu.memref_slice %arg4[%dma_wait3A_102] : memref<327680xi32, #tpu.memory_space<hbm>> -> memref<64xi32, #tpu.memory_space<hbm>>
      tpu.wait_dma2 semaphore(%arg24 : memref<!tpu.dma_semaphore, #tpu.memory_space<semaphore_mem>>) src(%dma_wait3A_103 : memref<64xi32, #tpu.memory_space<hbm>>) dst(%arg11 : memref<64xi32, #tpu.memory_space<vmem>>)
      %dma_start3A_104 = arith.constant 0 : i32
      %dma_start3A_105 = arith.constant 0 : i32
      %dma_start3A_106 = tpu.memref_slice %arg19[%dma_start3A_104, %dma_start3A_105] : memref<10008x128xf32, #tpu.memory_space<vmem_shared>> -> memref<10008x128xf32, #tpu.memory_space<vmem_shared>>
      tpu.enqueue_indirect_dma source(%arg15 : memref<64x128xf32, #tpu.memory_space<vmem>>) target(%dma_start3A_106 : memref<10008x128xf32, #tpu.memory_space<vmem_shared>>) offsets(%arg11 : memref<64xi32, #tpu.memory_space<vmem>>) semaphore(%arg32 : memref<!tpu.dma_semaphore, #tpu.memory_space<semaphore_mem>>) {add = true}
      %mul3A_107 = arith.constant 4 : i32
      %mul3A_108 = arith.muli %scan3A_75, %mul3A_107 : i32
      %add3A_109 = arith.constant 1 : i32
      %add3A_110 = arith.addi %mul3A_108, %add3A_109 : i32
      %gt3A_111 = arith.constant 0 : i32
      %gt3A_112 = arith.cmpi sgt, %scan3A_75, %gt3A_111 : i32
      %convert_element_type3A_113 = arith.extui %gt3A_112 : i1 to i32
      %cond3A_114 = arith.constant 0 : i32
      %cond3A_115 = arith.cmpi ne, %convert_element_type3A_113, %cond3A_114 : i32
      scf.if %cond3A_115 {
        %dma_wait3A_193 = arith.constant 0 : i32
        %dma_wait3A_194 = arith.constant 0 : i32
        %dma_wait3A_195 = tpu.memref_slice %arg19[%dma_wait3A_193, %dma_wait3A_194] : memref<10008x128xf32, #tpu.memory_space<vmem_shared>> -> memref<10008x128xf32, #tpu.memory_space<vmem_shared>>
        tpu.wait_indirect_dma semaphore(%arg35 : memref<!tpu.dma_semaphore, #tpu.memory_space<semaphore_mem>>) src(%arg18 : memref<64x128xf32, #tpu.memory_space<vmem>>) dst(%dma_wait3A_195 : memref<10008x128xf32, #tpu.memory_space<vmem_shared>>)
        %add3A_196 = arith.constant 2 : i32
        %add3A_197 = arith.addi %add3A_110, %add3A_196 : i32
        %mul3A_198 = arith.constant 64 : i32
        %mul3A_199 = arith.muli %add3A_197, %mul3A_198 : i32
        %add3A_200 = arith.addi %mul3A_4, %mul3A_199 : i32
        %dma_start3A_201 = tpu.memref_slice %arg4[%add3A_200] : memref<327680xi32, #tpu.memory_space<hbm>> -> memref<64xi32, #tpu.memory_space<hbm>>
        %dma_start3A_202 = tpu.memref_slice %arg4[%add3A_200] : memref<327680xi32, #tpu.memory_space<hbm>> -> memref<64xi32, #tpu.memory_space<hbm>>
        tpu.enqueue_dma source(%dma_start3A_202 : memref<64xi32, #tpu.memory_space<hbm>>) target(%arg14 : memref<64xi32, #tpu.memory_space<vmem>>) target_semaphore(%arg27 : memref<!tpu.dma_semaphore, #tpu.memory_space<semaphore_mem>>)
        %dma_wait3A_203 = arith.constant 0 : i32
        %dma_wait3A_204 = tpu.memref_slice %arg3[%dma_wait3A_203] : memref<327680xi32, #tpu.memory_space<hbm>> -> memref<64xi32, #tpu.memory_space<hbm>>
        %dma_wait3A_205 = arith.constant 0 : i32
        %dma_wait3A_206 = tpu.memref_slice %arg3[%dma_wait3A_205] : memref<327680xi32, #tpu.memory_space<hbm>> -> memref<64xi32, #tpu.memory_space<hbm>>
        tpu.wait_dma2 semaphore(%arg23 : memref<!tpu.dma_semaphore, #tpu.memory_space<semaphore_mem>>) src(%dma_wait3A_206 : memref<64xi32, #tpu.memory_space<hbm>>) dst(%arg10 : memref<64xi32, #tpu.memory_space<vmem>>)
        %dma_start3A_207 = arith.constant 0 : i32
        %dma_start3A_208 = arith.constant 0 : i32
        %dma_start3A_209 = tpu.memref_slice %arg2[%dma_start3A_207, %dma_start3A_208] : memref<10000x128xf32, #tpu.memory_space<hbm>> -> memref<10000x128xf32, #tpu.memory_space<hbm>>
        tpu.enqueue_indirect_dma source(%dma_start3A_209 : memref<10000x128xf32, #tpu.memory_space<hbm>>) target(%arg18 : memref<64x128xf32, #tpu.memory_space<vmem>>) offsets(%arg10 : memref<64xi32, #tpu.memory_space<vmem>>) semaphore(%arg31 : memref<!tpu.dma_semaphore, #tpu.memory_space<semaphore_mem>>)
      } else {
      }
      %eq3A_116 = arith.constant 0 : i32
      %eq3A_117 = arith.cmpi eq, %scan3A_75, %eq3A_116 : i32
      %convert_element_type3A_118 = arith.extui %eq3A_117 : i1 to i32
      %cond3A_119 = arith.constant 0 : i32
      %cond3A_120 = arith.cmpi ne, %convert_element_type3A_118, %cond3A_119 : i32
      scf.if %cond3A_120 {
        %add3A_193 = arith.constant 2 : i32
        %add3A_194 = arith.addi %add3A_110, %add3A_193 : i32
        %mul3A_195 = arith.constant 64 : i32
        %mul3A_196 = arith.muli %add3A_194, %mul3A_195 : i32
        %add3A_197 = arith.addi %mul3A_4, %mul3A_196 : i32
        %dma_start3A_198 = tpu.memref_slice %arg4[%add3A_197] : memref<327680xi32, #tpu.memory_space<hbm>> -> memref<64xi32, #tpu.memory_space<hbm>>
        %dma_start3A_199 = tpu.memref_slice %arg4[%add3A_197] : memref<327680xi32, #tpu.memory_space<hbm>> -> memref<64xi32, #tpu.memory_space<hbm>>
        tpu.enqueue_dma source(%dma_start3A_199 : memref<64xi32, #tpu.memory_space<hbm>>) target(%arg14 : memref<64xi32, #tpu.memory_space<vmem>>) target_semaphore(%arg27 : memref<!tpu.dma_semaphore, #tpu.memory_space<semaphore_mem>>)
        %dma_wait3A_200 = arith.constant 0 : i32
        %dma_wait3A_201 = tpu.memref_slice %arg3[%dma_wait3A_200] : memref<327680xi32, #tpu.memory_space<hbm>> -> memref<64xi32, #tpu.memory_space<hbm>>
        %dma_wait3A_202 = arith.constant 0 : i32
        %dma_wait3A_203 = tpu.memref_slice %arg3[%dma_wait3A_202] : memref<327680xi32, #tpu.memory_space<hbm>> -> memref<64xi32, #tpu.memory_space<hbm>>
        tpu.wait_dma2 semaphore(%arg23 : memref<!tpu.dma_semaphore, #tpu.memory_space<semaphore_mem>>) src(%dma_wait3A_203 : memref<64xi32, #tpu.memory_space<hbm>>) dst(%arg10 : memref<64xi32, #tpu.memory_space<vmem>>)
        %dma_start3A_204 = arith.constant 0 : i32
        %dma_start3A_205 = arith.constant 0 : i32
        %dma_start3A_206 = tpu.memref_slice %arg2[%dma_start3A_204, %dma_start3A_205] : memref<10000x128xf32, #tpu.memory_space<hbm>> -> memref<10000x128xf32, #tpu.memory_space<hbm>>
        tpu.enqueue_indirect_dma source(%dma_start3A_206 : memref<10000x128xf32, #tpu.memory_space<hbm>>) target(%arg18 : memref<64x128xf32, #tpu.memory_space<vmem>>) offsets(%arg10 : memref<64xi32, #tpu.memory_space<vmem>>) semaphore(%arg31 : memref<!tpu.dma_semaphore, #tpu.memory_space<semaphore_mem>>)
      } else {
      }
      %dma_wait3A_121 = arith.constant 0 : i32
      %dma_wait3A_122 = arith.constant 0 : i32
      %dma_wait3A_123 = tpu.memref_slice %arg2[%dma_wait3A_121, %dma_wait3A_122] : memref<10000x128xf32, #tpu.memory_space<hbm>> -> memref<64x128xf32, #tpu.memory_space<hbm>>
      %dma_wait3A_124 = arith.constant 0 : i32
      %dma_wait3A_125 = arith.constant 0 : i32
      %dma_wait3A_126 = tpu.memref_slice %arg2[%dma_wait3A_124, %dma_wait3A_125] : memref<10000x128xf32, #tpu.memory_space<hbm>> -> memref<64x128xf32, #tpu.memory_space<hbm>>
      tpu.wait_dma2 semaphore(%arg29 : memref<!tpu.dma_semaphore, #tpu.memory_space<semaphore_mem>>) src(%dma_wait3A_126 : memref<64x128xf32, #tpu.memory_space<hbm>>) dst(%arg16 : memref<64x128xf32, #tpu.memory_space<vmem>>)
      %lt3A_127 = arith.constant 39 : i32
      %lt3A_128 = arith.cmpi slt, %scan3A_75, %lt3A_127 : i32
      %convert_element_type3A_129 = arith.extui %lt3A_128 : i1 to i32
      %cond3A_130 = arith.constant 0 : i32
      %cond3A_131 = arith.cmpi ne, %convert_element_type3A_129, %cond3A_130 : i32
      scf.if %cond3A_131 {
        %mul3A_193 = arith.constant 4 : i32
        %mul3A_194 = arith.muli %scan3A_75, %mul3A_193 : i32
        %add3A_195 = arith.constant 1 : i32
        %add3A_196 = arith.addi %mul3A_194, %add3A_195 : i32
        %add3A_197 = arith.constant 4 : i32
        %add3A_198 = arith.addi %add3A_196, %add3A_197 : i32
        %mul3A_199 = arith.constant 64 : i32
        %mul3A_200 = arith.muli %add3A_198, %mul3A_199 : i32
        %add3A_201 = arith.addi %mul3A_4, %mul3A_200 : i32
        %dma_start3A_202 = tpu.memref_slice %arg3[%add3A_201] : memref<327680xi32, #tpu.memory_space<hbm>> -> memref<64xi32, #tpu.memory_space<hbm>>
        %dma_start3A_203 = tpu.memref_slice %arg3[%add3A_201] : memref<327680xi32, #tpu.memory_space<hbm>> -> memref<64xi32, #tpu.memory_space<hbm>>
        tpu.enqueue_dma source(%dma_start3A_203 : memref<64xi32, #tpu.memory_space<hbm>>) target(%arg8 : memref<64xi32, #tpu.memory_space<vmem>>) target_semaphore(%arg21 : memref<!tpu.dma_semaphore, #tpu.memory_space<semaphore_mem>>)
      } else {
      }
      %dma_wait3A_132 = arith.constant 0 : i32
      %dma_wait3A_133 = tpu.memref_slice %arg4[%dma_wait3A_132] : memref<327680xi32, #tpu.memory_space<hbm>> -> memref<64xi32, #tpu.memory_space<hbm>>
      %dma_wait3A_134 = arith.constant 0 : i32
      %dma_wait3A_135 = tpu.memref_slice %arg4[%dma_wait3A_134] : memref<327680xi32, #tpu.memory_space<hbm>> -> memref<64xi32, #tpu.memory_space<hbm>>
      tpu.wait_dma2 semaphore(%arg25 : memref<!tpu.dma_semaphore, #tpu.memory_space<semaphore_mem>>) src(%dma_wait3A_135 : memref<64xi32, #tpu.memory_space<hbm>>) dst(%arg12 : memref<64xi32, #tpu.memory_space<vmem>>)
      %dma_start3A_136 = arith.constant 0 : i32
      %dma_start3A_137 = arith.constant 0 : i32
      %dma_start3A_138 = tpu.memref_slice %arg19[%dma_start3A_136, %dma_start3A_137] : memref<10008x128xf32, #tpu.memory_space<vmem_shared>> -> memref<10008x128xf32, #tpu.memory_space<vmem_shared>>
      tpu.enqueue_indirect_dma source(%arg16 : memref<64x128xf32, #tpu.memory_space<vmem>>) target(%dma_start3A_138 : memref<10008x128xf32, #tpu.memory_space<vmem_shared>>) offsets(%arg12 : memref<64xi32, #tpu.memory_space<vmem>>) semaphore(%arg33 : memref<!tpu.dma_semaphore, #tpu.memory_space<semaphore_mem>>) {add = true}
      %mul3A_139 = arith.constant 4 : i32
      %mul3A_140 = arith.muli %scan3A_75, %mul3A_139 : i32
      %add3A_141 = arith.constant 2 : i32
      %add3A_142 = arith.addi %mul3A_140, %add3A_141 : i32
      %lt3A_143 = arith.constant 39 : i32
      %lt3A_144 = arith.cmpi slt, %scan3A_75, %lt3A_143 : i32
      %convert_element_type3A_145 = arith.extui %lt3A_144 : i1 to i32
      %cond3A_146 = arith.constant 0 : i32
      %cond3A_147 = arith.cmpi ne, %convert_element_type3A_145, %cond3A_146 : i32
      scf.if %cond3A_147 {
        %dma_wait3A_193 = arith.constant 0 : i32
        %dma_wait3A_194 = arith.constant 0 : i32
        %dma_wait3A_195 = tpu.memref_slice %arg19[%dma_wait3A_193, %dma_wait3A_194] : memref<10008x128xf32, #tpu.memory_space<vmem_shared>> -> memref<10008x128xf32, #tpu.memory_space<vmem_shared>>
        tpu.wait_indirect_dma semaphore(%arg32 : memref<!tpu.dma_semaphore, #tpu.memory_space<semaphore_mem>>) src(%arg15 : memref<64x128xf32, #tpu.memory_space<vmem>>) dst(%dma_wait3A_195 : memref<10008x128xf32, #tpu.memory_space<vmem_shared>>)
        %add3A_196 = arith.constant 2 : i32
        %add3A_197 = arith.addi %add3A_142, %add3A_196 : i32
        %mul3A_198 = arith.constant 64 : i32
        %mul3A_199 = arith.muli %add3A_197, %mul3A_198 : i32
        %add3A_200 = arith.addi %mul3A_4, %mul3A_199 : i32
        %dma_start3A_201 = tpu.memref_slice %arg4[%add3A_200] : memref<327680xi32, #tpu.memory_space<hbm>> -> memref<64xi32, #tpu.memory_space<hbm>>
        %dma_start3A_202 = tpu.memref_slice %arg4[%add3A_200] : memref<327680xi32, #tpu.memory_space<hbm>> -> memref<64xi32, #tpu.memory_space<hbm>>
        tpu.enqueue_dma source(%dma_start3A_202 : memref<64xi32, #tpu.memory_space<hbm>>) target(%arg11 : memref<64xi32, #tpu.memory_space<vmem>>) target_semaphore(%arg24 : memref<!tpu.dma_semaphore, #tpu.memory_space<semaphore_mem>>)
        %dma_wait3A_203 = arith.constant 0 : i32
        %dma_wait3A_204 = tpu.memref_slice %arg3[%dma_wait3A_203] : memref<327680xi32, #tpu.memory_space<hbm>> -> memref<64xi32, #tpu.memory_space<hbm>>
        %dma_wait3A_205 = arith.constant 0 : i32
        %dma_wait3A_206 = tpu.memref_slice %arg3[%dma_wait3A_205] : memref<327680xi32, #tpu.memory_space<hbm>> -> memref<64xi32, #tpu.memory_space<hbm>>
        tpu.wait_dma2 semaphore(%arg20 : memref<!tpu.dma_semaphore, #tpu.memory_space<semaphore_mem>>) src(%dma_wait3A_206 : memref<64xi32, #tpu.memory_space<hbm>>) dst(%arg7 : memref<64xi32, #tpu.memory_space<vmem>>)
        %dma_start3A_207 = arith.constant 0 : i32
        %dma_start3A_208 = arith.constant 0 : i32
        %dma_start3A_209 = tpu.memref_slice %arg2[%dma_start3A_207, %dma_start3A_208] : memref<10000x128xf32, #tpu.memory_space<hbm>> -> memref<10000x128xf32, #tpu.memory_space<hbm>>
        tpu.enqueue_indirect_dma source(%dma_start3A_209 : memref<10000x128xf32, #tpu.memory_space<hbm>>) target(%arg15 : memref<64x128xf32, #tpu.memory_space<vmem>>) offsets(%arg7 : memref<64xi32, #tpu.memory_space<vmem>>) semaphore(%arg28 : memref<!tpu.dma_semaphore, #tpu.memory_space<semaphore_mem>>)
      } else {
      }
      %dma_wait3A_148 = arith.constant 0 : i32
      %dma_wait3A_149 = arith.constant 0 : i32
      %dma_wait3A_150 = tpu.memref_slice %arg2[%dma_wait3A_148, %dma_wait3A_149] : memref<10000x128xf32, #tpu.memory_space<hbm>> -> memref<64x128xf32, #tpu.memory_space<hbm>>
      %dma_wait3A_151 = arith.constant 0 : i32
      %dma_wait3A_152 = arith.constant 0 : i32
      %dma_wait3A_153 = tpu.memref_slice %arg2[%dma_wait3A_151, %dma_wait3A_152] : memref<10000x128xf32, #tpu.memory_space<hbm>> -> memref<64x128xf32, #tpu.memory_space<hbm>>
      tpu.wait_dma2 semaphore(%arg30 : memref<!tpu.dma_semaphore, #tpu.memory_space<semaphore_mem>>) src(%dma_wait3A_153 : memref<64x128xf32, #tpu.memory_space<hbm>>) dst(%arg17 : memref<64x128xf32, #tpu.memory_space<vmem>>)
      %lt3A_154 = arith.constant 39 : i32
      %lt3A_155 = arith.cmpi slt, %scan3A_75, %lt3A_154 : i32
      %convert_element_type3A_156 = arith.extui %lt3A_155 : i1 to i32
      %cond3A_157 = arith.constant 0 : i32
      %cond3A_158 = arith.cmpi ne, %convert_element_type3A_156, %cond3A_157 : i32
      scf.if %cond3A_158 {
        %mul3A_193 = arith.constant 4 : i32
        %mul3A_194 = arith.muli %scan3A_75, %mul3A_193 : i32
        %add3A_195 = arith.constant 2 : i32
        %add3A_196 = arith.addi %mul3A_194, %add3A_195 : i32
        %add3A_197 = arith.constant 4 : i32
        %add3A_198 = arith.addi %add3A_196, %add3A_197 : i32
        %mul3A_199 = arith.constant 64 : i32
        %mul3A_200 = arith.muli %add3A_198, %mul3A_199 : i32
        %add3A_201 = arith.addi %mul3A_4, %mul3A_200 : i32
        %dma_start3A_202 = tpu.memref_slice %arg3[%add3A_201] : memref<327680xi32, #tpu.memory_space<hbm>> -> memref<64xi32, #tpu.memory_space<hbm>>
        %dma_start3A_203 = tpu.memref_slice %arg3[%add3A_201] : memref<327680xi32, #tpu.memory_space<hbm>> -> memref<64xi32, #tpu.memory_space<hbm>>
        tpu.enqueue_dma source(%dma_start3A_203 : memref<64xi32, #tpu.memory_space<hbm>>) target(%arg9 : memref<64xi32, #tpu.memory_space<vmem>>) target_semaphore(%arg22 : memref<!tpu.dma_semaphore, #tpu.memory_space<semaphore_mem>>)
      } else {
      }
      %dma_wait3A_159 = arith.constant 0 : i32
      %dma_wait3A_160 = tpu.memref_slice %arg4[%dma_wait3A_159] : memref<327680xi32, #tpu.memory_space<hbm>> -> memref<64xi32, #tpu.memory_space<hbm>>
      %dma_wait3A_161 = arith.constant 0 : i32
      %dma_wait3A_162 = tpu.memref_slice %arg4[%dma_wait3A_161] : memref<327680xi32, #tpu.memory_space<hbm>> -> memref<64xi32, #tpu.memory_space<hbm>>
      tpu.wait_dma2 semaphore(%arg26 : memref<!tpu.dma_semaphore, #tpu.memory_space<semaphore_mem>>) src(%dma_wait3A_162 : memref<64xi32, #tpu.memory_space<hbm>>) dst(%arg13 : memref<64xi32, #tpu.memory_space<vmem>>)
      %dma_start3A_163 = arith.constant 0 : i32
      %dma_start3A_164 = arith.constant 0 : i32
      %dma_start3A_165 = tpu.memref_slice %arg19[%dma_start3A_163, %dma_start3A_164] : memref<10008x128xf32, #tpu.memory_space<vmem_shared>> -> memref<10008x128xf32, #tpu.memory_space<vmem_shared>>
      tpu.enqueue_indirect_dma source(%arg17 : memref<64x128xf32, #tpu.memory_space<vmem>>) target(%dma_start3A_165 : memref<10008x128xf32, #tpu.memory_space<vmem_shared>>) offsets(%arg13 : memref<64xi32, #tpu.memory_space<vmem>>) semaphore(%arg34 : memref<!tpu.dma_semaphore, #tpu.memory_space<semaphore_mem>>) {add = true}
      %mul3A_166 = arith.constant 4 : i32
      %mul3A_167 = arith.muli %scan3A_75, %mul3A_166 : i32
      %add3A_168 = arith.constant 3 : i32
      %add3A_169 = arith.addi %mul3A_167, %add3A_168 : i32
      %lt3A_170 = arith.constant 39 : i32
      %lt3A_171 = arith.cmpi slt, %scan3A_75, %lt3A_170 : i32
      %convert_element_type3A_172 = arith.extui %lt3A_171 : i1 to i32
      %cond3A_173 = arith.constant 0 : i32
      %cond3A_174 = arith.cmpi ne, %convert_element_type3A_172, %cond3A_173 : i32
      scf.if %cond3A_174 {
        %dma_wait3A_193 = arith.constant 0 : i32
        %dma_wait3A_194 = arith.constant 0 : i32
        %dma_wait3A_195 = tpu.memref_slice %arg19[%dma_wait3A_193, %dma_wait3A_194] : memref<10008x128xf32, #tpu.memory_space<vmem_shared>> -> memref<10008x128xf32, #tpu.memory_space<vmem_shared>>
        tpu.wait_indirect_dma semaphore(%arg33 : memref<!tpu.dma_semaphore, #tpu.memory_space<semaphore_mem>>) src(%arg16 : memref<64x128xf32, #tpu.memory_space<vmem>>) dst(%dma_wait3A_195 : memref<10008x128xf32, #tpu.memory_space<vmem_shared>>)
        %add3A_196 = arith.constant 2 : i32
        %add3A_197 = arith.addi %add3A_169, %add3A_196 : i32
        %mul3A_198 = arith.constant 64 : i32
        %mul3A_199 = arith.muli %add3A_197, %mul3A_198 : i32
        %add3A_200 = arith.addi %mul3A_4, %mul3A_199 : i32
        %dma_start3A_201 = tpu.memref_slice %arg4[%add3A_200] : memref<327680xi32, #tpu.memory_space<hbm>> -> memref<64xi32, #tpu.memory_space<hbm>>
        %dma_start3A_202 = tpu.memref_slice %arg4[%add3A_200] : memref<327680xi32, #tpu.memory_space<hbm>> -> memref<64xi32, #tpu.memory_space<hbm>>
        tpu.enqueue_dma source(%dma_start3A_202 : memref<64xi32, #tpu.memory_space<hbm>>) target(%arg12 : memref<64xi32, #tpu.memory_space<vmem>>) target_semaphore(%arg25 : memref<!tpu.dma_semaphore, #tpu.memory_space<semaphore_mem>>)
        %dma_wait3A_203 = arith.constant 0 : i32
        %dma_wait3A_204 = tpu.memref_slice %arg3[%dma_wait3A_203] : memref<327680xi32, #tpu.memory_space<hbm>> -> memref<64xi32, #tpu.memory_space<hbm>>
        %dma_wait3A_205 = arith.constant 0 : i32
        %dma_wait3A_206 = tpu.memref_slice %arg3[%dma_wait3A_205] : memref<327680xi32, #tpu.memory_space<hbm>> -> memref<64xi32, #tpu.memory_space<hbm>>
        tpu.wait_dma2 semaphore(%arg21 : memref<!tpu.dma_semaphore, #tpu.memory_space<semaphore_mem>>) src(%dma_wait3A_206 : memref<64xi32, #tpu.memory_space<hbm>>) dst(%arg8 : memref<64xi32, #tpu.memory_space<vmem>>)
        %dma_start3A_207 = arith.constant 0 : i32
        %dma_start3A_208 = arith.constant 0 : i32
        %dma_start3A_209 = tpu.memref_slice %arg2[%dma_start3A_207, %dma_start3A_208] : memref<10000x128xf32, #tpu.memory_space<hbm>> -> memref<10000x128xf32, #tpu.memory_space<hbm>>
        tpu.enqueue_indirect_dma source(%dma_start3A_209 : memref<10000x128xf32, #tpu.memory_space<hbm>>) target(%arg16 : memref<64x128xf32, #tpu.memory_space<vmem>>) offsets(%arg8 : memref<64xi32, #tpu.memory_space<vmem>>) semaphore(%arg29 : memref<!tpu.dma_semaphore, #tpu.memory_space<semaphore_mem>>)
      } else {
      }
      %dma_wait3A_175 = arith.constant 0 : i32
      %dma_wait3A_176 = arith.constant 0 : i32
      %dma_wait3A_177 = tpu.memref_slice %arg2[%dma_wait3A_175, %dma_wait3A_176] : memref<10000x128xf32, #tpu.memory_space<hbm>> -> memref<64x128xf32, #tpu.memory_space<hbm>>
      %dma_wait3A_178 = arith.constant 0 : i32
      %dma_wait3A_179 = arith.constant 0 : i32
      %dma_wait3A_180 = tpu.memref_slice %arg2[%dma_wait3A_178, %dma_wait3A_179] : memref<10000x128xf32, #tpu.memory_space<hbm>> -> memref<64x128xf32, #tpu.memory_space<hbm>>
      tpu.wait_dma2 semaphore(%arg31 : memref<!tpu.dma_semaphore, #tpu.memory_space<semaphore_mem>>) src(%dma_wait3A_180 : memref<64x128xf32, #tpu.memory_space<hbm>>) dst(%arg18 : memref<64x128xf32, #tpu.memory_space<vmem>>)
      %lt3A_181 = arith.constant 39 : i32
      %lt3A_182 = arith.cmpi slt, %scan3A_75, %lt3A_181 : i32
      %convert_element_type3A_183 = arith.extui %lt3A_182 : i1 to i32
      %cond3A_184 = arith.constant 0 : i32
      %cond3A_185 = arith.cmpi ne, %convert_element_type3A_183, %cond3A_184 : i32
      scf.if %cond3A_185 {
        %mul3A_193 = arith.constant 4 : i32
        %mul3A_194 = arith.muli %scan3A_75, %mul3A_193 : i32
        %add3A_195 = arith.constant 3 : i32
        %add3A_196 = arith.addi %mul3A_194, %add3A_195 : i32
        %add3A_197 = arith.constant 4 : i32
        %add3A_198 = arith.addi %add3A_196, %add3A_197 : i32
        %mul3A_199 = arith.constant 64 : i32
        %mul3A_200 = arith.muli %add3A_198, %mul3A_199 : i32
        %add3A_201 = arith.addi %mul3A_4, %mul3A_200 : i32
        %dma_start3A_202 = tpu.memref_slice %arg3[%add3A_201] : memref<327680xi32, #tpu.memory_space<hbm>> -> memref<64xi32, #tpu.memory_space<hbm>>
        %dma_start3A_203 = tpu.memref_slice %arg3[%add3A_201] : memref<327680xi32, #tpu.memory_space<hbm>> -> memref<64xi32, #tpu.memory_space<hbm>>
        tpu.enqueue_dma source(%dma_start3A_203 : memref<64xi32, #tpu.memory_space<hbm>>) target(%arg10 : memref<64xi32, #tpu.memory_space<vmem>>) target_semaphore(%arg23 : memref<!tpu.dma_semaphore, #tpu.memory_space<semaphore_mem>>)
      } else {
      }
      %dma_wait3A_186 = arith.constant 0 : i32
      %dma_wait3A_187 = tpu.memref_slice %arg4[%dma_wait3A_186] : memref<327680xi32, #tpu.memory_space<hbm>> -> memref<64xi32, #tpu.memory_space<hbm>>
      %dma_wait3A_188 = arith.constant 0 : i32
      %dma_wait3A_189 = tpu.memref_slice %arg4[%dma_wait3A_188] : memref<327680xi32, #tpu.memory_space<hbm>> -> memref<64xi32, #tpu.memory_space<hbm>>
      tpu.wait_dma2 semaphore(%arg27 : memref<!tpu.dma_semaphore, #tpu.memory_space<semaphore_mem>>) src(%dma_wait3A_189 : memref<64xi32, #tpu.memory_space<hbm>>) dst(%arg14 : memref<64xi32, #tpu.memory_space<vmem>>)
      %dma_start3A_190 = arith.constant 0 : i32
      %dma_start3A_191 = arith.constant 0 : i32
      %dma_start3A_192 = tpu.memref_slice %arg19[%dma_start3A_190, %dma_start3A_191] : memref<10008x128xf32, #tpu.memory_space<vmem_shared>> -> memref<10008x128xf32, #tpu.memory_space<vmem_shared>>
      tpu.enqueue_indirect_dma source(%arg18 : memref<64x128xf32, #tpu.memory_space<vmem>>) target(%dma_start3A_192 : memref<10008x128xf32, #tpu.memory_space<vmem_shared>>) offsets(%arg14 : memref<64xi32, #tpu.memory_space<vmem>>) semaphore(%arg35 : memref<!tpu.dma_semaphore, #tpu.memory_space<semaphore_mem>>) {add = true}
    }
    %scan3A_51 = arith.constant 40 : i32
    %dma_wait3A_52 = arith.constant 0 : i32
    %dma_wait3A_53 = arith.constant 0 : i32
    %dma_wait3A_54 = tpu.memref_slice %arg19[%dma_wait3A_52, %dma_wait3A_53] : memref<10008x128xf32, #tpu.memory_space<vmem_shared>> -> memref<10008x128xf32, #tpu.memory_space<vmem_shared>>
    tpu.wait_indirect_dma semaphore(%arg32 : memref<!tpu.dma_semaphore, #tpu.memory_space<semaphore_mem>>) src(%arg15 : memref<64x128xf32, #tpu.memory_space<vmem>>) dst(%dma_wait3A_54 : memref<10008x128xf32, #tpu.memory_space<vmem_shared>>)
    %dma_wait3A_55 = arith.constant 0 : i32
    %dma_wait3A_56 = arith.constant 0 : i32
    %dma_wait3A_57 = tpu.memref_slice %arg19[%dma_wait3A_55, %dma_wait3A_56] : memref<10008x128xf32, #tpu.memory_space<vmem_shared>> -> memref<10008x128xf32, #tpu.memory_space<vmem_shared>>
    tpu.wait_indirect_dma semaphore(%arg33 : memref<!tpu.dma_semaphore, #tpu.memory_space<semaphore_mem>>) src(%arg16 : memref<64x128xf32, #tpu.memory_space<vmem>>) dst(%dma_wait3A_57 : memref<10008x128xf32, #tpu.memory_space<vmem_shared>>)
    %dma_wait3A_58 = arith.constant 0 : i32
    %dma_wait3A_59 = arith.constant 0 : i32
    %dma_wait3A_60 = tpu.memref_slice %arg19[%dma_wait3A_58, %dma_wait3A_59] : memref<10008x128xf32, #tpu.memory_space<vmem_shared>> -> memref<10008x128xf32, #tpu.memory_space<vmem_shared>>
    tpu.wait_indirect_dma semaphore(%arg34 : memref<!tpu.dma_semaphore, #tpu.memory_space<semaphore_mem>>) src(%arg17 : memref<64x128xf32, #tpu.memory_space<vmem>>) dst(%dma_wait3A_60 : memref<10008x128xf32, #tpu.memory_space<vmem_shared>>)
    %dma_wait3A_61 = arith.constant 0 : i32
    %dma_wait3A_62 = arith.constant 0 : i32
    %dma_wait3A_63 = tpu.memref_slice %arg19[%dma_wait3A_61, %dma_wait3A_62] : memref<10008x128xf32, #tpu.memory_space<vmem_shared>> -> memref<10008x128xf32, #tpu.memory_space<vmem_shared>>
    tpu.wait_indirect_dma semaphore(%arg35 : memref<!tpu.dma_semaphore, #tpu.memory_space<semaphore_mem>>) src(%arg18 : memref<64x128xf32, #tpu.memory_space<vmem>>) dst(%dma_wait3A_63 : memref<10008x128xf32, #tpu.memory_space<vmem_shared>>)
    %barrier3A_64 = arith.constant 0 : index
    tpu.barrier barrier_id(%barrier3A_64)
    %lt3A_65 = arith.constant 15 : i32
    %lt3A_66 = arith.cmpi slt, %arg1, %lt3A_65 : i32
    %convert_element_type3A_67 = arith.extui %lt3A_66 : i1 to i32
    %cond3A_68 = arith.constant 0 : i32
    %cond3A_69 = arith.cmpi ne, %convert_element_type3A_67, %cond3A_68 : i32
    scf.if %cond3A_69 {
      %mul3A_75 = arith.constant 632 : i32
      %mul3A_76 = arith.muli %arg1, %mul3A_75 : i32
      %mul3A_77 = arith.constant 632 : i32
      %mul3A_78 = arith.muli %arg1, %mul3A_77 : i32
      "tpu.region"() ({
        %run_scoped3A = tpu.sem_alloc : memref<!tpu.dma_semaphore, #tpu.memory_space<semaphore_mem>>
        %dma_start3A_79 = arith.constant 0 : i32
        %dma_start3A_80 = arith.constant 0 : i32
        %dma_start3A_81 = tpu.memref_slice %arg6[%arg0, %dma_start3A_79, %dma_start3A_80] : memref<2x10000x128xf32, #tpu.memory_space<hbm>> -> memref<1x10000x128xf32, #tpu.memory_space<hbm>>
        %dma_start3A_82 = tpu.memref_squeeze %dma_start3A_81 : memref<1x10000x128xf32, #tpu.memory_space<hbm>> -> memref<10000x128xf32, #tpu.memory_space<hbm>>
        %dma_start3A_83 = arith.constant 0 : i32
        %dma_start3A_84 = tpu.memref_slice %dma_start3A_82[%mul3A_78, %dma_start3A_83] : memref<10000x128xf32, #tpu.memory_space<hbm>> -> memref<632x128xf32, #tpu.memory_space<hbm>>
        %dma_start3A_85 = arith.constant 0 : i32
        %dma_start3A_86 = tpu.memref_slice %arg19[%mul3A_76, %dma_start3A_85] : memref<10008x128xf32, #tpu.memory_space<vmem_shared>> -> memref<632x128xf32, #tpu.memory_space<vmem_shared>>
        tpu.enqueue_dma source(%dma_start3A_86 : memref<632x128xf32, #tpu.memory_space<vmem_shared>>) target(%dma_start3A_84 : memref<632x128xf32, #tpu.memory_space<hbm>>) target_semaphore(%run_scoped3A : memref<!tpu.dma_semaphore, #tpu.memory_space<semaphore_mem>>)
        %dma_wait3A_87 = arith.constant 0 : i32
        %dma_wait3A_88 = arith.constant 0 : i32
        %dma_wait3A_89 = tpu.memref_slice %arg6[%arg0, %dma_wait3A_87, %dma_wait3A_88] : memref<2x10000x128xf32, #tpu.memory_space<hbm>> -> memref<1x10000x128xf32, #tpu.memory_space<hbm>>
        %dma_wait3A_90 = tpu.memref_squeeze %dma_wait3A_89 : memref<1x10000x128xf32, #tpu.memory_space<hbm>> -> memref<10000x128xf32, #tpu.memory_space<hbm>>
        %dma_wait3A_91 = arith.constant 0 : i32
        %dma_wait3A_92 = tpu.memref_slice %dma_wait3A_90[%mul3A_78, %dma_wait3A_91] : memref<10000x128xf32, #tpu.memory_space<hbm>> -> memref<632x128xf32, #tpu.memory_space<hbm>>
        %dma_wait3A_93 = arith.constant 0 : i32
        %dma_wait3A_94 = tpu.memref_slice %arg19[%mul3A_76, %dma_wait3A_93] : memref<10008x128xf32, #tpu.memory_space<vmem_shared>> -> memref<632x128xf32, #tpu.memory_space<vmem_shared>>
        tpu.wait_dma2 semaphore(%run_scoped3A : memref<!tpu.dma_semaphore, #tpu.memory_space<semaphore_mem>>) src(%dma_wait3A_94 : memref<632x128xf32, #tpu.memory_space<vmem_shared>>) dst(%dma_wait3A_92 : memref<632x128xf32, #tpu.memory_space<hbm>>)
        tpu.yield
      }) : () -> ()
    } else {
    }
    %eq3A_70 = arith.constant 15 : i32
    %eq3A_71 = arith.cmpi eq, %arg1, %eq3A_70 : i32
    %convert_element_type3A_72 = arith.extui %eq3A_71 : i1 to i32
    %cond3A_73 = arith.constant 0 : i32
    %cond3A_74 = arith.cmpi ne, %convert_element_type3A_72, %cond3A_73 : i32
    scf.if %cond3A_74 {
      "tpu.region"() ({
        %run_scoped3A = tpu.sem_alloc : memref<!tpu.dma_semaphore, #tpu.memory_space<semaphore_mem>>
        %dma_start3A_75 = arith.constant 0 : i32
        %dma_start3A_76 = arith.constant 0 : i32
        %dma_start3A_77 = tpu.memref_slice %arg6[%arg0, %dma_start3A_75, %dma_start3A_76] : memref<2x10000x128xf32, #tpu.memory_space<hbm>> -> memref<1x10000x128xf32, #tpu.memory_space<hbm>>
        %dma_start3A_78 = tpu.memref_squeeze %dma_start3A_77 : memref<1x10000x128xf32, #tpu.memory_space<hbm>> -> memref<10000x128xf32, #tpu.memory_space<hbm>>
        %dma_start3A_79 = arith.constant 9480 : i32
        %dma_start3A_80 = arith.constant 0 : i32
        %dma_start3A_81 = tpu.memref_slice %dma_start3A_78[%dma_start3A_79, %dma_start3A_80] : memref<10000x128xf32, #tpu.memory_space<hbm>> -> memref<520x128xf32, #tpu.memory_space<hbm>>
        %dma_start3A_82 = arith.constant 9480 : i32
        %dma_start3A_83 = arith.constant 0 : i32
        %dma_start3A_84 = tpu.memref_slice %arg19[%dma_start3A_82, %dma_start3A_83] : memref<10008x128xf32, #tpu.memory_space<vmem_shared>> -> memref<520x128xf32, #tpu.memory_space<vmem_shared>>
        tpu.enqueue_dma source(%dma_start3A_84 : memref<520x128xf32, #tpu.memory_space<vmem_shared>>) target(%dma_start3A_81 : memref<520x128xf32, #tpu.memory_space<hbm>>) target_semaphore(%run_scoped3A : memref<!tpu.dma_semaphore, #tpu.memory_space<semaphore_mem>>)
        %dma_wait3A_85 = arith.constant 0 : i32
        %dma_wait3A_86 = arith.constant 0 : i32
        %dma_wait3A_87 = tpu.memref_slice %arg6[%arg0, %dma_wait3A_85, %dma_wait3A_86] : memref<2x10000x128xf32, #tpu.memory_space<hbm>> -> memref<1x10000x128xf32, #tpu.memory_space<hbm>>
        %dma_wait3A_88 = tpu.memref_squeeze %dma_wait3A_87 : memref<1x10000x128xf32, #tpu.memory_space<hbm>> -> memref<10000x128xf32, #tpu.memory_space<hbm>>
        %dma_wait3A_89 = arith.constant 9480 : i32
        %dma_wait3A_90 = arith.constant 0 : i32
        %dma_wait3A_91 = tpu.memref_slice %dma_wait3A_88[%dma_wait3A_89, %dma_wait3A_90] : memref<10000x128xf32, #tpu.memory_space<hbm>> -> memref<520x128xf32, #tpu.memory_space<hbm>>
        %dma_wait3A_92 = arith.constant 9480 : i32
        %dma_wait3A_93 = arith.constant 0 : i32
        %dma_wait3A_94 = tpu.memref_slice %arg19[%dma_wait3A_92, %dma_wait3A_93] : memref<10008x128xf32, #tpu.memory_space<vmem_shared>> -> memref<520x128xf32, #tpu.memory_space<vmem_shared>>
        tpu.wait_dma2 semaphore(%run_scoped3A : memref<!tpu.dma_semaphore, #tpu.memory_space<semaphore_mem>>) src(%dma_wait3A_94 : memref<520x128xf32, #tpu.memory_space<vmem_shared>>) dst(%dma_wait3A_91 : memref<520x128xf32, #tpu.memory_space<hbm>>)
        tpu.yield
      }) : () -> ()
    } else {
    }
    return
  }
}

module attributes {stable_mosaic.version = 14 : i64} {
  func.func @_mm_body(%arg0: i32, %arg1: memref<2000x128xf32, #tpu.memory_space<vmem>>, %arg2: memref<128x256xf32, #tpu.memory_space<vmem>>, %arg3: memref<2000x128xf32, #tpu.memory_space<vmem>>, %arg4: memref<2000x128xf32, #tpu.memory_space<vmem>>) attributes {dimension_semantics = [#tpu.dimension_semantics<arbitrary>], iteration_bounds = array<i64: 5>, scalar_prefetch = 0 : i64, scratch_operands = 0 : i64, tpu.core_type = #tpu.core_type<tc>, window_params = [{transform_indices = @transform_0, window_bounds = array<i64: 2000, 128>}, {pipeline_mode = #tpu.pipeline_mode<synchronous>, transform_indices = @transform_1, window_bounds = array<i64: 128, 256>}, {transform_indices = @transform_2, window_bounds = array<i64: 2000, 128>}, {transform_indices = @transform_3, window_bounds = array<i64: 2000, 128>}]} {
    %get3A = arith.constant 0 : index
    %get3A_0 = arith.constant 0 : index
    %get3A_1 = vector.load %arg1[%get3A, %get3A_0] : memref<2000x128xf32, #tpu.memory_space<vmem>>, vector<2000x128xf32>
    %get3A_2 = arith.constant 0 : index
    %get3A_3 = arith.constant 0 : index
    %get3A_4 = vector.load %arg2[%get3A_2, %get3A_3] : memref<128x256xf32, #tpu.memory_space<vmem>>, vector<128x256xf32>
    %dot_general3A = arith.constant dense<0.000000e+00> : vector<2000x256xf32>
    %dot_general3A_5 = tpu.matmul %get3A_1, %get3A_4, %dot_general3A {dimension_numbers = #tpu.dot_dimension_numbers<[1], [0], [0], [1], [0, 0, 1, 1], [], []>, transpose_lhs_hint = false} : vector<2000x128xf32>, vector<128x256xf32>, vector<2000x256xf32> -> vector<2000x256xf32>
    %slice3A = vector.extract_strided_slice %dot_general3A_5 {offsets = [0, 0], sizes = [2000, 128], strides = [1, 1]} : vector<2000x256xf32> to vector<2000x128xf32>
    %swap3A = arith.constant 0 : index
    %swap3A_6 = arith.constant 0 : index
    %swap3A_7 = vector.load %arg3[%swap3A, %swap3A_6] : memref<2000x128xf32, #tpu.memory_space<vmem>>, vector<2000x128xf32>
    tpu.vector_store %arg3[%swap3A, %swap3A_6], %slice3A {strides = array<i32>} : memref<2000x128xf32, #tpu.memory_space<vmem>>, vector<2000x128xf32>,
    %slice3A_8 = vector.extract_strided_slice %dot_general3A_5 {offsets = [0, 128], sizes = [2000, 128], strides = [1, 1]} : vector<2000x256xf32> to vector<2000x128xf32>
    %swap3A_9 = arith.constant 0 : index
    %swap3A_10 = arith.constant 0 : index
    %swap3A_11 = vector.load %arg4[%swap3A_9, %swap3A_10] : memref<2000x128xf32, #tpu.memory_space<vmem>>, vector<2000x128xf32>
    tpu.vector_store %arg4[%swap3A_9, %swap3A_10], %slice3A_8 {strides = array<i32>} : memref<2000x128xf32, #tpu.memory_space<vmem>>, vector<2000x128xf32>,
    return
  }
  func.func @transform_0(%arg0: i32) -> (i32, i32) {
    %c0_i32 = arith.constant 0 : i32
    %c0_i32_0 = arith.constant 0 : i32
    return %arg0, %c0_i32 : i32, i32
  }
  func.func @transform_1(%arg0: i32) -> (i32, i32) {
    %c0_i32 = arith.constant 0 : i32
    %c0_i32_0 = arith.constant 0 : i32
    %c0_i32_1 = arith.constant 0 : i32
    return %c0_i32, %c0_i32_0 : i32, i32
  }
  func.func @transform_2(%arg0: i32) -> (i32, i32) {
    %c0_i32 = arith.constant 0 : i32
    %c0_i32_0 = arith.constant 0 : i32
    return %arg0, %c0_i32 : i32, i32
  }
  func.func @transform_3(%arg0: i32) -> (i32, i32) {
    %c0_i32 = arith.constant 0 : i32
    %c0_i32_0 = arith.constant 0 : i32
    return %arg0, %c0_i32 : i32, i32
  }
}

module attributes {stable_mosaic.version = 14 : i64} {
  func.func @_layer1_body(%arg0: i32, %arg1: memref<1x2000x128xf32, #tpu.memory_space<vmem>>, %arg2: memref<1x2000x128xf32, #tpu.memory_space<vmem>>, %arg3: memref<2000x2xf32, #tpu.memory_space<vmem>>, %arg4: memref<2000x128xf32, #tpu.memory_space<vmem>>, %arg5: memref<1x128xf32, #tpu.memory_space<vmem>>, %arg6: memref<128x256xf32, #tpu.memory_space<vmem>>, %arg7: memref<2000x128xf32, #tpu.memory_space<vmem>>, %arg8: memref<2000x128xf32, #tpu.memory_space<vmem>>, %arg9: memref<2000x1xf32, #tpu.memory_space<vmem>>) attributes {dimension_semantics = [#tpu.dimension_semantics<arbitrary>], iteration_bounds = array<i64: 5>, scalar_prefetch = 0 : i64, scratch_operands = 0 : i64, tpu.core_type = #tpu.core_type<tc>, window_params = [{transform_indices = @transform_0, window_bounds = array<i64: 1, 2000, 128>}, {transform_indices = @transform_1, window_bounds = array<i64: 1, 2000, 128>}, {transform_indices = @transform_2, window_bounds = array<i64: 2000, 2>}, {transform_indices = @transform_3, window_bounds = array<i64: 2000, 128>}, {pipeline_mode = #tpu.pipeline_mode<synchronous>, transform_indices = @transform_4, window_bounds = array<i64: 1, 128>}, {pipeline_mode = #tpu.pipeline_mode<synchronous>, transform_indices = @transform_5, window_bounds = array<i64: 128, 256>}, {transform_indices = @transform_6, window_bounds = array<i64: 2000, 128>}, {transform_indices = @transform_7, window_bounds = array<i64: 2000, 128>}, {transform_indices = @transform_8, window_bounds = array<i64: 2000, 1>}]} {
    %get3A = arith.constant 0 : index
    %get3A_0 = arith.constant 0 : index
    %get3A_1 = vector.load %arg3[%get3A, %get3A_0] : memref<2000x2xf32, #tpu.memory_space<vmem>>, vector<2000x2xf32>
    %reduce_sum3A = arith.constant dense<0.000000e+00> : vector<2000xf32>
    %reduce_sum3A_2 = vector.multi_reduction <add>, %get3A_1, %reduce_sum3A [1] : vector<2000x2xf32> to vector<2000xf32>
    %broadcast_in_dim3A = vector.shape_cast %reduce_sum3A_2 : vector<2000xf32> to vector<2000x1xf32>
    %max3A = arith.constant 1.000000e+00 : f32
    %max3A_3 = vector.broadcast %max3A : f32 to vector<2000x1xf32>
    %max3A_4 = arith.maximumf %broadcast_in_dim3A, %max3A_3 : vector<2000x1xf32>
    %div3A = arith.constant 1.000000e+00 : f32
    %div3A_5 = vector.broadcast %div3A : f32 to vector<2000x1xf32>
    %div3A_6 = arith.divf %div3A_5, %max3A_4 : vector<2000x1xf32>
    %get3A_7 = arith.constant 0 : index
    %get3A_8 = arith.constant 0 : index
    %get3A_9 = arith.constant 0 : index
    %get3A_10 = vector.load %arg1[%get3A_7, %get3A_8, %get3A_9] : memref<1x2000x128xf32, #tpu.memory_space<vmem>>, vector<1x2000x128xf32>
    %get3A_11 = vector.shape_cast %get3A_10 : vector<1x2000x128xf32> to vector<2000x128xf32>
    %get3A_12 = arith.constant 0 : index
    %get3A_13 = arith.constant 0 : index
    %get3A_14 = arith.constant 0 : index
    %get3A_15 = vector.load %arg2[%get3A_12, %get3A_13, %get3A_14] : memref<1x2000x128xf32, #tpu.memory_space<vmem>>, vector<1x2000x128xf32>
    %get3A_16 = vector.shape_cast %get3A_15 : vector<1x2000x128xf32> to vector<2000x128xf32>
    %add3A = arith.addf %get3A_11, %get3A_16 : vector<2000x128xf32>
    %mul3A = vector.broadcast %div3A_6 : vector<2000x1xf32> to vector<2000x128xf32>
    %mul3A_17 = arith.mulf %add3A, %mul3A : vector<2000x128xf32>
    %get3A_18 = arith.constant 0 : index
    %get3A_19 = arith.constant 0 : index
    %get3A_20 = vector.load %arg5[%get3A_18, %get3A_19] : memref<1x128xf32, #tpu.memory_space<vmem>>, vector<1x128xf32>
    %add3A_21 = vector.broadcast %get3A_20 : vector<1x128xf32> to vector<2000x128xf32>
    %add3A_22 = arith.addf %mul3A_17, %add3A_21 : vector<2000x128xf32>
    %get3A_23 = arith.constant 0 : index
    %get3A_24 = arith.constant 0 : index
    %get3A_25 = vector.load %arg4[%get3A_23, %get3A_24] : memref<2000x128xf32, #tpu.memory_space<vmem>>, vector<2000x128xf32>
    %add3A_26 = arith.addf %add3A_22, %get3A_25 : vector<2000x128xf32>
    %max3A_27 = arith.constant 0.000000e+00 : f32
    %max3A_28 = vector.broadcast %max3A_27 : f32 to vector<2000x128xf32>
    %max3A_29 = arith.maximumf %add3A_26, %max3A_28 : vector<2000x128xf32>
    %get3A_30 = arith.constant 0 : index
    %get3A_31 = arith.constant 0 : index
    %get3A_32 = vector.load %arg6[%get3A_30, %get3A_31] : memref<128x256xf32, #tpu.memory_space<vmem>>, vector<128x256xf32>
    %dot_general3A = arith.constant dense<0.000000e+00> : vector<2000x256xf32>
    %dot_general3A_33 = tpu.matmul %max3A_29, %get3A_32, %dot_general3A {dimension_numbers = #tpu.dot_dimension_numbers<[1], [0], [0], [1], [0, 0, 1, 1], [], []>, transpose_lhs_hint = false} : vector<2000x128xf32>, vector<128x256xf32>, vector<2000x256xf32> -> vector<2000x256xf32>
    %slice3A = vector.extract_strided_slice %dot_general3A_33 {offsets = [0, 0], sizes = [2000, 128], strides = [1, 1]} : vector<2000x256xf32> to vector<2000x128xf32>
    %swap3A = arith.constant 0 : index
    %swap3A_34 = arith.constant 0 : index
    %swap3A_35 = vector.load %arg7[%swap3A, %swap3A_34] : memref<2000x128xf32, #tpu.memory_space<vmem>>, vector<2000x128xf32>
    tpu.vector_store %arg7[%swap3A, %swap3A_34], %slice3A {strides = array<i32>} : memref<2000x128xf32, #tpu.memory_space<vmem>>, vector<2000x128xf32>,
    %slice3A_36 = vector.extract_strided_slice %dot_general3A_33 {offsets = [0, 128], sizes = [2000, 128], strides = [1, 1]} : vector<2000x256xf32> to vector<2000x128xf32>
    %swap3A_37 = arith.constant 0 : index
    %swap3A_38 = arith.constant 0 : index
    %swap3A_39 = vector.load %arg8[%swap3A_37, %swap3A_38] : memref<2000x128xf32, #tpu.memory_space<vmem>>, vector<2000x128xf32>
    tpu.vector_store %arg8[%swap3A_37, %swap3A_38], %slice3A_36 {strides = array<i32>} : memref<2000x128xf32, #tpu.memory_space<vmem>>, vector<2000x128xf32>,
    %swap3A_40 = arith.constant 0 : index
    %swap3A_41 = arith.constant 0 : index
    %swap3A_42 = vector.load %arg9[%swap3A_40, %swap3A_41] : memref<2000x1xf32, #tpu.memory_space<vmem>>, vector<2000x1xf32>
    tpu.vector_store %arg9[%swap3A_40, %swap3A_41], %div3A_6 {strides = array<i32>} : memref<2000x1xf32, #tpu.memory_space<vmem>>, vector<2000x1xf32>,
    return
  }
  func.func @transform_0(%arg0: i32) -> (i32, i32, i32) {
    %c0_i32 = arith.constant 0 : i32
    %c0_i32_0 = arith.constant 0 : i32
    %c0_i32_1 = arith.constant 0 : i32
    return %c0_i32, %arg0, %c0_i32_0 : i32, i32, i32
  }
  func.func @transform_1(%arg0: i32) -> (i32, i32, i32) {
    %c1_i32 = arith.constant 1 : i32
    %c0_i32 = arith.constant 0 : i32
    %c0_i32_0 = arith.constant 0 : i32
    return %c1_i32, %arg0, %c0_i32 : i32, i32, i32
  }
  func.func @transform_2(%arg0: i32) -> (i32, i32) {
    %c0_i32 = arith.constant 0 : i32
    %c0_i32_0 = arith.constant 0 : i32
    return %arg0, %c0_i32 : i32, i32
  }
  func.func @transform_3(%arg0: i32) -> (i32, i32) {
    %c0_i32 = arith.constant 0 : i32
    %c0_i32_0 = arith.constant 0 : i32
    return %arg0, %c0_i32 : i32, i32
  }
  func.func @transform_4(%arg0: i32) -> (i32, i32) {
    %c0_i32 = arith.constant 0 : i32
    %c0_i32_0 = arith.constant 0 : i32
    %c0_i32_1 = arith.constant 0 : i32
    return %c0_i32, %c0_i32_0 : i32, i32
  }
  func.func @transform_5(%arg0: i32) -> (i32, i32) {
    %c0_i32 = arith.constant 0 : i32
    %c0_i32_0 = arith.constant 0 : i32
    %c0_i32_1 = arith.constant 0 : i32
    return %c0_i32, %c0_i32_0 : i32, i32
  }
  func.func @transform_6(%arg0: i32) -> (i32, i32) {
    %c0_i32 = arith.constant 0 : i32
    %c0_i32_0 = arith.constant 0 : i32
    return %arg0, %c0_i32 : i32, i32
  }
  func.func @transform_7(%arg0: i32) -> (i32, i32) {
    %c0_i32 = arith.constant 0 : i32
    %c0_i32_0 = arith.constant 0 : i32
    return %arg0, %c0_i32 : i32, i32
  }
  func.func @transform_8(%arg0: i32) -> (i32, i32) {
    %c0_i32 = arith.constant 0 : i32
    %c0_i32_0 = arith.constant 0 : i32
    return %arg0, %c0_i32 : i32, i32
  }
}

module attributes {stable_mosaic.version = 14 : i64} {
  func.func @_layer_body(%arg0: i32, %arg1: memref<1x2000x128xf32, #tpu.memory_space<vmem>>, %arg2: memref<1x2000x128xf32, #tpu.memory_space<vmem>>, %arg3: memref<2000x1xf32, #tpu.memory_space<vmem>>, %arg4: memref<2000x128xf32, #tpu.memory_space<vmem>>, %arg5: memref<1x128xf32, #tpu.memory_space<vmem>>, %arg6: memref<128x32xf32, #tpu.memory_space<vmem>>, %arg7: memref<2000x16xf32, #tpu.memory_space<vmem>>, %arg8: memref<2000x16xf32, #tpu.memory_space<vmem>>) attributes {dimension_semantics = [#tpu.dimension_semantics<arbitrary>], iteration_bounds = array<i64: 5>, scalar_prefetch = 0 : i64, scratch_operands = 0 : i64, tpu.core_type = #tpu.core_type<tc>, window_params = [{transform_indices = @transform_0, window_bounds = array<i64: 1, 2000, 128>}, {transform_indices = @transform_1, window_bounds = array<i64: 1, 2000, 128>}, {transform_indices = @transform_2, window_bounds = array<i64: 2000, 1>}, {transform_indices = @transform_3, window_bounds = array<i64: 2000, 128>}, {pipeline_mode = #tpu.pipeline_mode<synchronous>, transform_indices = @transform_4, window_bounds = array<i64: 1, 128>}, {pipeline_mode = #tpu.pipeline_mode<synchronous>, transform_indices = @transform_5, window_bounds = array<i64: 128, 32>}, {transform_indices = @transform_6, window_bounds = array<i64: 2000, 16>}, {transform_indices = @transform_7, window_bounds = array<i64: 2000, 16>}]} {
    %get3A = arith.constant 0 : index
    %get3A_0 = arith.constant 0 : index
    %get3A_1 = arith.constant 0 : index
    %get3A_2 = vector.load %arg1[%get3A, %get3A_0, %get3A_1] : memref<1x2000x128xf32, #tpu.memory_space<vmem>>, vector<1x2000x128xf32>
    %get3A_3 = vector.shape_cast %get3A_2 : vector<1x2000x128xf32> to vector<2000x128xf32>
    %get3A_4 = arith.constant 0 : index
    %get3A_5 = arith.constant 0 : index
    %get3A_6 = arith.constant 0 : index
    %get3A_7 = vector.load %arg2[%get3A_4, %get3A_5, %get3A_6] : memref<1x2000x128xf32, #tpu.memory_space<vmem>>, vector<1x2000x128xf32>
    %get3A_8 = vector.shape_cast %get3A_7 : vector<1x2000x128xf32> to vector<2000x128xf32>
    %add3A = arith.addf %get3A_3, %get3A_8 : vector<2000x128xf32>
    %get3A_9 = arith.constant 0 : index
    %get3A_10 = arith.constant 0 : index
    %get3A_11 = vector.load %arg3[%get3A_9, %get3A_10] : memref<2000x1xf32, #tpu.memory_space<vmem>>, vector<2000x1xf32>
    %mul3A = vector.broadcast %get3A_11 : vector<2000x1xf32> to vector<2000x128xf32>
    %mul3A_12 = arith.mulf %add3A, %mul3A : vector<2000x128xf32>
    %get3A_13 = arith.constant 0 : index
    %get3A_14 = arith.constant 0 : index
    %get3A_15 = vector.load %arg5[%get3A_13, %get3A_14] : memref<1x128xf32, #tpu.memory_space<vmem>>, vector<1x128xf32>
    %add3A_16 = vector.broadcast %get3A_15 : vector<1x128xf32> to vector<2000x128xf32>
    %add3A_17 = arith.addf %mul3A_12, %add3A_16 : vector<2000x128xf32>
    %get3A_18 = arith.constant 0 : index
    %get3A_19 = arith.constant 0 : index
    %get3A_20 = vector.load %arg4[%get3A_18, %get3A_19] : memref<2000x128xf32, #tpu.memory_space<vmem>>, vector<2000x128xf32>
    %add3A_21 = arith.addf %add3A_17, %get3A_20 : vector<2000x128xf32>
    %max3A = arith.constant 0.000000e+00 : f32
    %max3A_22 = vector.broadcast %max3A : f32 to vector<2000x128xf32>
    %max3A_23 = arith.maximumf %add3A_21, %max3A_22 : vector<2000x128xf32>
    %get3A_24 = arith.constant 0 : index
    %get3A_25 = arith.constant 0 : index
    %get3A_26 = vector.load %arg6[%get3A_24, %get3A_25] : memref<128x32xf32, #tpu.memory_space<vmem>>, vector<128x32xf32>
    %dot_general3A = arith.constant dense<0.000000e+00> : vector<2000x32xf32>
    %dot_general3A_27 = tpu.matmul %max3A_23, %get3A_26, %dot_general3A {dimension_numbers = #tpu.dot_dimension_numbers<[1], [0], [0], [1], [0, 0, 1, 1], [], []>, transpose_lhs_hint = false} : vector<2000x128xf32>, vector<128x32xf32>, vector<2000x32xf32> -> vector<2000x32xf32>
    %slice3A = vector.extract_strided_slice %dot_general3A_27 {offsets = [0, 0], sizes = [2000, 16], strides = [1, 1]} : vector<2000x32xf32> to vector<2000x16xf32>
    %swap3A = arith.constant 0 : index
    %swap3A_28 = arith.constant 0 : index
    %swap3A_29 = vector.load %arg7[%swap3A, %swap3A_28] : memref<2000x16xf32, #tpu.memory_space<vmem>>, vector<2000x16xf32>
    tpu.vector_store %arg7[%swap3A, %swap3A_28], %slice3A {strides = array<i32>} : memref<2000x16xf32, #tpu.memory_space<vmem>>, vector<2000x16xf32>,
    %slice3A_30 = vector.extract_strided_slice %dot_general3A_27 {offsets = [0, 16], sizes = [2000, 16], strides = [1, 1]} : vector<2000x32xf32> to vector<2000x16xf32>
    %swap3A_31 = arith.constant 0 : index
    %swap3A_32 = arith.constant 0 : index
    %swap3A_33 = vector.load %arg8[%swap3A_31, %swap3A_32] : memref<2000x16xf32, #tpu.memory_space<vmem>>, vector<2000x16xf32>
    tpu.vector_store %arg8[%swap3A_31, %swap3A_32], %slice3A_30 {strides = array<i32>} : memref<2000x16xf32, #tpu.memory_space<vmem>>, vector<2000x16xf32>,
    return
  }
  func.func @transform_0(%arg0: i32) -> (i32, i32, i32) {
    %c0_i32 = arith.constant 0 : i32
    %c0_i32_0 = arith.constant 0 : i32
    %c0_i32_1 = arith.constant 0 : i32
    return %c0_i32, %arg0, %c0_i32_0 : i32, i32, i32
  }
  func.func @transform_1(%arg0: i32) -> (i32, i32, i32) {
    %c1_i32 = arith.constant 1 : i32
    %c0_i32 = arith.constant 0 : i32
    %c0_i32_0 = arith.constant 0 : i32
    return %c1_i32, %arg0, %c0_i32 : i32, i32, i32
  }
  func.func @transform_2(%arg0: i32) -> (i32, i32) {
    %c0_i32 = arith.constant 0 : i32
    %c0_i32_0 = arith.constant 0 : i32
    return %arg0, %c0_i32 : i32, i32
  }
  func.func @transform_3(%arg0: i32) -> (i32, i32) {
    %c0_i32 = arith.constant 0 : i32
    %c0_i32_0 = arith.constant 0 : i32
    return %arg0, %c0_i32 : i32, i32
  }
  func.func @transform_4(%arg0: i32) -> (i32, i32) {
    %c0_i32 = arith.constant 0 : i32
    %c0_i32_0 = arith.constant 0 : i32
    %c0_i32_1 = arith.constant 0 : i32
    return %c0_i32, %c0_i32_0 : i32, i32
  }
  func.func @transform_5(%arg0: i32) -> (i32, i32) {
    %c0_i32 = arith.constant 0 : i32
    %c0_i32_0 = arith.constant 0 : i32
    %c0_i32_1 = arith.constant 0 : i32
    return %c0_i32, %c0_i32_0 : i32, i32
  }
  func.func @transform_6(%arg0: i32) -> (i32, i32) {
    %c0_i32 = arith.constant 0 : i32
    %c0_i32_0 = arith.constant 0 : i32
    return %arg0, %c0_i32 : i32, i32
  }
  func.func @transform_7(%arg0: i32) -> (i32, i32) {
    %c0_i32 = arith.constant 0 : i32
    %c0_i32_0 = arith.constant 0 : i32
    return %arg0, %c0_i32 : i32, i32
  }
}

module attributes {stable_mosaic.version = 14 : i64} {
  func.func @_final_body(%arg0: i32, %arg1: memref<1x2000x16xf32, #tpu.memory_space<vmem>>, %arg2: memref<1x2000x16xf32, #tpu.memory_space<vmem>>, %arg3: memref<2000x1xf32, #tpu.memory_space<vmem>>, %arg4: memref<2000x16xf32, #tpu.memory_space<vmem>>, %arg5: memref<1x16xf32, #tpu.memory_space<vmem>>, %arg6: memref<16x16xf32, #tpu.memory_space<vmem>>, %arg7: memref<2000x13xf32, #tpu.memory_space<vmem>>) attributes {dimension_semantics = [#tpu.dimension_semantics<arbitrary>], iteration_bounds = array<i64: 5>, scalar_prefetch = 0 : i64, scratch_operands = 0 : i64, tpu.core_type = #tpu.core_type<tc>, window_params = [{transform_indices = @transform_0, window_bounds = array<i64: 1, 2000, 16>}, {transform_indices = @transform_1, window_bounds = array<i64: 1, 2000, 16>}, {transform_indices = @transform_2, window_bounds = array<i64: 2000, 1>}, {transform_indices = @transform_3, window_bounds = array<i64: 2000, 16>}, {pipeline_mode = #tpu.pipeline_mode<synchronous>, transform_indices = @transform_4, window_bounds = array<i64: 1, 16>}, {pipeline_mode = #tpu.pipeline_mode<synchronous>, transform_indices = @transform_5, window_bounds = array<i64: 16, 16>}, {transform_indices = @transform_6, window_bounds = array<i64: 2000, 13>}]} {
    %get3A = arith.constant 0 : index
    %get3A_0 = arith.constant 0 : index
    %get3A_1 = arith.constant 0 : index
    %get3A_2 = vector.load %arg1[%get3A, %get3A_0, %get3A_1] : memref<1x2000x16xf32, #tpu.memory_space<vmem>>, vector<1x2000x16xf32>
    %get3A_3 = vector.shape_cast %get3A_2 : vector<1x2000x16xf32> to vector<2000x16xf32>
    %get3A_4 = arith.constant 0 : index
    %get3A_5 = arith.constant 0 : index
    %get3A_6 = arith.constant 0 : index
    %get3A_7 = vector.load %arg2[%get3A_4, %get3A_5, %get3A_6] : memref<1x2000x16xf32, #tpu.memory_space<vmem>>, vector<1x2000x16xf32>
    %get3A_8 = vector.shape_cast %get3A_7 : vector<1x2000x16xf32> to vector<2000x16xf32>
    %add3A = arith.addf %get3A_3, %get3A_8 : vector<2000x16xf32>
    %get3A_9 = arith.constant 0 : index
    %get3A_10 = arith.constant 0 : index
    %get3A_11 = vector.load %arg3[%get3A_9, %get3A_10] : memref<2000x1xf32, #tpu.memory_space<vmem>>, vector<2000x1xf32>
    %mul3A = vector.broadcast %get3A_11 : vector<2000x1xf32> to vector<2000x16xf32>
    %mul3A_12 = arith.mulf %add3A, %mul3A : vector<2000x16xf32>
    %get3A_13 = arith.constant 0 : index
    %get3A_14 = arith.constant 0 : index
    %get3A_15 = vector.load %arg5[%get3A_13, %get3A_14] : memref<1x16xf32, #tpu.memory_space<vmem>>, vector<1x16xf32>
    %add3A_16 = vector.broadcast %get3A_15 : vector<1x16xf32> to vector<2000x16xf32>
    %add3A_17 = arith.addf %mul3A_12, %add3A_16 : vector<2000x16xf32>
    %get3A_18 = arith.constant 0 : index
    %get3A_19 = arith.constant 0 : index
    %get3A_20 = vector.load %arg4[%get3A_18, %get3A_19] : memref<2000x16xf32, #tpu.memory_space<vmem>>, vector<2000x16xf32>
    %add3A_21 = arith.addf %add3A_17, %get3A_20 : vector<2000x16xf32>
    %logistic3A = arith.negf %add3A_21 : vector<2000x16xf32>
    %logistic3A_22 = math.exp %logistic3A : vector<2000x16xf32>
    %logistic3A_23 = arith.constant 1.000000e+00 : f32
    %logistic3A_24 = vector.broadcast %logistic3A_23 : f32 to vector<2000x16xf32>
    %logistic3A_25 = arith.addf %logistic3A_24, %logistic3A_22 : vector<2000x16xf32>
    %logistic3A_26 = arith.divf %logistic3A_24, %logistic3A_25 : vector<2000x16xf32>
    %get3A_27 = arith.constant 0 : index
    %get3A_28 = arith.constant 0 : index
    %get3A_29 = vector.load %arg6[%get3A_27, %get3A_28] : memref<16x16xf32, #tpu.memory_space<vmem>>, vector<16x16xf32>
    %broadcast_in_dim3A = vector.shape_cast %get3A_29 : vector<16x16xf32> to vector<1x16x16xf32>
    %broadcast_in_dim3A_30 = vector.shape_cast %logistic3A_26 : vector<2000x16xf32> to vector<2000x1x16xf32>
    %mul3A_31 = vector.broadcast %broadcast_in_dim3A : vector<1x16x16xf32> to vector<2000x16x16xf32>
    %mul3A_32 = vector.broadcast %broadcast_in_dim3A_30 : vector<2000x1x16xf32> to vector<2000x16x16xf32>
    %mul3A_33 = arith.mulf %mul3A_31, %mul3A_32 : vector<2000x16x16xf32>
    %iota3A = tpu.iota {dimensions = array<i32: 2>} : vector<2000x16x16xi32>
    %lt3A = arith.constant 13 : i32
    %lt3A_34 = vector.broadcast %lt3A : i32 to vector<2000x16x16xi32>
    %lt3A_35 = arith.cmpi slt, %iota3A, %lt3A_34 : vector<2000x16x16xi32>
    %jit3A = arith.constant 0xFF800000 : f32
    %broadcast_in_dim3A_36 = vector.broadcast %jit3A : f32 to vector<2000x16x16xf32>
    %select_n3A = arith.select %lt3A_35, %mul3A_33, %broadcast_in_dim3A_36 : vector<2000x16x16xi1>, vector<2000x16x16xf32>
    %reduce_max3A = arith.constant dense<0xFF800000> : vector<2000x16xf32>
    %reduce_max3A_37 = vector.multi_reduction <maximumf>, %select_n3A, %reduce_max3A [2] : vector<2000x16x16xf32> to vector<2000x16xf32>
    %slice3A = vector.extract_strided_slice %reduce_max3A_37 {offsets = [0, 0], sizes = [2000, 13], strides = [1, 1]} : vector<2000x16xf32> to vector<2000x13xf32>
    %swap3A = arith.constant 0 : index
    %swap3A_38 = arith.constant 0 : index
    %swap3A_39 = vector.load %arg7[%swap3A, %swap3A_38] : memref<2000x13xf32, #tpu.memory_space<vmem>>, vector<2000x13xf32>
    tpu.vector_store %arg7[%swap3A, %swap3A_38], %slice3A {strides = array<i32>} : memref<2000x13xf32, #tpu.memory_space<vmem>>, vector<2000x13xf32>,
    return
  }
  func.func @transform_0(%arg0: i32) -> (i32, i32, i32) {
    %c0_i32 = arith.constant 0 : i32
    %c0_i32_0 = arith.constant 0 : i32
    %c0_i32_1 = arith.constant 0 : i32
    return %c0_i32, %arg0, %c0_i32_0 : i32, i32, i32
  }
  func.func @transform_1(%arg0: i32) -> (i32, i32, i32) {
    %c1_i32 = arith.constant 1 : i32
    %c0_i32 = arith.constant 0 : i32
    %c0_i32_0 = arith.constant 0 : i32
    return %c1_i32, %arg0, %c0_i32 : i32, i32, i32
  }
  func.func @transform_2(%arg0: i32) -> (i32, i32) {
    %c0_i32 = arith.constant 0 : i32
    %c0_i32_0 = arith.constant 0 : i32
    return %arg0, %c0_i32 : i32, i32
  }
  func.func @transform_3(%arg0: i32) -> (i32, i32) {
    %c0_i32 = arith.constant 0 : i32
    %c0_i32_0 = arith.constant 0 : i32
    return %arg0, %c0_i32 : i32, i32
  }
  func.func @transform_4(%arg0: i32) -> (i32, i32) {
    %c0_i32 = arith.constant 0 : i32
    %c0_i32_0 = arith.constant 0 : i32
    %c0_i32_1 = arith.constant 0 : i32
    return %c0_i32, %c0_i32_0 : i32, i32
  }
  func.func @transform_5(%arg0: i32) -> (i32, i32) {
    %c0_i32 = arith.constant 0 : i32
    %c0_i32_0 = arith.constant 0 : i32
    %c0_i32_1 = arith.constant 0 : i32
    return %c0_i32, %c0_i32_0 : i32, i32
  }
  func.func @transform_6(%arg0: i32) -> (i32, i32) {
    %c0_i32 = arith.constant 0 : i32
    %c0_i32_0 = arith.constant 0 : i32
    return %arg0, %c0_i32 : i32, i32
  }
}

</mosaic_0001>

<sc_bundles>
// kernel: kernel.12.cloned.1.call-start
scs
__scs_entry_jumppad:
0x0: {  	(pc) =	sbr.rel $0x88, $3  }
0x1: {  	(tag) =	ssettag $0x0;
	lr =	simm.s32 $0x1  }
0x2: {  	[smem:$0x3F95] =	sst lr;
	_ =	strace $0xD0000000  }
0x3: {  	_ = 	snop  }
0x4: {  	_ = 	snop  }
0x5: {  	_ = 	snop  }
0x6: {  	_ = 	snop  }
0x7: {  	_ = 	snop  }
__scs_overlays_trampoline_lowered:
0x8: {  	[smem:$0x3FA4] =	sst s0  }
0x9: {  	[smem:$0x3FA5] =	sst s1  }
0xa: {  	[smem:$0x3FA6] =	sst s2  }
0xb: {  	[smem:$0x3FA7] =	sst s3  }
0xc: {  	[smem:$0x3FA8] =	sst s4  }
0xd: {  	[smem:$0x3FA9] =	sst s5  }
0xe: {  	[smem:$0x3FAA] =	sst s6  }
0xf: {  	[smem:$0x3FAB] =	sst s7  }
0x10: {  	[smem:$0x3FAC] =	sst s8  }
0x11: {  	[smem:$0x3FAD] =	sst s9;
	s0 =	simm.s32 @!p0 $0x0  }
0x12: {  	s1 =	sld [smem:$0x3F93];
	s0 =	simm.s32 @p0 $0x1  }
0x13: {  	[smem:$0x3FAE] =	sst s0;
	s0 =	simm.s32 @!p1 $0x0  }
0x14: {  	s2 =	sld [smem:$0x3F92];
	s0 =	simm.s32 @p1 $0x1  }
0x15: {  	[smem:$0x3FAF] =	sst s0;
	s0 =	simm.s32 @!p2 $0x0  }
0x16: {  	s3 =	sld [smem:$0x3FDB];
	s0 =	simm.s32 @p2 $0x1  }
0x17: {  	s4 =	simm.s32 $0x1BF5;
	[smem:$0x3FB1] =	sst s0  }
0x18: {  	s0 =	sld [smem:$0x3F94];
	_ =	swait.ge [sflag:s4], $0x0  }
0x19: {  	s7 =	sld [smem:$0x3F95]  }
0x1a: {  	s8 =	sadd.s32 $0xFFFFE003, lr  }
0x1b: {  	s9 =	sadd.s32 $0xFFFFFEF7, lr;
	s5 =	simm.s32 $0xFFFFFFFF;
	p2 =	slt.u32 s8, $0xFFFFF086  }
0x1c: {  	p1 =	slt.u32 s9, $0xF7A;
	s5 =	simm.s32 @!p2 $0x0  }
0x1d: {  	s5 =	simm.s32 @p1 $0x1;
	p0 =	seq.s32 s7, s2  }
0x1e: {  	s7 =	smul.u32 @!p0 $0xF7A, s2;
	p2 =	seq.s32 @!p0 s5, $0x0  }
0x1f: {  	s9 =	smul.u32 $0xF7A, s1;
	s8 =	simm.s32 @!p0 $0x1BF5;
	p2 =	por !p2, p0  }
0x20: {  	[sflag:s8] =	ssyncset.s32 @!p0 $0xFFFFF086;
	s6 =	sadd.s32 @!p0 s3, s7;
	s7 =	simm.s32 @!p0 $0x108  }
0x21: {  	s3 =	sadd.s32 s3, s9;
	s6 =	sadd.s32 @!p0 $0x88, s6;
	s7 =	simm.s32 @p2 $0x1082  }
0x22: {  	[simem:s7], [sflag:s8] =	dma.local @!p0 [hbm:s6], $0xF7A  }
0x23: {  	s9 =	sor.u32 $0xD0000000, s2;
	s6 =	simm.s32 $0x108;
	_ =	swait.ge @!p0 [sflag:s8], $0x0  }
0x24: {  	s3 =	sadd.s32 $0x88, s3;
	s6 =	simm.s32 @!p1 $0x1082;
	[sflag:s4] =	ssyncset.s32 $0xFFFFF086  }
0x25: {  	[simem:s6], [sflag:s4] =	dma.local [hbm:s3], $0xF7A  }
0x26: {  	[smem:$0x3F95] =	sst s1;
	(tag) =	ssettag s2;
	_ =	strace s9  }
0x27: {  	s1 =	sld [smem:$0x3FA5]  }
0x28: {  	s2 =	sld [smem:$0x3FA6]  }
0x29: {  	s4 =	sld [smem:$0x3FA8]  }
0x2a: {  	p0 =	seq.s32 s5, $0x0;
	s5 =	sld [smem:$0x3FA9]  }
0x2b: {  	s6 =	sld [smem:$0x3FAA]  }
0x2c: {  	s7 =	sld [smem:$0x3FAB]  }
0x2d: {  	s3 =	simm.s32 $0x108;
	s8 =	sld [smem:$0x3FAC]  }
0x2e: {  	s3 =	simm.s32 @!p0 $0x1082;
	s9 =	sld [smem:$0x3FAD]  }
0x2f: {  	lr =	sadd.s32 s0, s3;
	s0 =	sld [smem:$0x3FA4]  }
0x30: {  	s3 =	sld [smem:$0x3FA7]  }
0x31: {  	[smem:$0x3FB0] =	sst s10  }
0x32: {  	s10 =	sld [smem:$0x3FAE];
	_ =	sdelay $0x3  }
0x33: {  	p0 =	seq.s32 s10, $0x1;
	s10 =	sld [smem:$0x3FB0];
	_ =	sdelay $0x3  }
0x34: {  	[smem:$0x3FB0] =	sst s10  }
0x35: {  	s10 =	sld [smem:$0x3FAF];
	_ =	sdelay $0x3  }
0x36: {  	p1 =	seq.s32 s10, $0x1;
	s10 =	sld [smem:$0x3FB0];
	_ =	sdelay $0x3  }
0x37: {  	[smem:$0x3FB0] =	sst s10  }
0x38: {  	s10 =	sld [smem:$0x3FB1]  }
0x39: {  	_ = 	snop;
	(pc) =	sbr.ind lr, $3  }
0x3a: {  	_ = 	snop  }
0x3b: {  	_ = 	snop  }
0x3c: {  	p2 =	seq.s32 s10, $0x1;
	s10 =	sld [smem:$0x3FB0]  }
0x3d: {  	_ =	shalt  }
0x3e: {  	_ =	shalt  }
0x3f: {  	_ =	shalt  }
0x40: {  	_ =	shalt  }
0x41: {  	_ =	shalt  }
0x42: {  	_ =	shalt  }
0x43: {  	_ =	shalt  }
0x44: {  	_ =	shalt  }
0x45: {  	_ =	shalt  }
0x46: {  	_ =	shalt  }
0x47: {  	_ =	shalt  }
0x48: {  	_ =	shalt  }
0x49: {  	_ =	shalt  }
0x4a: {  	_ =	shalt  }
0x4b: {  	_ =	shalt  }
0x4c: {  	_ =	shalt  }
0x4d: {  	_ =	shalt  }
0x4e: {  	_ =	shalt  }
0x4f: {  	_ =	shalt  }
0x50: {  	_ =	shalt  }
0x51: {  	_ =	shalt  }
0x52: {  	_ =	shalt  }
0x53: {  	_ =	shalt  }
0x54: {  	_ =	shalt  }
0x55: {  	_ =	shalt  }
0x56: {  	_ =	shalt  }
0x57: {  	_ =	shalt  }
0x58: {  	_ =	shalt  }
0x59: {  	_ =	shalt  }
0x5a: {  	_ =	shalt  }
0x5b: {  	_ =	shalt  }
0x5c: {  	_ =	shalt  }
0x5d: {  	_ =	shalt  }
0x5e: {  	_ =	shalt  }
0x5f: {  	_ =	shalt  }
0x60: {  	_ =	shalt  }
0x61: {  	_ =	shalt  }
0x62: {  	_ =	shalt  }
0x63: {  	_ =	shalt  }
0x64: {  	_ =	shalt  }
0x65: {  	_ =	shalt  }
0x66: {  	_ =	shalt  }
0x67: {  	_ =	shalt  }
0x68: {  	_ =	shalt  }
0x69: {  	_ =	shalt  }
0x6a: {  	_ =	shalt  }
0x6b: {  	_ =	shalt  }
0x6c: {  	_ =	shalt  }
0x6d: {  	_ =	shalt  }
0x6e: {  	_ =	shalt  }
0x6f: {  	_ =	shalt  }
0x70: {  	_ =	shalt  }
0x71: {  	_ =	shalt  }
0x72: {  	_ =	shalt  }
0x73: {  	_ =	shalt  }
0x74: {  	_ =	shalt  }
0x75: {  	_ =	shalt  }
0x76: {  	_ =	shalt  }
0x77: {  	_ =	shalt  }
0x78: {  	_ =	shalt  }
0x79: {  	_ =	shalt  }
0x7a: {  	_ =	shalt  }
0x7b: {  	_ =	shalt  }
0x7c: {  	_ =	shalt  }
0x7d: {  	_ =	shalt  }
0x7e: {  	_ =	shalt  }
0x7f: {  	_ =	shalt  }
0x80: {  	_ =	shalt  }
0x81: {  	_ =	shalt  }
0x82: {  	_ =	shalt  }
0x83: {  	_ =	shalt  }
0x84: {  	_ =	shalt  }
0x85: {  	_ =	shalt  }
0x86: {  	_ =	shalt  }
0x87: {  	_ =	shalt  }
.Lfunc_end0:
.L_simem_size_0:
called_computation.1_lowered:
.L_overlay_start_0:
0x88: {  	s2 =	sld [smem:$0x3FD9]  }
0x89: {  	s3 =	sld [smem:$0x3FFE];
	_ =	sdelay $0x1  }
0x8a: {  	s1 =	srdreg.scid  }
0x8b: {  	s0 =	sand.u32 $0x1, s1  }
0x8c: {  	s16 =	sshll.u32 s0, $0xA;
	s2 =	sadd.s32 s3, s2  }
0x8d: {  	s2 =	sadd.s32 s2, s16  }
0x8e: {  	[smem:$0x3FBC] =	sst s2  }
0x8f: {  	_ = 	snop  }
0x90: {  	(tm) =	ssettm $0x1  }
0x91: {  	s17 =	sld [smem:$0x3FFB];
	_ =	sdelay $0x3  }
0x92: {  	_ =	strace s17  }
0x93: {  	s2 =	sld [smem:$0x3FFC];
	_ =	sdelay $0x3  }
0x94: {  	_ =	strace s2  }
0x95: {  	s2 =	sld [smem:$0x3FFD];
	_ =	sdelay $0x3  }
0x96: {  	_ =	strace s2  }
0x97: {  	_ =	strace $0x8FFFFFFF  }
0x98: {  	s18 =	sld [smem:$0x3FDB];
	_ =	sdelay $0x1  }
0x99: {  	s19 =	simm.s32 $_scs_section_size  }
0x9a: {  	s4 =	simm.s32 $_size__tile_overlayer_lowered;
	s5 =	simm.s32 $_tile_overlayer_lowered  }
0x9b: {  	s22 =	simm.s32 $0x1BFF;
	s21 =	sshll.u32 s5, $0x1;
	s2 =	sadd.s32 s19, s18  }
0x9c: {  	s6 =	simm.s32 $0x0;
	s20 =	sshll.u32 s4, $0x1;
	s4 =	sadd.s32 s21, s2  }
0x9d: {  	[timem:s6], [sflag:s22] =	dma.local [hbm:s4], s20  }
0x9e: {  	_ =	swait.ge [sflag:s22], s20  }
0x9f: {  	s3 =	ssub.s32 $0x0, s20;
	[sflag:s22] =	ssyncset.done $0x0  }
0xa0: {  	[sflag:s22] =	ssyncadd.s32 s3;
	_ =	sdelay $0x1  }
0xa1: {  	s23 =	simm.s32 $0x1B8B  }
0xa2: {  	_ =	swait.ge [sflag:s23], $0x1  }
0xa3: {  	[sflag:s23] =	ssyncset.done $0x0  }
0xa4: {  	s25 =	simm.s32 $0x1B8E;
	s24 =	sld [smem:$0x3FFE];
	[sflag:s23] =	ssyncadd.s32 $0xFFFFFFFF  }
0xa5: {  	s26 =	simm.s32 $execute0_lowered;
	[smem:$0x3FD2] =	sst s25  }
0xa6: {  	s4 =	sshll.u32 s26, $0x1;
	_ =	strace $0x80000049;
	[dreg:$0x1] =	wrdreg $0xFFFFFFFF  }
0xa7: {  	s28 =	simm.s32 $_size_execute0_lowered;
	s2 =	sadd.s32 s2, s4;
	[dreg:$0x0] =	wrdreg $0x0  }
0xa8: {  	s4 =	sshll.u32 s28, $0x1;
	[dreg:$0x2] =	wrdreg s2  }
0xa9: {  	[dreg:$0x3] =	wrdreg s4  }
0xaa: {  	[dreg:$0x4] =	wrdreg $0xC0  }
0xab: {  	_ =	task [dreg:s6], $0x5FFFF  }
0xac: {  	[dreg:$0x1] =	wrdreg $0xFFFFFFFF  }
0xad: {  	[dreg:$0x0] =	wrdreg $0x60  }
0xae: {  	[dreg:$0x2] =	wrdreg s24  }
0xaf: {  	[dreg:$0x3] =	wrdreg $0x84000  }
0xb0: {  	[dreg:$0x4] =	wrdreg $0x9  }
0xb1: {  	_ =	task.clear_ibuf [dreg:s6], $0x5FFFF;
	_ =	strace $0x90000049  }
0xb2: {  	s29 =	simm.s32 $0x9;
	_ =	strace $0x8000004B  }
0xb3: {  	_ =	swait.ge [sflag:s29], $0x1  }
0xb4: {  	[sflag:s29] =	ssyncadd.s32 $0xFFFFFFFF  }
0xb5: {  	_ =	strace $0x9000004B  }
0xb6: {  	_ =	sfence  }
0xb7: {  	s30 =	sld [smem:$0x0];
	_ =	sdelay $0x2  }
0xb8: {  	s31 =	sshll.u32 s1, $0xD;
	s1 =	sshrl.u32 s1, $0x2  }
0xb9: {  	s3 =	sand.u32 $0x4000, s31;
	s1 =	sadd.s32 s1, s30  }
0xba: {  	s0 =	sor.u32 s3, s0;
	s1 =	sshll.u32 s1, $0x11  }
0xbb: {  	s0 =	sor.u32 s1, s0  }
0xbc: {  	s0 =	sadd.s32 $0x8F2B, s0  }
0xbd: {  	[sflag:s0] =	ssyncadd.remote.s32 $0x1  }
0xbe: {  	_ =	sfence.sel $0xFFFF  }
0xbf: {  	[dreg:$0x0] =	wrdreg $0xFFFFFFFF;
	(pc) =	sbr.abs _section_cstart, $3  }
0xc0: {  	[dreg:$0x1] =	wrdreg $0xFFFFFFFF  }
0xc1: {  	_ =	task.clear_ibuf [dreg:s6], $0x2FFFF;
	_ =	strace $0x9FFFFFFF  }
0xc2: {  	(tm) =	ssettm $0x7FFFFFFF  }
0xc3: {  	_ =	shalt  }
tec
execute0_lowered:
.L_overlay_start_1:
0x0: {  	(tag) =	ssettag $0x1  }
0x1: {  	s0 =	rddreg [dreg:$0x0]  }
0x2: {  	s1 =	rddreg [dreg:$0x1];
	s3 =	simm.s32 $0x0  }
0x3: {  	s6 =	stileid.u32;
	s2 =	srdreg.scid;
	s29 =	simm.s32 $0x380  }
0x4: {  	s30 =	simm.s32 $0x6;
	[smem:$0x7FF] =	sst s3;
	s10 =	smul.u32 $0x2780, s6  }
0x5: {  	s2 =	sand.u32 $0x1, s2;
	s4 =	sshll.u32 s6, $0x1;
	s13 =	smul.u32 $0x4F000, s6  }
0x6: {  	s5 =	sadd.s32 $0x2A00, s0;
	s8 =	sadd.s32 $0x50E00, s0;
	s15 =	smul.u32 $0x5000, s6  }
0x7: {  	s16 =	sadd.s32 $0x5AE00, s0;
	p0 =	seq.s32 s6, $0xF;
	s7 =	smul.u32 $0x27100, s2  }
0x8: {  	s4 =	sor.u32 s2, s4;
	s9 =	ssub.s32 $0x2, s2;
	s2 =	smul.u32 $0x2800, s2  }
0x9: {  	_ =	strace $0x8000004A;
	s4 =	smul.u32 $0x2800, s4;
	[dreg:$0x3] =	wrdreg s10  }
0xa: {  	s10 =	sadd.s32 s10, s0;
	s11 =	sshrl.u32 s9, $0x1;
	s7 =	sadd.s32 s7, s0  }
0xb: {  	s11 =	ssub.s32 s9, s11;
	s2 =	sadd.s32 s2, s15;
	s0 =	sadd.s32 $0x89E80, s0  }
0xc: {  	s9 =	smov.u32 s16;
	s4 =	sshrl.u32 s4, $0x3;
	[dreg:$0xb] =	wrdreg s0  }
0xd: {  	s18 =	sadd.s32 $0x8C000, s7;
	s19 =	smax.u32 s11, $0x1;
	s20 =	sor.u32 $0x140, s2  }
0xe: {  	s21 =	sor.u32 $0x180, s2;
	s22 =	sor.u32 $0x100, s2;
	s7 =	simm.s32 $0x1  }
0xf: {  	s11 =	simm.s32 $0x4;
	s24 =	sadd.s32 s8, s4;
	s12 =	sor.u32 $0x8, s4  }
0x10: {  	s14 =	sor.u32 $0x18, s4;
	s26 =	sor.u32 $0x10, s4;
	[dreg:$0xd] =	wrdreg s18  }
0x11: {  	s4 =	sadd.s32 s16, s4;
	[dreg:$0xe] =	wrdreg s19;
	s23 =	sshrl.u32 s22, $0x3  }
0x12: {  	s18 =	simm.s32 $0x9;
	s22 =	simm.s32 $0x0;
	[dreg:$0x4] =	wrdreg s24  }
0x13: {  	s25 =	sadd.s32 s8, s12;
	s17 =	sadd.s32 s8, s14;
	[dreg:$0x7] =	wrdreg s4  }
0x14: {  	s31 =	sadd.s32 s16, s12;
	s12 =	sshrl.u32 s13, $0x2;
	[dreg:$0x5] =	wrdreg s25  }
0x15: {  	s13 =	sadd.s32 $0x64E00, s10;
	s15 =	sadd.s32 s16, s14;
	[dreg:$0x6] =	wrdreg s17  }
0x16: {  	s24 =	sor.u32 $0xC0, s2;
	s10 =	smov.u32 s26;
	[dreg:$0x8] =	wrdreg s31  }
0x17: {  	s26 =	sadd.s32 s8, s26;
	s14 =	simm.s32 $0x3;
	[dreg:$0xa] =	wrdreg s13  }
0x18: {  	s4 =	sadd.s32 s12, s1;
	[dreg:$0xc] =	wrdreg s15;
	s17 =	sor.u32 $0x1C0, s2  }
0x19: {  	s25 =	sshrl.u32 s24, $0x3;
	[dreg:$0x11] =	wrdreg s26;
	s24 =	sadd.s32 s23, s8  }
0x1a: {  	s2 =	sor.u32 $0x80, s2;
	s31 =	sadd.s32 $0x128400, s1;
	s13 =	simm.s32 $0x300  }
0x1b: {  	s15 =	simm.s32 $0x4400;
	s12 =	simm.s32 $0x7;
	s26 =	simm.s32 $0x8  }
0x1c: {  	[dreg:$0x9] =	wrdreg s4;
	s0 =	sshrl.u32 s17, $0x3;
	s4 =	sshrl.u32 s21, $0x3  }
0x1d: {  	s28 =	sshrl.u32 s2, $0x3;
	[dreg:$0x14] =	wrdreg s31;
	s17 =	simm.s32 $0x6400  }
0x1e: {  	s19 =	sadd.s32 s0, s8;
	s0 =	sshrl.u32 s20, $0x3;
	s4 =	sadd.s32 s4, s8  }
.Ltmp0:
0x1f: {  	s20 =	simm.s32 $0x10;
	[dreg:$0xf] =	wrdreg s4;
	(pc) =	sbr.rel .LBB2_1-.Ltmp0, $4  }
0x20: {  	s21 =	sadd.s32 s0, s16;
	s0 =	sadd.s32 s0, s8;
	s4 =	sadd.s32 s23, s16  }
0x21: {  	s8 =	simm.s32 $0x40;
	s23 =	simm.s32 $0x5;
	[dreg:$0x10] =	wrdreg s0  }
0x22: {  	[dreg:$0x12] =	wrdreg s4;
	s0 =	sadd.s32 s25, s16;
	s16 =	simm.s32 $0xA  }
0x23: {  	s4 =	simm.s32 $0xB;
	[dreg:$0x13] =	wrdreg s0;
	s0 =	simm.s32 $0xD  }
.LBB2_8:
0x24: {  	_ =	swait.ge [sflag:s0], $0x2000  }
0x25: {  	[sflag:s0] =	ssyncset.done $0x0  }
0x26: {  	s2 =	simm.s32 $0xE;
	[sflag:s0] =	ssyncadd.s32 $0xFFFFE000  }
0x27: {  	_ =	swait.ge [sflag:s2], $0x2000  }
0x28: {  	[sflag:s2] =	ssyncset.done $0x0  }
0x29: {  	s22 =	simm.s32 $0xF;
	[sflag:s2] =	ssyncadd.s32 $0xFFFFE000  }
0x2a: {  	_ =	swait.ge [sflag:s22], $0x2000  }
0x2b: {  	[sflag:s22] =	ssyncset.done $0x0  }
0x2c: {  	[sflag:s22] =	ssyncadd.s32 $0xFFFFE000  }
0x2d: {  	_ =	swait.ge [sflag:s20], $0x2000  }
0x2e: {  	[sflag:s20] =	ssyncset.done $0x0  }
0x2f: {  	[sflag:s20] =	ssyncadd.s32 $0xFFFFE000  }
0x30: {  	[bflag:$0x0] =	sbarrier.arrive $0xFFFF  }
0x31: {  	s22 =	rddreg [dreg:$0xd]  }
0x32: {  	s6 =	simm.s32 @p0 $0x1FD1;
	s25 =	rddreg [dreg:$0x16];
	s2 =	sadd.s32 @p0 $0x25080, s22  }
0x33: {  	[hbm:s2], [sflag:s6] =	dma.local @p0 [spmem:s25], $0x2080  }
0x34: {  	s2 =	simm.s32 @p0 $0x11  }
0x35: {  	_ =	swait.ge @p0 [sflag:s2], $0x2080  }
0x36: {  	[sflag:s2] =	ssyncset.done @p0 $0x0;
	s6 =	rddreg [dreg:$0x17]  }
0x37: {  	[sflag:s2] =	ssyncadd.s32 @p0 $0xFFFFDF80;
	s2 =	rddreg [dreg:$0x3]  }
0x38: {  	s2 =	sadd.s32 @!p0 s2, s22;
	s22 =	rddreg [dreg:$0x18]  }
0x39: {  	[hbm:s2], [sflag:s6] =	dma.local @!p0 [spmem:s22], $0x2780  }
0x3a: {  	s2 =	simm.s32 @!p0 $0x11  }
0x3b: {  	_ =	swait.ge @!p0 [sflag:s2], $0x2780  }
0x3c: {  	s25 =	rddreg [dreg:$0x15]  }
0x3d: {  	s31 =	rddreg [dreg:$0xe];
	s22 =	sadd.s32 $0x1, s25  }
0x3e: {  	p1 =	sne.s32 s22, s31  }
.Ltmp1:
0x3f: {  	_ = 	snop;
	(pc) =	sbr.rel @!p1 .LBB2_9-.Ltmp1, $3  }
0x40: {  	_ =	sdelay $0x1  }
0x41: {  	[sflag:s2] =	ssyncset.done @!p0 $0x0  }
0x42: {  	[sflag:s2] =	ssyncadd.s32 @!p0 $0xFFFFD880  }
.LBB2_1:
0x43: {  	[dreg:$0x15] =	wrdreg s22  }
0x44: {  	s2 =	rddreg [dreg:$0x4]  }
0x45: {  	[tilespmem:s3], [sflag:$0x1] =	stream.linear.gather [hbm4b:s2+s3], $0x40, $0x38;
	[tilespmem:$0x1BCC0] =	vst v63  }
0x46: {  	s22 =	rddreg [dreg:$0x5];
	s6 =	simm.s32 $0x80  }
0x47: {  	[tilespmem:s6], [sflag:$0x2] =	stream.linear.gather [hbm4b:s22+s3], $0x40, $0x38;
	[tilespmem:$0x1BCC0] =	vst v63  }
0x48: {  	s25 =	rddreg [dreg:$0x11];
	s31 =	simm.s32 $0x100  }
0x49: {  	[tilespmem:s31], [sflag:$0x3] =	stream.linear.gather [hbm4b:s25+s3], $0x40, $0x38;
	[tilespmem:$0x1BCC0] =	vst v63  }
0x4a: {  	s25 =	rddreg [dreg:$0x6];
	s31 =	simm.s32 $0x180  }
0x4b: {  	[tilespmem:s31], [sflag:$0x4] =	stream.linear.gather [hbm4b:s25+s3], $0x40, $0x38;
	[tilespmem:$0x1BCC0] =	vst v63  }
0x4c: {  	s25 =	rddreg [dreg:$0x7];
	s31 =	simm.s32 $0x200  }
0x4d: {  	[tilespmem:s31], [sflag:$0x5] =	stream.linear.gather [hbm4b:s25+s3], $0x40, $0x38;
	[tilespmem:$0x1BCC0] =	vst v63  }
0x4e: {  	s25 =	rddreg [dreg:$0x8];
	s31 =	simm.s32 $0x280  }
0x4f: {  	[tilespmem:s31], [sflag:$0x6] =	stream.linear.gather [hbm4b:s25+s3], $0x40, $0x38;
	[tilespmem:$0x1BCC0] =	vst v63  }
0x50: {  	_ =	swait.ge [sflag:s7], $0x40  }
0x51: {  	[sflag:s7] =	ssyncset.done $0x0  }
0x52: {  	s22 =	simm.s32 $0x400;
	s25 =	simm.s32 $0x2;
	[sflag:s7] =	ssyncadd.s32 $0xFFFFFFC0  }
0x53: {  	[tilespmem:s22], [sflag:$0x9] =	stream.indirect.gather [hbm4b:s5+s8], $0x80, s3, s8, $0xb8;
	[tilespmem:$0x1BCC0] =	vst v63  }
0x54: {  	_ =	swait.ge [sflag:s25], $0x40  }
0x55: {  	[sflag:s25] =	ssyncset.done $0x0  }
0x56: {  	s31 =	simm.s32 $0x2400;
	s2 =	rddreg [dreg:$0x14];
	[sflag:s25] =	ssyncadd.s32 $0xFFFFFFC0  }
0x57: {  	[tilespmem:s31], [sflag:$0xA] =	stream.indirect.gather [hbm4b:s5+s8], $0x80, s6, s8, $0xb8;
	[tilespmem:$0x1BCC0] =	vst v63  }
0x58: {  	s6 =	sshrl.u32 @p0 s2, $0x3;
	s2 =	rddreg [dreg:$0xb]  }
0x59: {  	s22 =	simm.s32 @p0 $0x1FD1;
	[dreg:$0x16] =	wrdreg s6  }
0x5a: {  	[spmem:s6], [sflag:s22] =	dma.local @p0 [hbm:s2], $0x2080  }
0x5b: {  	s6 =	simm.s32 @p0 $0x11  }
0x5c: {  	_ =	swait.ge @p0 [sflag:s6], $0x2080  }
0x5d: {  	s2 =	stileid.u32;
	[sflag:s6] =	ssyncset.done @p0 $0x0  }
0x5e: {  	s22 =	sshll.u32 @!p0 s2, $0x6;
	s2 =	rddreg [dreg:$0x9];
	[sflag:s6] =	ssyncadd.s32 @p0 $0xFFFFDF80  }
0x5f: {  	s6 =	sor.u32 @!p0 $0x1C11, s22;
	s22 =	sshrl.u32 @!p0 s2, $0x3;
	s2 =	rddreg [dreg:$0xa]  }
0x60: {  	[dreg:$0x17] =	wrdreg s6  }
0x61: {  	[dreg:$0x18] =	wrdreg s22  }
0x62: {  	[spmem:s22], [sflag:s6] =	dma.local @!p0 [hbm:s2], $0x2780  }
0x63: {  	s22 =	simm.s32 @!p0 $0x11  }
.Ltmp2:
0x64: {  	_ =	swait.ge @!p0 [sflag:s22], $0x2780;
	(pc) =	sbr.rel .LBB2_2-.Ltmp2, $4  }
0x65: {  	[sflag:s22] =	ssyncset.done @!p0 $0x0  }
0x66: {  	[sflag:s22] =	ssyncadd.s32 @!p0 $0xFFFFD880  }
0x67: {  	[bflag:$0x0] =	sbarrier.arrive $0xFFFF  }
0x68: {  	s22 =	simm.s32 $0x0  }
.LBB2_6:
0x69: {  	_ =	swait.ge [sflag:s30], $0x40  }
0x6a: {  	[sflag:s30] =	ssyncset.done $0x0  }
0x6b: {  	s2 =	simm.s32 $0x280;
	s6 =	simm.s32 $0x2400;
	[sflag:s30] =	ssyncadd.s32 $0xFFFFFFC0  }
0x6c: {  	[spmem:s1] =	stream.indirect.scatter.add.f32 [tilespmem:s6], [sflag:$0xE], $0x80, s2, s8, $0xb8;
	[tilespmem:$0x1BCC0] =	vst v63  }
0x6d: {  	_ =	swait.ge [sflag:s4], $0x2000  }
0x6e: {  	[sflag:s4] =	ssyncset.done $0x0  }
0x6f: {  	[sflag:s4] =	ssyncadd.s32 $0xFFFFE000  }
.LBB2_7:
0x70: {  	_ =	swait.ge [sflag:s12], $0x40  }
0x71: {  	[sflag:s12] =	ssyncset.done $0x0  }
0x72: {  	s6 =	simm.s32 @p1 $0xC;
	[sflag:s12] =	ssyncadd.s32 $0xFFFFFFC0  }
0x73: {  	[spmem:s1] =	stream.indirect.scatter.add.f32 [tilespmem:s15], [sflag:$0xF], $0x80, s13, s8, $0xb8;
	[tilespmem:$0x1BCC0] =	vst v63  }
0x74: {  	_ =	swait.ge @p1 [sflag:s6], $0x2000  }
0x75: {  	[sflag:s6] =	ssyncset.done @p1 $0x0  }
0x76: {  	[sflag:s6] =	ssyncadd.s32 @p1 $0xFFFFE000;
	s6 =	simm.s32 @!p1 $0xE  }
0x77: {  	_ =	swait.ge @!p1 [sflag:s6], $0x2000  }
0x78: {  	s25 =	simm.s32 @!p1 $0x0;
	[sflag:s6] =	ssyncset.done @!p1 $0x0  }
0x79: {  	s31 =	simm.s32 @!p1 $0x280;
	[sflag:s6] =	ssyncadd.s32 @!p1 $0xFFFFE000;
	s6 =	sadd.s32 @!p1 s22, s21  }
0x7a: {  	[tilespmem:s31], [sflag:$0x6] =	stream.linear.gather @!p1 [hbm4b:s6+s25], $0x40, $0x38;
	[tilespmem:$0x1BCC0] =	vst v63  }
0x7b: {  	s6 =	simm.s32 @!p1 $0x2  }
0x7c: {  	_ =	swait.ge @!p1 [sflag:s6], $0x40  }
0x7d: {  	s2 =	simm.s32 @!p1 $0x2400;
	[sflag:s6] =	ssyncset.done @!p1 $0x0  }
0x7e: {  	s31 =	simm.s32 @!p1 $0x80;
	[sflag:s6] =	ssyncadd.s32 @!p1 $0xFFFFFFC0;
	s6 =	simm.s32 @!p1 $0x40  }
0x7f: {  	[tilespmem:s2], [sflag:$0xA] =	stream.indirect.gather @!p1 [hbm4b:s5+s6], $0x80, s31, s6, $0xb8;
	[tilespmem:$0x1BCC0] =	vst v63  }
0x80: {  	s2 =	simm.s32 @!p1 $0xC  }
0x81: {  	_ =	swait.ge @!p1 [sflag:s2], $0x2000  }
0x82: {  	s6 =	simm.s32 @!p1 $0x180;
	[sflag:s2] =	ssyncset.done @!p1 $0x0  }
0x83: {  	[sflag:s2] =	ssyncadd.s32 @!p1 $0xFFFFE000;
	s2 =	sadd.s32 @!p1 s22, s19;
	s22 =	sadd.s32 $0x20, s22  }
0x84: {  	[tilespmem:s6], [sflag:$0x4] =	stream.linear.gather @!p1 [hbm4b:s2+s25], $0x40, $0x38;
	[tilespmem:$0x1BCC0] =	vst v63  }
0x85: {  	p1 =	sne.s32 s22, $0x500  }
.Ltmp3:
0x86: {  	_ = 	snop;
	(pc) =	sbr.rel @!p1 .LBB2_8-.Ltmp3, $4  }
0x87: {  	_ =	swait.ge [sflag:s26], $0x40  }
0x88: {  	[sflag:s26] =	ssyncset.done $0x0  }
0x89: {  	[sflag:s26] =	ssyncadd.s32 $0xFFFFFFC0  }
0x8a: {  	[spmem:s1] =	stream.indirect.scatter.add.f32 [tilespmem:s17], [sflag:$0x10], $0x80, s29, s8, $0xb8;
	[tilespmem:$0x1BCC0] =	vst v63  }
.LBB2_2:
0x8b: {  	p1 =	seq.s32 s22, $0x0  }
0x8c: {  	s25 =	simm.s32 @!p1 $0xF  }
0x8d: {  	s6 =	sadd.s32 @!p1 s22, s28;
	_ =	swait.ge @!p1 [sflag:s25], $0x2000  }
0x8e: {  	s6 =	smov.u32 @p1 s10;
	[sflag:s25] =	ssyncset.done @!p1 $0x0  }
0x8f: {  	s6 =	sadd.s32 s9, s6;
	[sflag:s25] =	ssyncadd.s32 @!p1 $0xFFFFE000  }
0x90: {  	[tilespmem:s13], [sflag:$0x7] =	stream.linear.gather [hbm4b:s6+s3], $0x40, $0x38;
	[tilespmem:$0x1BCC0] =	vst v63  }
0x91: {  	_ =	swait.ge [sflag:s14], $0x40  }
0x92: {  	[sflag:s14] =	ssyncset.done $0x0  }
0x93: {  	s2 =	simm.s32 $0x100;
	[sflag:s14] =	ssyncadd.s32 $0xFFFFFFC0  }
0x94: {  	[tilespmem:s15], [sflag:$0xB] =	stream.indirect.gather [hbm4b:s5+s8], $0x80, s2, s8, $0xb8;
	[tilespmem:$0x1BCC0] =	vst v63  }
0x95: {  	_ =	swait.ge [sflag:s18], $0x2000  }
0x96: {  	p2 =	sne.s32 s22, $0x0;
	p1 =	seq.s32 s22, $0x4E0;
	[sflag:s18] =	ssyncset.done $0x0  }
0x97: {  	s6 =	sadd.s32 @!p1 s22, s24;
	s25 =	simm.s32 @!p1 $0x0;
	[sflag:s18] =	ssyncadd.s32 $0xFFFFE000  }
0x98: {  	[tilespmem:s25], [sflag:$0x1] =	stream.linear.gather @!p1 [hbm4b:s6+s25], $0x40, $0x38;
	[tilespmem:$0x1BCC0] =	vst v63  }
.Ltmp4:
0x99: {  	_ = 	snop;
	(pc) =	sbr.rel @!p2 .LBB2_3-.Ltmp4, $4  }
0x9a: {  	_ =	swait.ge [sflag:s23], $0x40  }
0x9b: {  	[sflag:s23] =	ssyncset.done $0x0  }
0x9c: {  	s31 =	simm.s32 $0x400;
	s25 =	simm.s32 $0x200;
	[sflag:s23] =	ssyncadd.s32 $0xFFFFFFC0  }
0x9d: {  	[spmem:s1] =	stream.indirect.scatter.add.f32 [tilespmem:s31], [sflag:$0xD], $0x80, s25, s8, $0xb8;
	[tilespmem:$0x1BCC0] =	vst v63  }
0x9e: {  	_ =	swait.ge [sflag:s20], $0x2000  }
0x9f: {  	[sflag:s20] =	ssyncset.done $0x0;
	s2 =	rddreg [dreg:$0x13]  }
0xa0: {  	[sflag:s20] =	ssyncadd.s32 $0xFFFFE000;
	s6 =	sadd.s32 s22, s2  }
0xa1: {  	[tilespmem:s29], [sflag:$0x8] =	stream.linear.gather [hbm4b:s6+s3], $0x40, $0x38;
	[tilespmem:$0x1BCC0] =	vst v63  }
0xa2: {  	_ =	swait.ge [sflag:s11], $0x40  }
0xa3: {  	[sflag:s11] =	ssyncset.done $0x0  }
0xa4: {  	s31 =	simm.s32 $0x180;
	[sflag:s11] =	ssyncadd.s32 $0xFFFFFFC0  }
0xa5: {  	[tilespmem:s17], [sflag:$0xC] =	stream.indirect.gather [hbm4b:s5+s8], $0x80, s31, s8, $0xb8;
	[tilespmem:$0x1BCC0] =	vst v63  }
.Ltmp5:
0xa6: {  	_ = 	snop;
	(pc) =	sbr.rel @p1 .LBB2_6-.Ltmp5, $4  }
.Ltmp6:
0xa7: {  	_ = 	snop;
	(pc) =	sbr.rel @!p1 .LBB2_5-.Ltmp6, $4  }
0xa8: {  	_ =	swait.ge [sflag:s16], $0x2000  }
0xa9: {  	[sflag:s16] =	ssyncset.done $0x0  }
0xaa: {  	[sflag:s16] =	ssyncadd.s32 $0xFFFFE000  }
0xab: {  	_ = 	snop  }
.LBB2_3:
0xac: {  	s2 =	rddreg [dreg:$0xc]  }
0xad: {  	[tilespmem:s29], [sflag:$0x8] =	stream.linear.gather [hbm4b:s2+s3], $0x40, $0x38;
	[tilespmem:$0x1BCC0] =	vst v63  }
0xae: {  	_ =	swait.ge [sflag:s11], $0x40  }
0xaf: {  	[sflag:s11] =	ssyncset.done $0x0  }
0xb0: {  	s31 =	simm.s32 $0x180;
	[sflag:s11] =	ssyncadd.s32 $0xFFFFFFC0  }
0xb1: {  	[tilespmem:s17], [sflag:$0xC] =	stream.indirect.gather [hbm4b:s5+s8], $0x80, s31, s8, $0xb8;
	[tilespmem:$0x1BCC0] =	vst v63  }
0xb2: {  	_ =	swait.ge [sflag:s16], $0x2000  }
0xb3: {  	[sflag:s16] =	ssyncset.done $0x0  }
0xb4: {  	[sflag:s16] =	ssyncadd.s32 $0xFFFFE000  }
.LBB2_5:
0xb5: {  	s2 =	rddreg [dreg:$0x10]  }
0xb6: {  	s31 =	simm.s32 $0x80;
	s6 =	sadd.s32 s22, s2  }
0xb7: {  	[tilespmem:s31], [sflag:$0x2] =	stream.linear.gather [hbm4b:s6+s3], $0x40, $0x38;
	[tilespmem:$0x1BCC0] =	vst v63  }
0xb8: {  	_ =	swait.ge [sflag:s30], $0x40  }
0xb9: {  	[sflag:s30] =	ssyncset.done $0x0  }
0xba: {  	s25 =	simm.s32 $0x2400;
	s6 =	simm.s32 $0x280;
	[sflag:s30] =	ssyncadd.s32 $0xFFFFFFC0  }
0xbb: {  	[spmem:s1] =	stream.indirect.scatter.add.f32 [tilespmem:s25], [sflag:$0xE], $0x80, s6, s8, $0xb8;
	[tilespmem:$0x1BCC0] =	vst v63  }
0xbc: {  	_ =	swait.ge [sflag:s0], $0x2000  }
0xbd: {  	[sflag:s0] =	ssyncset.done $0x0;
	s31 =	rddreg [dreg:$0x12]  }
0xbe: {  	s25 =	simm.s32 $0x200;
	[sflag:s0] =	ssyncadd.s32 $0xFFFFE000;
	s2 =	sadd.s32 s22, s31  }
0xbf: {  	[tilespmem:s25], [sflag:$0x5] =	stream.linear.gather [hbm4b:s2+s3], $0x40, $0x38;
	[tilespmem:$0x1BCC0] =	vst v63  }
0xc0: {  	_ =	swait.ge [sflag:s7], $0x40  }
0xc1: {  	[sflag:s7] =	ssyncset.done $0x0  }
0xc2: {  	s31 =	simm.s32 $0x400;
	[sflag:s7] =	ssyncadd.s32 $0xFFFFFFC0  }
0xc3: {  	[tilespmem:s31], [sflag:$0x9] =	stream.indirect.gather [hbm4b:s5+s8], $0x80, s3, s8, $0xb8;
	[tilespmem:$0x1BCC0] =	vst v63  }
.Ltmp7:
0xc4: {  	_ = 	snop;
	(pc) =	sbr.rel .LBB2_7-.Ltmp7, $4  }
0xc5: {  	_ =	swait.ge [sflag:s4], $0x2000  }
0xc6: {  	[sflag:s4] =	ssyncset.done $0x0;
	s6 =	rddreg [dreg:$0xf]  }
0xc7: {  	s31 =	simm.s32 $0x100;
	[sflag:s4] =	ssyncadd.s32 $0xFFFFE000;
	s25 =	sadd.s32 s22, s6  }
0xc8: {  	[tilespmem:s31], [sflag:$0x3] =	stream.linear.gather [hbm4b:s25+s3], $0x40, $0x38;
	[tilespmem:$0x1BCC0] =	vst v63  }
.LBB2_9:
0xc9: {  	_ =	sfence.sel $0x180000  }
0xca: {  	[bflag:$0x0] =	sbarrier.arrive $0xFFFF  }
0xcb: {  	_ =	strace $0x9000004A  }
0xcc: {  	s0 =	stileid.u32;
	[bflag:$0x2] =	sbarrier.arrive $0xFFFF  }
0xcd: {  	p0 =	sne.s32 s0, $0x0;
	s0 =	rddreg [dreg:$0x2]  }
0xce: {  	s0 =	sadd.s32 @!p0 $0x100000, s0  }
0xcf: {  	[sflag:s0] =	ssyncadd.tile.s32 @!p0 $0x1;
	_ =	shalt  }
.Lfunc_end2:
_tile_overlayer_lowered:
.L_overlay_start_2:
0xd0: {  	(tag) =	ssettag $0x2  }
0xd1: {  	s0 =	rddreg [dreg:$0x0];
	s2 =	stileid.u32  }
0xd2: {  	s1 =	rddreg [dreg:$0x1];
	p0 =	sne.s32 s2, $0x0  }
0xd3: {  	s3 =	rddreg [dreg:$0x2];
	[bflag:$0x3] =	sbarrier.arrive $0xFFFF;
	s2 =	simm.s32 @!p0 $0x1C11  }
0xd4: {  	[timem:s3], [sflag:s2] =	dma.local @!p0 [hbm:s0], s1  }
0xd5: {  	s0 =	simm.s32 @!p0 $0x11  }
0xd6: {  	_ =	swait.ge @!p0 [sflag:s0], s1  }
0xd7: {  	s1 =	ssub.s32 @!p0 $0x0, s1;
	[sflag:s0] =	ssyncset.done @!p0 $0x0  }
0xd8: {  	[sflag:s0] =	ssyncadd.s32 @!p0 s1  }
0xd9: {  	[bflag:$0x3] =	sbarrier.arrive $0xFFFF  }
0xda: {  	_ =	shalt  }

// kernel: kernel.15.cloned.1.call-start
scs
__scs_entry_jumppad:
0x0: {  	(pc) =	sbr.rel $0x88, $3  }
0x1: {  	(tag) =	ssettag $0x0;
	lr =	simm.s32 $0x1  }
0x2: {  	[smem:$0x3F95] =	sst lr;
	_ =	strace $0xD0000000  }
0x3: {  	_ = 	snop  }
0x4: {  	_ = 	snop  }
0x5: {  	_ = 	snop  }
0x6: {  	_ = 	snop  }
0x7: {  	_ = 	snop  }
__scs_overlays_trampoline_lowered:
0x8: {  	[smem:$0x3FA4] =	sst s0  }
0x9: {  	[smem:$0x3FA5] =	sst s1  }
0xa: {  	[smem:$0x3FA6] =	sst s2  }
0xb: {  	[smem:$0x3FA7] =	sst s3  }
0xc: {  	[smem:$0x3FA8] =	sst s4  }
0xd: {  	[smem:$0x3FA9] =	sst s5  }
0xe: {  	[smem:$0x3FAA] =	sst s6  }
0xf: {  	[smem:$0x3FAB] =	sst s7  }
0x10: {  	[smem:$0x3FAC] =	sst s8  }
0x11: {  	[smem:$0x3FAD] =	sst s9;
	s0 =	simm.s32 @!p0 $0x0  }
0x12: {  	s1 =	sld [smem:$0x3F93];
	s0 =	simm.s32 @p0 $0x1  }
0x13: {  	[smem:$0x3FAE] =	sst s0;
	s0 =	simm.s32 @!p1 $0x0  }
0x14: {  	s2 =	sld [smem:$0x3F92];
	s0 =	simm.s32 @p1 $0x1  }
0x15: {  	[smem:$0x3FAF] =	sst s0;
	s0 =	simm.s32 @!p2 $0x0  }
0x16: {  	s3 =	sld [smem:$0x3FDB];
	s0 =	simm.s32 @p2 $0x1  }
0x17: {  	s4 =	simm.s32 $0x1BF5;
	[smem:$0x3FB1] =	sst s0  }
0x18: {  	s0 =	sld [smem:$0x3F94];
	_ =	swait.ge [sflag:s4], $0x0  }
0x19: {  	s7 =	sld [smem:$0x3F95]  }
0x1a: {  	s8 =	sadd.s32 $0xFFFFE003, lr  }
0x1b: {  	s9 =	sadd.s32 $0xFFFFFEF7, lr;
	s5 =	simm.s32 $0xFFFFFFFF;
	p2 =	slt.u32 s8, $0xFFFFF086  }
0x1c: {  	p1 =	slt.u32 s9, $0xF7A;
	s5 =	simm.s32 @!p2 $0x0  }
0x1d: {  	s5 =	simm.s32 @p1 $0x1;
	p0 =	seq.s32 s7, s2  }
0x1e: {  	s7 =	smul.u32 @!p0 $0xF7A, s2;
	p2 =	seq.s32 @!p0 s5, $0x0  }
0x1f: {  	s9 =	smul.u32 $0xF7A, s1;
	s8 =	simm.s32 @!p0 $0x1BF5;
	p2 =	por !p2, p0  }
0x20: {  	[sflag:s8] =	ssyncset.s32 @!p0 $0xFFFFF086;
	s6 =	sadd.s32 @!p0 s3, s7;
	s7 =	simm.s32 @!p0 $0x108  }
0x21: {  	s3 =	sadd.s32 s3, s9;
	s6 =	sadd.s32 @!p0 $0x88, s6;
	s7 =	simm.s32 @p2 $0x1082  }
0x22: {  	[simem:s7], [sflag:s8] =	dma.local @!p0 [hbm:s6], $0xF7A  }
0x23: {  	s9 =	sor.u32 $0xD0000000, s2;
	s6 =	simm.s32 $0x108;
	_ =	swait.ge @!p0 [sflag:s8], $0x0  }
0x24: {  	s3 =	sadd.s32 $0x88, s3;
	s6 =	simm.s32 @!p1 $0x1082;
	[sflag:s4] =	ssyncset.s32 $0xFFFFF086  }
0x25: {  	[simem:s6], [sflag:s4] =	dma.local [hbm:s3], $0xF7A  }
0x26: {  	[smem:$0x3F95] =	sst s1;
	(tag) =	ssettag s2;
	_ =	strace s9  }
0x27: {  	s1 =	sld [smem:$0x3FA5]  }
0x28: {  	s2 =	sld [smem:$0x3FA6]  }
0x29: {  	s4 =	sld [smem:$0x3FA8]  }
0x2a: {  	p0 =	seq.s32 s5, $0x0;
	s5 =	sld [smem:$0x3FA9]  }
0x2b: {  	s6 =	sld [smem:$0x3FAA]  }
0x2c: {  	s7 =	sld [smem:$0x3FAB]  }
0x2d: {  	s3 =	simm.s32 $0x108;
	s8 =	sld [smem:$0x3FAC]  }
0x2e: {  	s3 =	simm.s32 @!p0 $0x1082;
	s9 =	sld [smem:$0x3FAD]  }
0x2f: {  	lr =	sadd.s32 s0, s3;
	s0 =	sld [smem:$0x3FA4]  }
0x30: {  	s3 =	sld [smem:$0x3FA7]  }
0x31: {  	[smem:$0x3FB0] =	sst s10  }
0x32: {  	s10 =	sld [smem:$0x3FAE];
	_ =	sdelay $0x3  }
0x33: {  	p0 =	seq.s32 s10, $0x1;
	s10 =	sld [smem:$0x3FB0];
	_ =	sdelay $0x3  }
0x34: {  	[smem:$0x3FB0] =	sst s10  }
0x35: {  	s10 =	sld [smem:$0x3FAF];
	_ =	sdelay $0x3  }
0x36: {  	p1 =	seq.s32 s10, $0x1;
	s10 =	sld [smem:$0x3FB0];
	_ =	sdelay $0x3  }
0x37: {  	[smem:$0x3FB0] =	sst s10  }
0x38: {  	s10 =	sld [smem:$0x3FB1]  }
0x39: {  	_ = 	snop;
	(pc) =	sbr.ind lr, $3  }
0x3a: {  	_ = 	snop  }
0x3b: {  	_ = 	snop  }
0x3c: {  	p2 =	seq.s32 s10, $0x1;
	s10 =	sld [smem:$0x3FB0]  }
0x3d: {  	_ =	shalt  }
0x3e: {  	_ =	shalt  }
0x3f: {  	_ =	shalt  }
0x40: {  	_ =	shalt  }
0x41: {  	_ =	shalt  }
0x42: {  	_ =	shalt  }
0x43: {  	_ =	shalt  }
0x44: {  	_ =	shalt  }
0x45: {  	_ =	shalt  }
0x46: {  	_ =	shalt  }
0x47: {  	_ =	shalt  }
0x48: {  	_ =	shalt  }
0x49: {  	_ =	shalt  }
0x4a: {  	_ =	shalt  }
0x4b: {  	_ =	shalt  }
0x4c: {  	_ =	shalt  }
0x4d: {  	_ =	shalt  }
0x4e: {  	_ =	shalt  }
0x4f: {  	_ =	shalt  }
0x50: {  	_ =	shalt  }
0x51: {  	_ =	shalt  }
0x52: {  	_ =	shalt  }
0x53: {  	_ =	shalt  }
0x54: {  	_ =	shalt  }
0x55: {  	_ =	shalt  }
0x56: {  	_ =	shalt  }
0x57: {  	_ =	shalt  }
0x58: {  	_ =	shalt  }
0x59: {  	_ =	shalt  }
0x5a: {  	_ =	shalt  }
0x5b: {  	_ =	shalt  }
0x5c: {  	_ =	shalt  }
0x5d: {  	_ =	shalt  }
0x5e: {  	_ =	shalt  }
0x5f: {  	_ =	shalt  }
0x60: {  	_ =	shalt  }
0x61: {  	_ =	shalt  }
0x62: {  	_ =	shalt  }
0x63: {  	_ =	shalt  }
0x64: {  	_ =	shalt  }
0x65: {  	_ =	shalt  }
0x66: {  	_ =	shalt  }
0x67: {  	_ =	shalt  }
0x68: {  	_ =	shalt  }
0x69: {  	_ =	shalt  }
0x6a: {  	_ =	shalt  }
0x6b: {  	_ =	shalt  }
0x6c: {  	_ =	shalt  }
0x6d: {  	_ =	shalt  }
0x6e: {  	_ =	shalt  }
0x6f: {  	_ =	shalt  }
0x70: {  	_ =	shalt  }
0x71: {  	_ =	shalt  }
0x72: {  	_ =	shalt  }
0x73: {  	_ =	shalt  }
0x74: {  	_ =	shalt  }
0x75: {  	_ =	shalt  }
0x76: {  	_ =	shalt  }
0x77: {  	_ =	shalt  }
0x78: {  	_ =	shalt  }
0x79: {  	_ =	shalt  }
0x7a: {  	_ =	shalt  }
0x7b: {  	_ =	shalt  }
0x7c: {  	_ =	shalt  }
0x7d: {  	_ =	shalt  }
0x7e: {  	_ =	shalt  }
0x7f: {  	_ =	shalt  }
0x80: {  	_ =	shalt  }
0x81: {  	_ =	shalt  }
0x82: {  	_ =	shalt  }
0x83: {  	_ =	shalt  }
0x84: {  	_ =	shalt  }
0x85: {  	_ =	shalt  }
0x86: {  	_ =	shalt  }
0x87: {  	_ =	shalt  }
.Lfunc_end0:
.L_simem_size_0:
called_computation.2_lowered:
.L_overlay_start_0:
0x88: {  	s2 =	sld [smem:$0x3FD9]  }
0x89: {  	s3 =	sld [smem:$0x3FFE];
	_ =	sdelay $0x1  }
0x8a: {  	s1 =	srdreg.scid  }
0x8b: {  	s0 =	sand.u32 $0x1, s1  }
0x8c: {  	s17 =	sshll.u32 s0, $0xA;
	s2 =	sadd.s32 s3, s2  }
0x8d: {  	s2 =	sadd.s32 s2, s17  }
0x8e: {  	[smem:$0x3FBC] =	sst s2  }
0x8f: {  	_ = 	snop  }
0x90: {  	s2 =	sld [smem:$0x3FD0];
	(tm) =	ssettm $0x1  }
0x91: {  	s18 =	sld [smem:$0x3FFB];
	_ =	sdelay $0x3  }
0x92: {  	_ =	strace s18  }
0x93: {  	s3 =	sld [smem:$0x3FFC];
	_ =	sdelay $0x3  }
0x94: {  	_ =	strace s3  }
0x95: {  	s3 =	sld [smem:$0x3FFD];
	_ =	sdelay $0x3  }
0x96: {  	_ =	strace s3  }
0x97: {  	_ =	strace $0x8FFFFFFF  }
0x98: {  	s19 =	sld [smem:$0x3FDB];
	_ =	sdelay $0x1  }
0x99: {  	s4 =	simm.s32 $_scs_section_size  }
0x9a: {  	s5 =	simm.s32 $_size__tile_overlayer_lowered;
	s6 =	simm.s32 $_tile_overlayer_lowered  }
0x9b: {  	s22 =	simm.s32 $0x1BFF;
	s21 =	sshll.u32 s6, $0x1;
	s3 =	sadd.s32 s4, s19  }
0x9c: {  	s7 =	simm.s32 $0x0;
	s20 =	sshll.u32 s5, $0x1;
	s5 =	sadd.s32 s21, s3  }
0x9d: {  	[timem:s7], [sflag:s22] =	dma.local [hbm:s5], s20  }
0x9e: {  	_ =	swait.ge [sflag:s22], s20  }
0x9f: {  	s4 =	ssub.s32 $0x0, s20;
	[sflag:s22] =	ssyncset.done $0x0  }
0xa0: {  	[sflag:s22] =	ssyncadd.s32 s4;
	_ =	sdelay $0x1  }
0xa1: {  	s23 =	simm.s32 $0x1B8B  }
0xa2: {  	_ =	swait.ge [sflag:s23], $0x1  }
0xa3: {  	[sflag:s23] =	ssyncset.done $0x0  }
0xa4: {  	s25 =	simm.s32 $0x1B8E;
	s24 =	sld [smem:$0x3FFE];
	[sflag:s23] =	ssyncadd.s32 $0xFFFFFFFF  }
0xa5: {  	s26 =	simm.s32 $execute0_lowered;
	[smem:$0x3FD2] =	sst s25  }
0xa6: {  	s5 =	sshll.u32 s26, $0x1;
	_ =	strace $0x8000004C;
	[dreg:$0x1] =	wrdreg $0xFFFFFFFF  }
0xa7: {  	s28 =	simm.s32 $_size_execute0_lowered;
	s3 =	sadd.s32 s3, s5;
	[dreg:$0x0] =	wrdreg $0x0  }
0xa8: {  	s5 =	sshll.u32 s28, $0x1;
	[dreg:$0x2] =	wrdreg s3  }
0xa9: {  	[dreg:$0x3] =	wrdreg s5  }
0xaa: {  	[dreg:$0x4] =	wrdreg $0xC0  }
0xab: {  	_ =	task [dreg:s7], $0x5FFFF  }
0xac: {  	[dreg:$0x1] =	wrdreg $0xFFFFFFFF  }
0xad: {  	[dreg:$0x0] =	wrdreg $0x60  }
0xae: {  	[dreg:$0x2] =	wrdreg s2  }
0xaf: {  	[dreg:$0x3] =	wrdreg s24  }
0xb0: {  	[dreg:$0x4] =	wrdreg $0x24000  }
0xb1: {  	[dreg:$0x5] =	wrdreg $0x9  }
0xb2: {  	_ =	task.clear_ibuf [dreg:s7], $0x6FFFF;
	_ =	strace $0x9000004C  }
0xb3: {  	s29 =	simm.s32 $0x9;
	_ =	strace $0x8000004E  }
0xb4: {  	_ =	swait.ge [sflag:s29], $0x1  }
0xb5: {  	[sflag:s29] =	ssyncadd.s32 $0xFFFFFFFF  }
0xb6: {  	_ =	strace $0x9000004E  }
0xb7: {  	_ =	sfence  }
0xb8: {  	s30 =	sld [smem:$0x0];
	_ =	sdelay $0x2  }
0xb9: {  	s31 =	sshll.u32 s1, $0xD;
	s1 =	sshrl.u32 s1, $0x2  }
0xba: {  	s3 =	sand.u32 $0x4000, s31;
	s1 =	sadd.s32 s1, s30  }
0xbb: {  	s0 =	sor.u32 s3, s0;
	s1 =	sshll.u32 s1, $0x11  }
0xbc: {  	s0 =	sor.u32 s1, s0  }
0xbd: {  	s0 =	sadd.s32 $0x8F2B, s0  }
0xbe: {  	[sflag:s0] =	ssyncadd.remote.s32 $0x1  }
0xbf: {  	_ =	sfence.sel $0xFFFF  }
0xc0: {  	[dreg:$0x0] =	wrdreg $0xFFFFFFFF;
	(pc) =	sbr.abs _section_cstart, $3  }
0xc1: {  	[dreg:$0x1] =	wrdreg $0xFFFFFFFF  }
0xc2: {  	_ =	task.clear_ibuf [dreg:s7], $0x2FFFF;
	_ =	strace $0x9FFFFFFF  }
0xc3: {  	(tm) =	ssettm $0x7FFFFFFF  }
tec
execute0_lowered:
.L_overlay_start_1:
0x0: {  	(tag) =	ssettag $0x1  }
0x1: {  	s2 =	rddreg [dreg:$0x0]  }
0x2: {  	s0 =	rddreg [dreg:$0x1]  }
0x3: {  	s3 =	rddreg [dreg:$0x2]  }
0x4: {  	s16 =	stileid.u32;
	s1 =	srdreg.scid;
	s4 =	simm.s32 $0x0  }
0x5: {  	s30 =	simm.s32 $0x80;
	s29 =	simm.s32 $0x4;
	s1 =	sand.u32 $0x1, s1  }
0x6: {  	s5 =	sshll.u32 s16, $0x1;
	[smem:$0x7FF] =	sst s4;
	s6 =	smul.u32 $0x2780, s16  }
0x7: {  	s7 =	sadd.s32 $0x50E00, s0;
	s15 =	smul.u32 $0x5000, s16;
	p0 =	seq.s32 s16, $0xF  }
0x8: {  	s16 =	simm.s32 $0x6;
	s5 =	sor.u32 s1, s5;
	s9 =	smul.u32 $0x4E20, s1  }
0x9: {  	_ =	strace $0x8000004D;
	s11 =	ssub.s32 $0x2, s1;
	s1 =	smul.u32 $0x2800, s1  }
0xa: {  	s8 =	smul.u32 $0x2800, s5;
	s5 =	sadd.s32 $0x5AE00, s0;
	s10 =	sshrl.u32 s6, $0x3  }
0xb: {  	s24 =	sshrl.u32 s11, $0x1;
	s6 =	sadd.s32 s6, s3;
	[dreg:$0x4] =	wrdreg s10  }
0xc: {  	s10 =	sadd.s32 s10, s0;
	s12 =	sadd.s32 s9, s0;
	s11 =	ssub.s32 s11, s24  }
0xd: {  	[dreg:$0xa] =	wrdreg s6;
	s0 =	sadd.s32 $0x7410, s0;
	s15 =	sadd.s32 s1, s15  }
0xe: {  	s8 =	sshrl.u32 s8, $0x3;
	[dreg:$0xc] =	wrdreg s0;
	s18 =	smax.u32 s11, $0x1  }
0xf: {  	s19 =	sor.u32 $0x380, s15;
	s20 =	sor.u32 $0x280, s15;
	s21 =	sor.u32 $0x300, s15  }
0x10: {  	s24 =	sor.u32 $0x200, s15;
	s0 =	sor.u32 $0x100, s15;
	s11 =	simm.s32 $0x7  }
0x11: {  	s13 =	sor.u32 $0x10, s8;
	s25 =	sadd.s32 s7, s8;
	s9 =	sor.u32 $0x20, s8  }
0x12: {  	s14 =	sor.u32 $0x30, s8;
	s8 =	sadd.s32 s5, s8;
	[dreg:$0xf] =	wrdreg s18  }
0x13: {  	s1 =	sshrl.u32 s19, $0x3;
	s22 =	sshrl.u32 s20, $0x3;
	s23 =	sshrl.u32 s21, $0x3  }
0x14: {  	s28 =	sshrl.u32 s0, $0x3;
	s18 =	simm.s32 $0x5;
	s0 =	simm.s32 $0xD  }
0x15: {  	s21 =	simm.s32 $0x10;
	[dreg:$0x5] =	wrdreg s25;
	s26 =	sadd.s32 s7, s13  }
0x16: {  	s17 =	sadd.s32 s7, s14;
	[dreg:$0x8] =	wrdreg s8;
	s31 =	sadd.s32 s5, s13  }
0x17: {  	s13 =	sadd.s32 $0x2A00, s10;
	s14 =	sadd.s32 s5, s14;
	[dreg:$0x6] =	wrdreg s26  }
0x18: {  	s19 =	sadd.s32 s1, s7;
	s20 =	sadd.s32 s22, s5;
	[dreg:$0x7] =	wrdreg s17  }
0x19: {  	s6 =	sadd.s32 s23, s7;
	s1 =	sadd.s32 s22, s7;
	[dreg:$0x9] =	wrdreg s31  }
0x1a: {  	s25 =	sor.u32 $0x180, s15;
	s8 =	simm.s32 $0x400;
	[dreg:$0xb] =	wrdreg s13  }
0x1b: {  	s15 =	simm.s32 $0x9;
	s23 =	simm.s32 $0x380;
	[dreg:$0xd] =	wrdreg s14  }
0x1c: {  	s10 =	simm.s32 $0x1C00;
	s17 =	sadd.s32 $0x7A00, s12;
	[dreg:$0x10] =	wrdreg s6  }
0x1d: {  	s6 =	sshrl.u32 s24, $0x3;
	[dreg:$0x11] =	wrdreg s1;
	s26 =	sshrl.u32 s25, $0x3  }
0x1e: {  	s1 =	smov.u32 s9;
	s9 =	sadd.s32 s7, s9;
	s31 =	sadd.s32 $0x25080, s3  }
0x1f: {  	s12 =	simm.s32 $0x300;
	s13 =	simm.s32 $0x3;
	s14 =	simm.s32 $0x1400  }
.Ltmp0:
0x20: {  	s25 =	simm.s32 $0x0;
	[dreg:$0xe] =	wrdreg s17;
	(pc) =	sbr.rel .LBB2_1-.Ltmp0, $4  }
0x21: {  	[dreg:$0x12] =	wrdreg s9;
	s24 =	sadd.s32 s6, s7;
	s6 =	sadd.s32 s6, s5  }
0x22: {  	s9 =	smov.u32 s5;
	s5 =	sadd.s32 s26, s5;
	[dreg:$0x15] =	wrdreg s31  }
0x23: {  	s7 =	simm.s32 $0x1;
	s17 =	simm.s32 $0xA;
	[dreg:$0x13] =	wrdreg s6  }
0x24: {  	s26 =	simm.s32 $0x8;
	[dreg:$0x14] =	wrdreg s5;
	s6 =	simm.s32 $0xB  }
.LBB2_8:
0x25: {  	_ =	swait.ge [sflag:s0], $0x800  }
0x26: {  	[sflag:s0] =	ssyncset.done $0x0  }
0x27: {  	s5 =	simm.s32 $0xE;
	[sflag:s0] =	ssyncadd.s32 $0xFFFFF800  }
0x28: {  	_ =	swait.ge [sflag:s5], $0x800  }
0x29: {  	[sflag:s5] =	ssyncset.done $0x0  }
0x2a: {  	s31 =	simm.s32 $0xF;
	[sflag:s5] =	ssyncadd.s32 $0xFFFFF800  }
0x2b: {  	_ =	swait.ge [sflag:s31], $0x800  }
0x2c: {  	[sflag:s31] =	ssyncset.done $0x0  }
0x2d: {  	[sflag:s31] =	ssyncadd.s32 $0xFFFFF800  }
0x2e: {  	_ =	swait.ge [sflag:s21], $0x800  }
0x2f: {  	[sflag:s21] =	ssyncset.done $0x0  }
0x30: {  	[sflag:s21] =	ssyncadd.s32 $0xFFFFF800  }
0x31: {  	[bflag:$0x0] =	sbarrier.arrive $0xFFFF  }
0x32: {  	s25 =	rddreg [dreg:$0xe]  }
0x33: {  	s22 =	simm.s32 @p0 $0x1FD1;
	s31 =	rddreg [dreg:$0x17];
	s5 =	sadd.s32 @p0 $0x4A10, s25  }
0x34: {  	[hbm:s5], [sflag:s22] =	dma.local @p0 [spmem:s31], $0x410  }
0x35: {  	s5 =	simm.s32 @p0 $0x11  }
0x36: {  	_ =	swait.ge @p0 [sflag:s5], $0x410  }
0x37: {  	[sflag:s5] =	ssyncset.done @p0 $0x0;
	s22 =	rddreg [dreg:$0x18]  }
0x38: {  	[sflag:s5] =	ssyncadd.s32 @p0 $0xFFFFFBF0;
	s5 =	rddreg [dreg:$0x4]  }
0x39: {  	s5 =	sadd.s32 @!p0 s5, s25;
	s25 =	rddreg [dreg:$0x19]  }
0x3a: {  	[hbm:s5], [sflag:s22] =	dma.local @!p0 [spmem:s25], $0x4F0  }
0x3b: {  	s5 =	simm.s32 @!p0 $0x11  }
0x3c: {  	_ =	swait.ge @!p0 [sflag:s5], $0x4F0  }
0x3d: {  	s22 =	rddreg [dreg:$0x16]  }
0x3e: {  	s31 =	rddreg [dreg:$0xf];
	s25 =	sadd.s32 $0x1, s22  }
0x3f: {  	p1 =	sne.s32 s25, s31  }
.Ltmp1:
0x40: {  	_ = 	snop;
	(pc) =	sbr.rel @!p1 .LBB2_9-.Ltmp1, $3  }
0x41: {  	_ =	sdelay $0x1  }
0x42: {  	[sflag:s5] =	ssyncset.done @!p0 $0x0  }
0x43: {  	[sflag:s5] =	ssyncadd.s32 @!p0 $0xFFFFFB10  }
.LBB2_1:
0x44: {  	[dreg:$0x16] =	wrdreg s25  }
0x45: {  	s5 =	rddreg [dreg:$0x5]  }
0x46: {  	[tilespmem:s4], [sflag:$0x1] =	stream.linear.gather [hbm4b:s5+s4], $0x80, $0x38;
	[tilespmem:$0x4B18] =	vst v63  }
0x47: {  	s25 =	rddreg [dreg:$0x6]  }
0x48: {  	[tilespmem:s30], [sflag:$0x2] =	stream.linear.gather [hbm4b:s25+s4], $0x80, $0x38;
	[tilespmem:$0x4B18] =	vst v63  }
0x49: {  	s31 =	rddreg [dreg:$0x12];
	s22 =	simm.s32 $0x100  }
0x4a: {  	[tilespmem:s22], [sflag:$0x3] =	stream.linear.gather [hbm4b:s31+s4], $0x80, $0x38;
	[tilespmem:$0x4B18] =	vst v63  }
0x4b: {  	s25 =	rddreg [dreg:$0x7];
	s31 =	simm.s32 $0x180  }
0x4c: {  	[tilespmem:s31], [sflag:$0x4] =	stream.linear.gather [hbm4b:s25+s4], $0x80, $0x38;
	[tilespmem:$0x4B18] =	vst v63  }
0x4d: {  	s25 =	rddreg [dreg:$0x8];
	s31 =	simm.s32 $0x200  }
0x4e: {  	[tilespmem:s31], [sflag:$0x5] =	stream.linear.gather [hbm4b:s25+s4], $0x80, $0x38;
	[tilespmem:$0x4B18] =	vst v63  }
0x4f: {  	s25 =	rddreg [dreg:$0x9];
	s31 =	simm.s32 $0x280  }
0x50: {  	[tilespmem:s31], [sflag:$0x6] =	stream.linear.gather [hbm4b:s25+s4], $0x80, $0x38;
	[tilespmem:$0x4B18] =	vst v63  }
0x51: {  	_ =	swait.ge [sflag:s7], $0x80  }
0x52: {  	[sflag:s7] =	ssyncset.done $0x0  }
0x53: {  	s25 =	simm.s32 $0x2;
	[sflag:s7] =	ssyncadd.s32 $0xFFFFFF80  }
0x54: {  	[tilespmem:s8], [sflag:$0x9] =	stream.indirect.gather [hbm4b:s2+s30], $0x10, s4, s30, $0xb8;
	[tilespmem:$0x4B18] =	vst v63  }
0x55: {  	_ =	swait.ge [sflag:s25], $0x80  }
0x56: {  	s31 =	simm.s32 $0xC00;
	[sflag:s25] =	ssyncset.done $0x0;
	s5 =	rddreg [dreg:$0x15]  }
0x57: {  	[sflag:s25] =	ssyncadd.s32 $0xFFFFFF80;
	s25 =	sshrl.u32 @p0 s5, $0x3;
	s5 =	rddreg [dreg:$0xc]  }
0x58: {  	[tilespmem:s31], [sflag:$0xA] =	stream.indirect.gather [hbm4b:s2+s30], $0x10, s30, s30, $0xb8;
	[tilespmem:$0x4B18] =	vst v63  }
0x59: {  	s22 =	simm.s32 @p0 $0x1FD1;
	[dreg:$0x17] =	wrdreg s25  }
0x5a: {  	[spmem:s25], [sflag:s22] =	dma.local @p0 [hbm:s5], $0x410  }
0x5b: {  	s25 =	simm.s32 @p0 $0x11;
	s5 =	stileid.u32  }
0x5c: {  	_ =	swait.ge @p0 [sflag:s25], $0x410;
	s22 =	sshll.u32 @!p0 s5, $0x6  }
0x5d: {  	[sflag:s25] =	ssyncset.done @p0 $0x0;
	s22 =	sor.u32 @!p0 $0x1C11, s22;
	s5 =	rddreg [dreg:$0xa]  }
0x5e: {  	[sflag:s25] =	ssyncadd.s32 @p0 $0xFFFFFBF0;
	s25 =	sshrl.u32 @!p0 s5, $0x3;
	s5 =	rddreg [dreg:$0xb]  }
0x5f: {  	[dreg:$0x18] =	wrdreg s22  }
0x60: {  	[dreg:$0x19] =	wrdreg s25  }
0x61: {  	[spmem:s25], [sflag:s22] =	dma.local @!p0 [hbm:s5], $0x4F0  }
0x62: {  	s22 =	simm.s32 @!p0 $0x11  }
.Ltmp2:
0x63: {  	_ =	swait.ge @!p0 [sflag:s22], $0x4F0;
	(pc) =	sbr.rel .LBB2_2-.Ltmp2, $4  }
0x64: {  	[sflag:s22] =	ssyncset.done @!p0 $0x0  }
0x65: {  	[sflag:s22] =	ssyncadd.s32 @!p0 $0xFFFFFB10  }
0x66: {  	[bflag:$0x0] =	sbarrier.arrive $0xFFFF  }
0x67: {  	s22 =	simm.s32 $0x0  }
.LBB2_6:
0x68: {  	_ =	swait.ge [sflag:s16], $0x80  }
0x69: {  	[sflag:s16] =	ssyncset.done $0x0  }
0x6a: {  	s5 =	simm.s32 $0x280;
	s25 =	simm.s32 $0xC00;
	[sflag:s16] =	ssyncadd.s32 $0xFFFFFF80  }
0x6b: {  	[spmem:s3] =	stream.indirect.scatter.add.f32 [tilespmem:s25], [sflag:$0xE], $0x10, s5, s30, $0xb8;
	[tilespmem:$0x4B18] =	vst v63  }
0x6c: {  	_ =	swait.ge [sflag:s6], $0x800  }
0x6d: {  	[sflag:s6] =	ssyncset.done $0x0  }
0x6e: {  	[sflag:s6] =	ssyncadd.s32 $0xFFFFF800  }
.LBB2_7:
0x6f: {  	_ =	swait.ge [sflag:s11], $0x80  }
0x70: {  	[sflag:s11] =	ssyncset.done $0x0  }
0x71: {  	s5 =	simm.s32 @p1 $0xC;
	[sflag:s11] =	ssyncadd.s32 $0xFFFFFF80  }
0x72: {  	[spmem:s3] =	stream.indirect.scatter.add.f32 [tilespmem:s14], [sflag:$0xF], $0x10, s12, s30, $0xb8;
	[tilespmem:$0x4B18] =	vst v63  }
0x73: {  	_ =	swait.ge @p1 [sflag:s5], $0x800  }
0x74: {  	[sflag:s5] =	ssyncset.done @p1 $0x0  }
0x75: {  	[sflag:s5] =	ssyncadd.s32 @p1 $0xFFFFF800;
	s5 =	simm.s32 @!p1 $0xE  }
0x76: {  	_ =	swait.ge @!p1 [sflag:s5], $0x800  }
0x77: {  	s25 =	simm.s32 @!p1 $0x0;
	[sflag:s5] =	ssyncset.done @!p1 $0x0  }
0x78: {  	s31 =	simm.s32 @!p1 $0x280;
	[sflag:s5] =	ssyncadd.s32 @!p1 $0xFFFFF800;
	s5 =	sadd.s32 @!p1 s22, s20  }
0x79: {  	[tilespmem:s31], [sflag:$0x6] =	stream.linear.gather @!p1 [hbm4b:s5+s25], $0x80, $0x38;
	[tilespmem:$0x4B18] =	vst v63  }
0x7a: {  	s5 =	simm.s32 @!p1 $0x2  }
0x7b: {  	_ =	swait.ge @!p1 [sflag:s5], $0x80  }
0x7c: {  	[sflag:s5] =	ssyncset.done @!p1 $0x0  }
0x7d: {  	s31 =	simm.s32 @!p1 $0xC00;
	[sflag:s5] =	ssyncadd.s32 @!p1 $0xFFFFFF80;
	s5 =	simm.s32 @!p1 $0x80  }
0x7e: {  	[tilespmem:s31], [sflag:$0xA] =	stream.indirect.gather @!p1 [hbm4b:s2+s5], $0x10, s5, s5, $0xb8;
	[tilespmem:$0x4B18] =	vst v63  }
0x7f: {  	s5 =	simm.s32 @!p1 $0xC  }
0x80: {  	_ =	swait.ge @!p1 [sflag:s5], $0x800  }
0x81: {  	s31 =	simm.s32 @!p1 $0x180;
	[sflag:s5] =	ssyncset.done @!p1 $0x0  }
0x82: {  	[sflag:s5] =	ssyncadd.s32 @!p1 $0xFFFFF800;
	s5 =	sadd.s32 @!p1 s22, s19;
	s22 =	sadd.s32 $0x40, s22  }
0x83: {  	[tilespmem:s31], [sflag:$0x4] =	stream.linear.gather @!p1 [hbm4b:s5+s25], $0x80, $0x38;
	[tilespmem:$0x4B18] =	vst v63  }
0x84: {  	p1 =	sne.s32 s22, $0x500  }
.Ltmp3:
0x85: {  	_ = 	snop;
	(pc) =	sbr.rel @!p1 .LBB2_8-.Ltmp3, $4  }
0x86: {  	_ =	swait.ge [sflag:s26], $0x80  }
0x87: {  	[sflag:s26] =	ssyncset.done $0x0  }
0x88: {  	[sflag:s26] =	ssyncadd.s32 $0xFFFFFF80  }
0x89: {  	[spmem:s3] =	stream.indirect.scatter.add.f32 [tilespmem:s10], [sflag:$0x10], $0x10, s23, s30, $0xb8;
	[tilespmem:$0x4B18] =	vst v63  }
.LBB2_2:
0x8a: {  	p1 =	seq.s32 s22, $0x0  }
0x8b: {  	s25 =	simm.s32 @!p1 $0xF  }
0x8c: {  	s5 =	sadd.s32 @!p1 s22, s28;
	_ =	swait.ge @!p1 [sflag:s25], $0x800  }
0x8d: {  	s5 =	smov.u32 @p1 s1;
	[sflag:s25] =	ssyncset.done @!p1 $0x0  }
0x8e: {  	s5 =	sadd.s32 s9, s5;
	[sflag:s25] =	ssyncadd.s32 @!p1 $0xFFFFF800  }
0x8f: {  	[tilespmem:s12], [sflag:$0x7] =	stream.linear.gather [hbm4b:s5+s4], $0x80, $0x38;
	[tilespmem:$0x4B18] =	vst v63  }
0x90: {  	_ =	swait.ge [sflag:s13], $0x80  }
0x91: {  	[sflag:s13] =	ssyncset.done $0x0  }
0x92: {  	s25 =	simm.s32 $0x100;
	[sflag:s13] =	ssyncadd.s32 $0xFFFFFF80  }
0x93: {  	[tilespmem:s14], [sflag:$0xB] =	stream.indirect.gather [hbm4b:s2+s30], $0x10, s25, s30, $0xb8;
	[tilespmem:$0x4B18] =	vst v63  }
0x94: {  	_ =	swait.ge [sflag:s15], $0x800  }
0x95: {  	p2 =	sne.s32 s22, $0x0;
	p1 =	seq.s32 s22, $0x4C0;
	[sflag:s15] =	ssyncset.done $0x0  }
0x96: {  	s5 =	sadd.s32 @!p1 s22, s24;
	s25 =	simm.s32 @!p1 $0x0;
	[sflag:s15] =	ssyncadd.s32 $0xFFFFF800  }
0x97: {  	[tilespmem:s25], [sflag:$0x1] =	stream.linear.gather @!p1 [hbm4b:s5+s25], $0x80, $0x38;
	[tilespmem:$0x4B18] =	vst v63  }
.Ltmp4:
0x98: {  	_ = 	snop;
	(pc) =	sbr.rel @!p2 .LBB2_3-.Ltmp4, $4  }
0x99: {  	_ =	swait.ge [sflag:s18], $0x80  }
0x9a: {  	[sflag:s18] =	ssyncset.done $0x0  }
0x9b: {  	s31 =	simm.s32 $0x200;
	[sflag:s18] =	ssyncadd.s32 $0xFFFFFF80  }
0x9c: {  	[spmem:s3] =	stream.indirect.scatter.add.f32 [tilespmem:s8], [sflag:$0xD], $0x10, s31, s30, $0xb8;
	[tilespmem:$0x4B18] =	vst v63  }
0x9d: {  	_ =	swait.ge [sflag:s21], $0x800  }
0x9e: {  	[sflag:s21] =	ssyncset.done $0x0;
	s5 =	rddreg [dreg:$0x14]  }
0x9f: {  	[sflag:s21] =	ssyncadd.s32 $0xFFFFF800;
	s5 =	sadd.s32 s22, s5  }
0xa0: {  	[tilespmem:s23], [sflag:$0x8] =	stream.linear.gather [hbm4b:s5+s4], $0x80, $0x38;
	[tilespmem:$0x4B18] =	vst v63  }
0xa1: {  	_ =	swait.ge [sflag:s29], $0x80  }
0xa2: {  	[sflag:s29] =	ssyncset.done $0x0  }
0xa3: {  	s31 =	simm.s32 $0x180;
	[sflag:s29] =	ssyncadd.s32 $0xFFFFFF80  }
0xa4: {  	[tilespmem:s10], [sflag:$0xC] =	stream.indirect.gather [hbm4b:s2+s30], $0x10, s31, s30, $0xb8;
	[tilespmem:$0x4B18] =	vst v63  }
.Ltmp5:
0xa5: {  	_ = 	snop;
	(pc) =	sbr.rel @p1 .LBB2_6-.Ltmp5, $4  }
.Ltmp6:
0xa6: {  	_ = 	snop;
	(pc) =	sbr.rel @!p1 .LBB2_5-.Ltmp6, $4  }
0xa7: {  	_ =	swait.ge [sflag:s17], $0x800  }
0xa8: {  	[sflag:s17] =	ssyncset.done $0x0  }
0xa9: {  	[sflag:s17] =	ssyncadd.s32 $0xFFFFF800  }
0xaa: {  	_ = 	snop  }
.LBB2_3:
0xab: {  	s5 =	rddreg [dreg:$0xd]  }
0xac: {  	[tilespmem:s23], [sflag:$0x8] =	stream.linear.gather [hbm4b:s5+s4], $0x80, $0x38;
	[tilespmem:$0x4B18] =	vst v63  }
0xad: {  	_ =	swait.ge [sflag:s29], $0x80  }
0xae: {  	[sflag:s29] =	ssyncset.done $0x0  }
0xaf: {  	s31 =	simm.s32 $0x180;
	[sflag:s29] =	ssyncadd.s32 $0xFFFFFF80  }
0xb0: {  	[tilespmem:s10], [sflag:$0xC] =	stream.indirect.gather [hbm4b:s2+s30], $0x10, s31, s30, $0xb8;
	[tilespmem:$0x4B18] =	vst v63  }
0xb1: {  	_ =	swait.ge [sflag:s17], $0x800  }
0xb2: {  	[sflag:s17] =	ssyncset.done $0x0  }
0xb3: {  	[sflag:s17] =	ssyncadd.s32 $0xFFFFF800  }
.LBB2_5:
0xb4: {  	s5 =	rddreg [dreg:$0x11]  }
0xb5: {  	s5 =	sadd.s32 s22, s5  }
0xb6: {  	[tilespmem:s30], [sflag:$0x2] =	stream.linear.gather [hbm4b:s5+s4], $0x80, $0x38;
	[tilespmem:$0x4B18] =	vst v63  }
0xb7: {  	_ =	swait.ge [sflag:s16], $0x80  }
0xb8: {  	[sflag:s16] =	ssyncset.done $0x0  }
0xb9: {  	s31 =	simm.s32 $0x280;
	s25 =	simm.s32 $0xC00;
	[sflag:s16] =	ssyncadd.s32 $0xFFFFFF80  }
0xba: {  	[spmem:s3] =	stream.indirect.scatter.add.f32 [tilespmem:s25], [sflag:$0xE], $0x10, s31, s30, $0xb8;
	[tilespmem:$0x4B18] =	vst v63  }
0xbb: {  	_ =	swait.ge [sflag:s0], $0x800  }
0xbc: {  	[sflag:s0] =	ssyncset.done $0x0;
	s25 =	rddreg [dreg:$0x13]  }
0xbd: {  	s31 =	simm.s32 $0x200;
	[sflag:s0] =	ssyncadd.s32 $0xFFFFF800;
	s5 =	sadd.s32 s22, s25  }
0xbe: {  	[tilespmem:s31], [sflag:$0x5] =	stream.linear.gather [hbm4b:s5+s4], $0x80, $0x38;
	[tilespmem:$0x4B18] =	vst v63  }
0xbf: {  	_ =	swait.ge [sflag:s7], $0x80  }
0xc0: {  	[sflag:s7] =	ssyncset.done $0x0  }
0xc1: {  	[sflag:s7] =	ssyncadd.s32 $0xFFFFFF80  }
0xc2: {  	[tilespmem:s8], [sflag:$0x9] =	stream.indirect.gather [hbm4b:s2+s30], $0x10, s4, s30, $0xb8;
	[tilespmem:$0x4B18] =	vst v63  }
.Ltmp7:
0xc3: {  	_ = 	snop;
	(pc) =	sbr.rel .LBB2_7-.Ltmp7, $4  }
0xc4: {  	_ =	swait.ge [sflag:s6], $0x800  }
0xc5: {  	[sflag:s6] =	ssyncset.done $0x0;
	s25 =	rddreg [dreg:$0x10]  }
0xc6: {  	s31 =	simm.s32 $0x100;
	[sflag:s6] =	ssyncadd.s32 $0xFFFFF800;
	s5 =	sadd.s32 s22, s25  }
0xc7: {  	[tilespmem:s31], [sflag:$0x3] =	stream.linear.gather [hbm4b:s5+s4], $0x80, $0x38;
	[tilespmem:$0x4B18] =	vst v63  }
.LBB2_9:
0xc8: {  	_ =	sfence.sel $0x180000  }
0xc9: {  	[bflag:$0x0] =	sbarrier.arrive $0xFFFF  }
0xca: {  	_ =	strace $0x9000004D  }
0xcb: {  	s0 =	stileid.u32;
	[bflag:$0x2] =	sbarrier.arrive $0xFFFF  }
0xcc: {  	p0 =	sne.s32 s0, $0x0;
	s0 =	rddreg [dreg:$0x3]  }
0xcd: {  	s0 =	sadd.s32 @!p0 $0x100000, s0  }
0xce: {  	[sflag:s0] =	ssyncadd.tile.s32 @!p0 $0x1;
	_ =	shalt  }
.Lfunc_end2:
_tile_overlayer_lowered:
.L_overlay_start_2:
0xcf: {  	(tag) =	ssettag $0x2  }
0xd0: {  	s0 =	rddreg [dreg:$0x0];
	s2 =	stileid.u32  }
0xd1: {  	s1 =	rddreg [dreg:$0x1];
	p0 =	sne.s32 s2, $0x0  }
0xd2: {  	s3 =	rddreg [dreg:$0x2];
	[bflag:$0x3] =	sbarrier.arrive $0xFFFF;
	s2 =	simm.s32 @!p0 $0x1C11  }
0xd3: {  	[timem:s3], [sflag:s2] =	dma.local @!p0 [hbm:s0], s1  }
0xd4: {  	s0 =	simm.s32 @!p0 $0x11  }
0xd5: {  	_ =	swait.ge @!p0 [sflag:s0], s1  }
0xd6: {  	s1 =	ssub.s32 @!p0 $0x0, s1;
	[sflag:s0] =	ssyncset.done @!p0 $0x0  }
0xd7: {  	[sflag:s0] =	ssyncadd.s32 @!p0 s1  }
0xd8: {  	[bflag:$0x3] =	sbarrier.arrive $0xFFFF  }
0xd9: {  	_ =	shalt  }

// kernel: kernel.9.cloned.1.call-start
scs
__scs_entry_jumppad:
0x0: {  	(pc) =	sbr.rel $0x88, $3  }
0x1: {  	(tag) =	ssettag $0x0;
	lr =	simm.s32 $0x1  }
0x2: {  	[smem:$0x3F95] =	sst lr;
	_ =	strace $0xD0000000  }
0x3: {  	_ = 	snop  }
0x4: {  	_ = 	snop  }
0x5: {  	_ = 	snop  }
0x6: {  	_ = 	snop  }
0x7: {  	_ = 	snop  }
__scs_overlays_trampoline_lowered:
0x8: {  	[smem:$0x3FA4] =	sst s0  }
0x9: {  	[smem:$0x3FA5] =	sst s1  }
0xa: {  	[smem:$0x3FA6] =	sst s2  }
0xb: {  	[smem:$0x3FA7] =	sst s3  }
0xc: {  	[smem:$0x3FA8] =	sst s4  }
0xd: {  	[smem:$0x3FA9] =	sst s5  }
0xe: {  	[smem:$0x3FAA] =	sst s6  }
0xf: {  	[smem:$0x3FAB] =	sst s7  }
0x10: {  	[smem:$0x3FAC] =	sst s8  }
0x11: {  	[smem:$0x3FAD] =	sst s9;
	s0 =	simm.s32 @!p0 $0x0  }
0x12: {  	s1 =	sld [smem:$0x3F93];
	s0 =	simm.s32 @p0 $0x1  }
0x13: {  	[smem:$0x3FAE] =	sst s0;
	s0 =	simm.s32 @!p1 $0x0  }
0x14: {  	s2 =	sld [smem:$0x3F92];
	s0 =	simm.s32 @p1 $0x1  }
0x15: {  	[smem:$0x3FAF] =	sst s0;
	s0 =	simm.s32 @!p2 $0x0  }
0x16: {  	s3 =	sld [smem:$0x3FDB];
	s0 =	simm.s32 @p2 $0x1  }
0x17: {  	s4 =	simm.s32 $0x1BF5;
	[smem:$0x3FB1] =	sst s0  }
0x18: {  	s0 =	sld [smem:$0x3F94];
	_ =	swait.ge [sflag:s4], $0x0  }
0x19: {  	s7 =	sld [smem:$0x3F95]  }
0x1a: {  	s8 =	sadd.s32 $0xFFFFE003, lr  }
0x1b: {  	s9 =	sadd.s32 $0xFFFFFEF7, lr;
	s5 =	simm.s32 $0xFFFFFFFF;
	p2 =	slt.u32 s8, $0xFFFFF086  }
0x1c: {  	p1 =	slt.u32 s9, $0xF7A;
	s5 =	simm.s32 @!p2 $0x0  }
0x1d: {  	s5 =	simm.s32 @p1 $0x1;
	p0 =	seq.s32 s7, s2  }
0x1e: {  	s7 =	smul.u32 @!p0 $0xF7A, s2;
	p2 =	seq.s32 @!p0 s5, $0x0  }
0x1f: {  	s9 =	smul.u32 $0xF7A, s1;
	s8 =	simm.s32 @!p0 $0x1BF5;
	p2 =	por !p2, p0  }
0x20: {  	[sflag:s8] =	ssyncset.s32 @!p0 $0xFFFFF086;
	s6 =	sadd.s32 @!p0 s3, s7;
	s7 =	simm.s32 @!p0 $0x108  }
0x21: {  	s3 =	sadd.s32 s3, s9;
	s6 =	sadd.s32 @!p0 $0x88, s6;
	s7 =	simm.s32 @p2 $0x1082  }
0x22: {  	[simem:s7], [sflag:s8] =	dma.local @!p0 [hbm:s6], $0xF7A  }
0x23: {  	s9 =	sor.u32 $0xD0000000, s2;
	s6 =	simm.s32 $0x108;
	_ =	swait.ge @!p0 [sflag:s8], $0x0  }
0x24: {  	s3 =	sadd.s32 $0x88, s3;
	s6 =	simm.s32 @!p1 $0x1082;
	[sflag:s4] =	ssyncset.s32 $0xFFFFF086  }
0x25: {  	[simem:s6], [sflag:s4] =	dma.local [hbm:s3], $0xF7A  }
0x26: {  	[smem:$0x3F95] =	sst s1;
	(tag) =	ssettag s2;
	_ =	strace s9  }
0x27: {  	s1 =	sld [smem:$0x3FA5]  }
0x28: {  	s2 =	sld [smem:$0x3FA6]  }
0x29: {  	s4 =	sld [smem:$0x3FA8]  }
0x2a: {  	p0 =	seq.s32 s5, $0x0;
	s5 =	sld [smem:$0x3FA9]  }
0x2b: {  	s6 =	sld [smem:$0x3FAA]  }
0x2c: {  	s7 =	sld [smem:$0x3FAB]  }
0x2d: {  	s3 =	simm.s32 $0x108;
	s8 =	sld [smem:$0x3FAC]  }
0x2e: {  	s3 =	simm.s32 @!p0 $0x1082;
	s9 =	sld [smem:$0x3FAD]  }
0x2f: {  	lr =	sadd.s32 s0, s3;
	s0 =	sld [smem:$0x3FA4]  }
0x30: {  	s3 =	sld [smem:$0x3FA7]  }
0x31: {  	[smem:$0x3FB0] =	sst s10  }
0x32: {  	s10 =	sld [smem:$0x3FAE];
	_ =	sdelay $0x3  }
0x33: {  	p0 =	seq.s32 s10, $0x1;
	s10 =	sld [smem:$0x3FB0];
	_ =	sdelay $0x3  }
0x34: {  	[smem:$0x3FB0] =	sst s10  }
0x35: {  	s10 =	sld [smem:$0x3FAF];
	_ =	sdelay $0x3  }
0x36: {  	p1 =	seq.s32 s10, $0x1;
	s10 =	sld [smem:$0x3FB0];
	_ =	sdelay $0x3  }
0x37: {  	[smem:$0x3FB0] =	sst s10  }
0x38: {  	s10 =	sld [smem:$0x3FB1]  }
0x39: {  	_ = 	snop;
	(pc) =	sbr.ind lr, $3  }
0x3a: {  	_ = 	snop  }
0x3b: {  	_ = 	snop  }
0x3c: {  	p2 =	seq.s32 s10, $0x1;
	s10 =	sld [smem:$0x3FB0]  }
0x3d: {  	_ =	shalt  }
0x3e: {  	_ =	shalt  }
0x3f: {  	_ =	shalt  }
0x40: {  	_ =	shalt  }
0x41: {  	_ =	shalt  }
0x42: {  	_ =	shalt  }
0x43: {  	_ =	shalt  }
0x44: {  	_ =	shalt  }
0x45: {  	_ =	shalt  }
0x46: {  	_ =	shalt  }
0x47: {  	_ =	shalt  }
0x48: {  	_ =	shalt  }
0x49: {  	_ =	shalt  }
0x4a: {  	_ =	shalt  }
0x4b: {  	_ =	shalt  }
0x4c: {  	_ =	shalt  }
0x4d: {  	_ =	shalt  }
0x4e: {  	_ =	shalt  }
0x4f: {  	_ =	shalt  }
0x50: {  	_ =	shalt  }
0x51: {  	_ =	shalt  }
0x52: {  	_ =	shalt  }
0x53: {  	_ =	shalt  }
0x54: {  	_ =	shalt  }
0x55: {  	_ =	shalt  }
0x56: {  	_ =	shalt  }
0x57: {  	_ =	shalt  }
0x58: {  	_ =	shalt  }
0x59: {  	_ =	shalt  }
0x5a: {  	_ =	shalt  }
0x5b: {  	_ =	shalt  }
0x5c: {  	_ =	shalt  }
0x5d: {  	_ =	shalt  }
0x5e: {  	_ =	shalt  }
0x5f: {  	_ =	shalt  }
0x60: {  	_ =	shalt  }
0x61: {  	_ =	shalt  }
0x62: {  	_ =	shalt  }
0x63: {  	_ =	shalt  }
0x64: {  	_ =	shalt  }
0x65: {  	_ =	shalt  }
0x66: {  	_ =	shalt  }
0x67: {  	_ =	shalt  }
0x68: {  	_ =	shalt  }
0x69: {  	_ =	shalt  }
0x6a: {  	_ =	shalt  }
0x6b: {  	_ =	shalt  }
0x6c: {  	_ =	shalt  }
0x6d: {  	_ =	shalt  }
0x6e: {  	_ =	shalt  }
0x6f: {  	_ =	shalt  }
0x70: {  	_ =	shalt  }
0x71: {  	_ =	shalt  }
0x72: {  	_ =	shalt  }
0x73: {  	_ =	shalt  }
0x74: {  	_ =	shalt  }
0x75: {  	_ =	shalt  }
0x76: {  	_ =	shalt  }
0x77: {  	_ =	shalt  }
0x78: {  	_ =	shalt  }
0x79: {  	_ =	shalt  }
0x7a: {  	_ =	shalt  }
0x7b: {  	_ =	shalt  }
0x7c: {  	_ =	shalt  }
0x7d: {  	_ =	shalt  }
0x7e: {  	_ =	shalt  }
0x7f: {  	_ =	shalt  }
0x80: {  	_ =	shalt  }
0x81: {  	_ =	shalt  }
0x82: {  	_ =	shalt  }
0x83: {  	_ =	shalt  }
0x84: {  	_ =	shalt  }
0x85: {  	_ =	shalt  }
0x86: {  	_ =	shalt  }
0x87: {  	_ =	shalt  }
.Lfunc_end0:
.L_simem_size_0:
called_computation_lowered:
.L_overlay_start_0:
0x88: {  	s2 =	sld [smem:$0x3FD9]  }
0x89: {  	s3 =	sld [smem:$0x3FFE];
	_ =	sdelay $0x1  }
0x8a: {  	s1 =	srdreg.scid  }
0x8b: {  	s0 =	sand.u32 $0x1, s1  }
0x8c: {  	s17 =	sshll.u32 s0, $0xA;
	s2 =	sadd.s32 s3, s2  }
0x8d: {  	s2 =	sadd.s32 s2, s17  }
0x8e: {  	[smem:$0x3FBC] =	sst s2  }
0x8f: {  	_ = 	snop  }
0x90: {  	s2 =	sld [smem:$0x3FD0];
	(tm) =	ssettm $0x1  }
0x91: {  	s18 =	sld [smem:$0x3FFB];
	_ =	sdelay $0x3  }
0x92: {  	_ =	strace s18  }
0x93: {  	s3 =	sld [smem:$0x3FFC];
	_ =	sdelay $0x3  }
0x94: {  	_ =	strace s3  }
0x95: {  	s3 =	sld [smem:$0x3FFD];
	_ =	sdelay $0x3  }
0x96: {  	_ =	strace s3  }
0x97: {  	_ =	strace $0x8FFFFFFF  }
0x98: {  	s19 =	sld [smem:$0x3FDB];
	_ =	sdelay $0x1  }
0x99: {  	s4 =	simm.s32 $_scs_section_size  }
0x9a: {  	s5 =	simm.s32 $_size__tile_overlayer_lowered;
	s6 =	simm.s32 $_tile_overlayer_lowered  }
0x9b: {  	s22 =	simm.s32 $0x1BFF;
	s21 =	sshll.u32 s6, $0x1;
	s3 =	sadd.s32 s4, s19  }
0x9c: {  	s7 =	simm.s32 $0x0;
	s20 =	sshll.u32 s5, $0x1;
	s5 =	sadd.s32 s21, s3  }
0x9d: {  	[timem:s7], [sflag:s22] =	dma.local [hbm:s5], s20  }
0x9e: {  	_ =	swait.ge [sflag:s22], s20  }
0x9f: {  	s4 =	ssub.s32 $0x0, s20;
	[sflag:s22] =	ssyncset.done $0x0  }
0xa0: {  	[sflag:s22] =	ssyncadd.s32 s4;
	_ =	sdelay $0x1  }
0xa1: {  	s23 =	simm.s32 $0x1B8B  }
0xa2: {  	_ =	swait.ge [sflag:s23], $0x1  }
0xa3: {  	[sflag:s23] =	ssyncset.done $0x0  }
0xa4: {  	s25 =	simm.s32 $0x1B8E;
	s24 =	sld [smem:$0x3FFE];
	[sflag:s23] =	ssyncadd.s32 $0xFFFFFFFF  }
0xa5: {  	s26 =	simm.s32 $execute0_lowered;
	[smem:$0x3FD2] =	sst s25  }
0xa6: {  	s5 =	sshll.u32 s26, $0x1;
	_ =	strace $0x80000046;
	[dreg:$0x1] =	wrdreg $0xFFFFFFFF  }
0xa7: {  	s28 =	simm.s32 $_size_execute0_lowered;
	s3 =	sadd.s32 s3, s5;
	[dreg:$0x0] =	wrdreg $0x0  }
0xa8: {  	s5 =	sshll.u32 s28, $0x1;
	[dreg:$0x2] =	wrdreg s3  }
0xa9: {  	[dreg:$0x3] =	wrdreg s5  }
0xaa: {  	[dreg:$0x4] =	wrdreg $0xC0  }
0xab: {  	_ =	task [dreg:s7], $0x5FFFF  }
0xac: {  	[dreg:$0x1] =	wrdreg $0xFFFFFFFF  }
0xad: {  	[dreg:$0x0] =	wrdreg $0x60  }
0xae: {  	[dreg:$0x2] =	wrdreg s24  }
0xaf: {  	[dreg:$0x3] =	wrdreg s2  }
0xb0: {  	[dreg:$0x4] =	wrdreg $0x84000  }
0xb1: {  	[dreg:$0x5] =	wrdreg $0x1BD400  }
0xb2: {  	[dreg:$0x6] =	wrdreg $0x9  }
0xb3: {  	_ =	task.clear_ibuf [dreg:s7], $0x7FFFF;
	_ =	strace $0x90000046  }
0xb4: {  	s29 =	simm.s32 $0x9;
	_ =	strace $0x80000048  }
0xb5: {  	_ =	swait.ge [sflag:s29], $0x1  }
0xb6: {  	[sflag:s29] =	ssyncadd.s32 $0xFFFFFFFF  }
0xb7: {  	_ =	strace $0x90000048  }
0xb8: {  	_ =	sfence  }
0xb9: {  	s30 =	sld [smem:$0x0];
	_ =	sdelay $0x2  }
0xba: {  	s31 =	sshll.u32 s1, $0xD;
	s1 =	sshrl.u32 s1, $0x2  }
0xbb: {  	s3 =	sand.u32 $0x4000, s31;
	s1 =	sadd.s32 s1, s30  }
0xbc: {  	s0 =	sor.u32 s3, s0;
	s1 =	sshll.u32 s1, $0x11  }
0xbd: {  	s0 =	sor.u32 s1, s0  }
0xbe: {  	s0 =	sadd.s32 $0x8F2B, s0  }
0xbf: {  	[sflag:s0] =	ssyncadd.remote.s32 $0x1  }
0xc0: {  	_ =	sfence.sel $0xFFFF  }
0xc1: {  	[dreg:$0x0] =	wrdreg $0xFFFFFFFF;
	(pc) =	sbr.abs _section_cstart, $3  }
0xc2: {  	[dreg:$0x1] =	wrdreg $0xFFFFFFFF  }
0xc3: {  	_ =	task.clear_ibuf [dreg:s7], $0x2FFFF;
	_ =	strace $0x9FFFFFFF  }
0xc4: {  	(tm) =	ssettm $0x7FFFFFFF  }
0xc5: {  	_ =	shalt  }
tec
execute0_lowered:
.L_overlay_start_1:
0x0: {  	(tag) =	ssettag $0x1  }
0x1: {  	s0 =	rddreg [dreg:$0x0]  }
0x2: {  	s3 =	rddreg [dreg:$0x1]  }
0x3: {  	s1 =	rddreg [dreg:$0x2]  }
0x4: {  	s2 =	rddreg [dreg:$0x3];
	s4 =	simm.s32 $0x0  }
0x5: {  	s18 =	stileid.u32;
	s5 =	srdreg.scid;
	s30 =	simm.s32 $0xD  }
0x6: {  	s29 =	simm.s32 $0x7;
	[smem:$0x7FF] =	sst s4;
	s10 =	smul.u32 $0x2780, s18  }
0x7: {  	s5 =	sand.u32 $0x1, s5;
	s6 =	sadd.s32 $0x29C00, s0;
	s9 =	sadd.s32 $0x50E00, s0  }
0x8: {  	s16 =	sadd.s32 $0x5AE00, s0;
	s11 =	sadd.s32 $0x8C000, s0;
	s14 =	smul.u32 $0x4F000, s18  }
0x9: {  	s23 =	smul.u32 $0x5000, s18;
	p0 =	sne.s32 s18, $0xF;
	p3 =	seq.s32 s18, $0xF  }
0xa: {  	s7 =	sshll.u32 s18, $0x1;
	s28 =	sadd.s32 $0x128400, s1;
	_ =	strace $0x80000047  }
0xb: {  	s8 =	smul.u32 $0x27100, s5;
	s7 =	sor.u32 s5, s7;
	[dreg:$0x7] =	wrdreg s11  }
0xc: {  	s19 =	ssub.s32 $0x2, s5;
	s26 =	smul.u32 $0x2800, s5;
	[dreg:$0x6] =	wrdreg s16  }
0xd: {  	s5 =	sshll.u32 s5, $0x4;
	p2 =	sne.s32 @p0 s18, $0x0;
	[dreg:$0x1e] =	wrdreg s28  }
0xe: {  	s18 =	simm.s32 $0x4;
	s7 =	smul.u32 $0x2800, s7;
	[dreg:$0x5] =	wrdreg s10  }
0xf: {  	s10 =	sadd.s32 s10, s0;
	s12 =	sshrl.u32 s19, $0x1;
	s25 =	sshrl.u32 s14, $0x2  }
0x10: {  	s3 =	sadd.s32 s3, s5;
	p1 =	por p2, !p0;
	p2 =	por !p2, !p0  }
0x11: {  	s8 =	sadd.s32 s8, s0;
	s31 =	sadd.s32 $0x64E00, s10;
	[dreg:$0x13] =	wrdreg s3  }
0x12: {  	s11 =	ssub.s32 s19, s12;
	s0 =	sadd.s32 $0x89E80, s0;
	[dreg:$0xf] =	wrdreg s31  }
0x13: {  	s24 =	sadd.s32 s25, s1;
	s7 =	sshrl.u32 s7, $0x3;
	[dreg:$0x10] =	wrdreg s0  }
0x14: {  	s0 =	sadd.s32 s26, s23;
	s10 =	sadd.s32 $0x8C600, s8;
	s8 =	simm.s32 $0x6400  }
0x15: {  	[dreg:$0xe] =	wrdreg s24;
	s20 =	sadd.s32 s9, s7;
	s21 =	sor.u32 $0x8, s7  }
0x16: {  	s22 =	sor.u32 $0x18, s7;
	s17 =	sor.u32 $0x10, s7;
	[dreg:$0x12] =	wrdreg s10  }
0x17: {  	s7 =	sadd.s32 s16, s7;
	s19 =	sor.u32 $0x180, s0;
	[dreg:$0x8] =	wrdreg s20  }
0x18: {  	s31 =	sor.u32 $0xC0, s0;
	s10 =	simm.s32 $0x200;
	[dreg:$0xc] =	wrdreg s7  }
0x19: {  	s13 =	sadd.s32 s9, s21;
	s15 =	sadd.s32 s9, s22;
	[dreg:$0xa] =	wrdreg s17  }
0x1a: {  	s12 =	sadd.s32 s16, s21;
	s7 =	sadd.s32 s16, s22;
	[dreg:$0x9] =	wrdreg s13  }
0x1b: {  	s5 =	sshrl.u32 s19, $0x3;
	s20 =	sor.u32 $0x100, s0;
	[dreg:$0xb] =	wrdreg s15  }
0x1c: {  	s23 =	sadd.s32 s9, s17;
	s17 =	simm.s32 $0x9;
	[dreg:$0xd] =	wrdreg s12  }
0x1d: {  	s19 =	simm.s32 $0x1BCC0;
	[dreg:$0x11] =	wrdreg s7;
	s12 =	sor.u32 $0x1C0, s0  }
0x1e: {  	s13 =	smax.u32 s11, $0x1;
	s15 =	sor.u32 $0x140, s0;
	s5 =	sadd.s32 s5, s9  }
0x1f: {  	s21 =	sshrl.u32 s20, $0x3;
	[dreg:$0x19] =	wrdreg s23;
	s0 =	sor.u32 $0x80, s0  }
0x20: {  	s20 =	simm.s32 $0x6;
	s23 =	simm.s32 $0x11;
	[dreg:$0x14] =	wrdreg s13  }
0x21: {  	s7 =	simm.s32 $0x8;
	s14 =	sshrl.u32 s12, $0x3;
	[dreg:$0x16] =	wrdreg s5  }
0x22: {  	s25 =	sadd.s32 s21, s9;
	s26 =	sadd.s32 s21, s16;
	s0 =	sshrl.u32 s0, $0x3  }
0x23: {  	s12 =	simm.s32 $0x280;
	s13 =	simm.s32 $0x1;
	[dreg:$0x1a] =	wrdreg s25  }
0x24: {  	s21 =	simm.s32 $0x300;
	s5 =	simm.s32 $0x10;
	[dreg:$0x1b] =	wrdreg s26  }
0x25: {  	s3 =	sadd.s32 s14, s9;
	[dreg:$0x1d] =	wrdreg s0;
	s14 =	simm.s32 $0x40  }
0x26: {  	s26 =	simm.s32 $0x3;
	s0 =	simm.s32 $0x380;
	s25 =	simm.s32 $0xB  }
.Ltmp0:
0x27: {  	[dreg:$0x15] =	wrdreg s3;
	s3 =	sshrl.u32 s15, $0x3;
	(pc) =	sbr.rel .LBB2_1-.Ltmp0, $4  }
0x28: {  	s15 =	simm.s32 $0x5;
	s22 =	sadd.s32 s3, s16;
	s3 =	sadd.s32 s3, s9  }
0x29: {  	s9 =	simm.s32 $0xA;
	[dreg:$0x18] =	wrdreg s3;
	s3 =	sshrl.u32 s31, $0x3  }
0x2a: {  	[dreg:$0x17] =	wrdreg s22;
	s22 =	simm.s32 $0x0;
	s3 =	sadd.s32 s3, s16  }
0x2b: {  	v0 =	vimm.f32 $1.000000000e+00;
	s16 =	simm.s32 $0x14;
	[dreg:$0x1c] =	wrdreg s3;
	s3 =	simm.s32 $0x4400  }
.LBB2_8:
0x2c: {  	_ =	swait.ge [sflag:s30], $0x2000  }
0x2d: {  	[sflag:s30] =	ssyncset.done $0x0  }
0x2e: {  	[sflag:s30] =	ssyncadd.s32 $0xFFFFE000  }
0x2f: {  	_ =	swait.ge [sflag:s23], $0x40  }
0x30: {  	[sflag:s23] =	ssyncset.done $0x0  }
0x31: {  	s11 =	simm.s32 $0xE;
	[sflag:s23] =	ssyncadd.s32 $0xFFFFFFC0  }
0x32: {  	_ =	swait.ge [sflag:s11], $0x2000  }
0x33: {  	[sflag:s11] =	ssyncset.done $0x0  }
0x34: {  	s12 =	simm.s32 $0x12;
	[sflag:s11] =	ssyncadd.s32 $0xFFFFE000  }
0x35: {  	_ =	swait.ge [sflag:s12], $0x40  }
0x36: {  	[sflag:s12] =	ssyncset.done $0x0  }
0x37: {  	s22 =	simm.s32 $0xF;
	[sflag:s12] =	ssyncadd.s32 $0xFFFFFFC0  }
0x38: {  	_ =	swait.ge [sflag:s22], $0x2000  }
0x39: {  	[sflag:s22] =	ssyncset.done $0x0  }
0x3a: {  	s24 =	simm.s32 $0x13;
	[sflag:s22] =	ssyncadd.s32 $0xFFFFE000  }
0x3b: {  	_ =	swait.ge [sflag:s24], $0x40  }
0x3c: {  	[sflag:s24] =	ssyncset.done $0x0  }
0x3d: {  	[sflag:s24] =	ssyncadd.s32 $0xFFFFFFC0  }
0x3e: {  	_ =	swait.ge [sflag:s5], $0x2000  }
0x3f: {  	[sflag:s5] =	ssyncset.done $0x0  }
0x40: {  	[sflag:s5] =	ssyncadd.s32 $0xFFFFE000  }
0x41: {  	_ =	swait.ge [sflag:s16], $0x40  }
0x42: {  	[sflag:s16] =	ssyncset.done $0x0  }
0x43: {  	[sflag:s16] =	ssyncadd.s32 $0xFFFFFFC0  }
0x44: {  	[bflag:$0x0] =	sbarrier.arrive $0xFFFF  }
0x45: {  	s31 =	rddreg [dreg:$0x12]  }
0x46: {  	s22 =	rddreg [dreg:$0x1e]  }
0x47: {  	s24 =	simm.s32 @p3 $0x1FD5;
	s11 =	sadd.s32 @p3 $0x25080, s31;
	s22 =	sshrl.u32 @p3 s22, $0x3  }
0x48: {  	[hbm:s11], [sflag:s24] =	dma.local @p3 [spmem:s22], $0x2080  }
0x49: {  	s11 =	simm.s32 @p3 $0x15  }
0x4a: {  	_ =	swait.ge @p3 [sflag:s11], $0x2080  }
0x4b: {  	s28 =	stileid.u32;
	[sflag:s11] =	ssyncset.done @p3 $0x0  }
0x4c: {  	s22 =	rddreg [dreg:$0x5];
	[sflag:s11] =	ssyncadd.s32 @p3 $0xFFFFDF80;
	s11 =	sshll.u32 @!p3 s28, $0x6  }
0x4d: {  	s22 =	sadd.s32 @!p3 s22, s31;
	s31 =	sor.u32 @!p3 $0x1C15, s11;
	s11 =	rddreg [dreg:$0xe]  }
0x4e: {  	s24 =	sshrl.u32 @!p3 s11, $0x3  }
0x4f: {  	[hbm:s22], [sflag:s31] =	dma.local @!p3 [spmem:s24], $0x2780  }
0x50: {  	s24 =	simm.s32 @!p3 $0x15;
	s22 =	sshll.u32 @p4 s28, $0x6  }
0x51: {  	_ =	swait.ge @!p3 [sflag:s24], $0x2780;
	s22 =	sor.u32 @p4 $0x1C15, s22  }
0x52: {  	[smem:$0x7FC] =	sst s22;
	s22 =	sshrl.u32 @p4 s2, $0x3  }
0x53: {  	[smem:$0x7FD] =	sst s22  }
0x54: {  	s22 =	sld [smem:$0x7FC]  }
0x55: {  	s11 =	sld [smem:$0x7FD]  }
0x56: {  	s12 =	simm.s32 @p4 $0x20;
	s31 =	simm.s32 @p4 $0x10;
	[sflag:s24] =	ssyncset.done @!p3 $0x0  }
0x57: {  	s28 =	rddreg [dreg:$0x13];
	[sflag:s24] =	ssyncadd.s32 @!p3 $0xFFFFD880;
	s24 =	simm.s32 @p4 $0x1  }
0x58: {  	[hbm:s28@s12], [sflag:s22] =	dma.strided @p4 [spmem:s11@s31], $0x4F0, s24, $0x10   }
0x59: {  	s11 =	simm.s32 @p4 $0x15  }
0x5a: {  	s24 =	rddreg [dreg:$0xe];
	_ =	swait.ge @p4 [sflag:s11], $0x4F0  }
0x5b: {  	s22 =	rddreg [dreg:$0x1f]  }
0x5c: {  	s28 =	rddreg [dreg:$0x14];
	s22 =	sadd.s32 $0x1, s22  }
0x5d: {  	p5 =	sne.s32 s22, s28  }
.Ltmp1:
0x5e: {  	_ = 	snop;
	(pc) =	sbr.rel @!p5 .LBB2_9-.Ltmp1, $3  }
0x5f: {  	_ =	sdelay $0x1  }
0x60: {  	s12 =	simm.s32 $0x280;
	[sflag:s11] =	ssyncset.done @p4 $0x0  }
0x61: {  	s31 =	stileid.u32;
	[sflag:s11] =	ssyncadd.s32 @p4 $0xFFFFFB10;
	s28 =	rddreg [dreg:$0x1e]  }
.LBB2_1:
0x62: {  	[dreg:$0x1f] =	wrdreg s22  }
0x63: {  	s11 =	rddreg [dreg:$0x8]  }
0x64: {  	[tilespmem:s4], [sflag:$0x1] =	stream.linear.gather [hbm4b:s11+s4], $0x40, $0x38;
	[tilespmem:$0x1BFB8] =	vst v63  }
0x65: {  	s22 =	rddreg [dreg:$0x9];
	s31 =	simm.s32 $0x80  }
0x66: {  	[tilespmem:s31], [sflag:$0x2] =	stream.linear.gather [hbm4b:s22+s4], $0x40, $0x38;
	[tilespmem:$0x1BFB8] =	vst v63  }
0x67: {  	s11 =	rddreg [dreg:$0x19];
	s22 =	simm.s32 $0x100  }
0x68: {  	[tilespmem:s22], [sflag:$0x3] =	stream.linear.gather [hbm4b:s11+s4], $0x40, $0x38;
	[tilespmem:$0x1BFB8] =	vst v63  }
0x69: {  	s11 =	rddreg [dreg:$0xb];
	s22 =	simm.s32 $0x180  }
0x6a: {  	[tilespmem:s22], [sflag:$0x4] =	stream.linear.gather [hbm4b:s11+s4], $0x40, $0x38;
	[tilespmem:$0x1BFB8] =	vst v63  }
0x6b: {  	s22 =	rddreg [dreg:$0xc]  }
0x6c: {  	[tilespmem:s10], [sflag:$0x5] =	stream.linear.gather [hbm4b:s22+s4], $0x40, $0x38;
	[tilespmem:$0x1BFB8] =	vst v63  }
0x6d: {  	s22 =	rddreg [dreg:$0xd]  }
0x6e: {  	[tilespmem:s12], [sflag:$0x6] =	stream.linear.gather [hbm4b:s22+s4], $0x40, $0x38;
	[tilespmem:$0x1BFB8] =	vst v63  }
0x6f: {  	_ =	swait.ge [sflag:s13], $0x40  }
0x70: {  	[sflag:s13] =	ssyncset.done $0x0  }
0x71: {  	s22 =	simm.s32 $0x400;
	[sflag:s13] =	ssyncadd.s32 $0xFFFFFFC0  }
0x72: {  	[tilespmem:s22], [sflag:$0x9] =	stream.indirect.gather [hbm4b:s6+s14], $0x80, s4, s14, $0xb8;
	[tilespmem:$0x1BFB8] =	vst v63  }
0x73: {  	s22 =	simm.s32 $0x2  }
0x74: {  	_ =	swait.ge [sflag:s22], $0x40  }
0x75: {  	s11 =	stileid.u32;
	[sflag:s22] =	ssyncset.done $0x0  }
0x76: {  	s11 =	sshll.u32 @p0 s11, $0x6;
	[sflag:s22] =	ssyncadd.s32 $0xFFFFFFC0;
	s22 =	simm.s32 $0x2400  }
0x77: {  	[tilespmem:s22], [sflag:$0xA] =	stream.indirect.gather [hbm4b:s6+s14], $0x80, s31, s14, $0xb8;
	[tilespmem:$0x1BFB8] =	vst v63  }
0x78: {  	s31 =	sor.u32 @p0 $0x1C15, s11;
	s11 =	sshrl.u32 @p0 s24, $0x3;
	s22 =	rddreg [dreg:$0xf]  }
0x79: {  	[spmem:s11], [sflag:s31] =	dma.local @p0 [hbm:s22], $0x2780  }
0x7a: {  	s11 =	simm.s32 @p0 $0x15  }
0x7b: {  	_ =	swait.ge @p0 [sflag:s11], $0x2780  }
0x7c: {  	s24 =	sshrl.u32 @!p1 s2, $0x3;
	[sflag:s11] =	ssyncset.done @p0 $0x0  }
0x7d: {  	s22 =	rddreg [dreg:$0x7];
	[sflag:s11] =	ssyncadd.s32 @p0 $0xFFFFD880;
	s11 =	simm.s32 @!p1 $0x1C15  }
0x7e: {  	[spmem:s24], [sflag:s11] =	dma.local @!p1 [hbm:s22], $0x4F0  }
0x7f: {  	s11 =	simm.s32 @!p1 $0x15  }
0x80: {  	_ =	swait.ge @!p1 [sflag:s11], $0x4F0  }
0x81: {  	s24 =	sshrl.u32 @!p0 s28, $0x3;
	[sflag:s11] =	ssyncset.done @!p1 $0x0  }
0x82: {  	s22 =	rddreg [dreg:$0x10];
	[sflag:s11] =	ssyncadd.s32 @!p1 $0xFFFFFB10;
	s11 =	simm.s32 @!p0 $0x1FD5  }
0x83: {  	[spmem:s24], [sflag:s11] =	dma.local @!p0 [hbm:s22], $0x2080  }
0x84: {  	s11 =	simm.s32 @!p0 $0x15  }
0x85: {  	_ =	swait.ge @!p0 [sflag:s11], $0x2080  }
0x86: {  	[sflag:s11] =	ssyncset.done @!p0 $0x0  }
0x87: {  	[sflag:s11] =	ssyncadd.s32 @!p0 $0xFFFFDF80  }
0x88: {  	[tilespmem:$0x1BCC0] =	vst v0  }
.Ltmp2:
0x89: {  	[tilespmem:$0x1BCD0] =	vst v0;
	(pc) =	sbr.rel .LBB2_2-.Ltmp2, $4  }
0x8a: {  	[tilespmem:$0x1BCE0] =	vst v0  }
0x8b: {  	p5 =	por @p0 $0x0, $0x0;
	p4 =	por @!p1 $0x1, $0x1;
	[tilespmem:$0x1BCF0] =	vst v0  }
0x8c: {  	p4 =	por @!p2 p5, p5;
	p5 =	por @!p0 $0x0, $0x0;
	[bflag:$0x0] =	sbarrier.arrive $0xFFFF  }
0x8d: {  	p4 =	por @!p0 p5, p5;
	s11 =	simm.s32 $0x0  }
.LBB2_6:
0x8e: {  	_ =	swait.ge [sflag:s20], $0x40  }
0x8f: {  	[sflag:s20] =	ssyncset.done $0x0  }
0x90: {  	s22 =	simm.s32 $0x2400;
	[sflag:s20] =	ssyncadd.s32 $0xFFFFFFC0  }
0x91: {  	[spmem:s1] =	stream.indirect.scatter.add.f32 [tilespmem:s22], [sflag:$0xE], $0x80, s12, s14, $0xb8;
	[tilespmem:$0x1BFB8] =	vst v63  }
0x92: {  	_ = 	snop  }
0x93: {  	[spmem:s2] =	stream.indirect.scatter.add.f32 [tilespmem:s19], [sflag:$0x12], $0x1, s12, s14, $0xb8;
	[tilespmem:$0x1BFB8] =	vst v63  }
0x94: {  	_ =	swait.ge [sflag:s25], $0x2000  }
0x95: {  	[sflag:s25] =	ssyncset.done $0x0  }
0x96: {  	[sflag:s25] =	ssyncadd.s32 $0xFFFFE000  }
.LBB2_7:
0x97: {  	_ =	swait.ge [sflag:s29], $0x40  }
0x98: {  	[sflag:s29] =	ssyncset.done $0x0  }
0x99: {  	[sflag:s29] =	ssyncadd.s32 $0xFFFFFFC0  }
0x9a: {  	[spmem:s1] =	stream.indirect.scatter.add.f32 [tilespmem:s3], [sflag:$0xF], $0x80, s21, s14, $0xb8;
	[tilespmem:$0x1BFB8] =	vst v63  }
0x9b: {  	s22 =	simm.s32 @p5 $0xC  }
0x9c: {  	[spmem:s2] =	stream.indirect.scatter.add.f32 [tilespmem:s19], [sflag:$0x13], $0x1, s21, s14, $0xb8;
	[tilespmem:$0x1BFB8] =	vst v63  }
0x9d: {  	_ =	swait.ge @p5 [sflag:s22], $0x2000  }
0x9e: {  	[sflag:s22] =	ssyncset.done @p5 $0x0  }
0x9f: {  	[sflag:s22] =	ssyncadd.s32 @p5 $0xFFFFE000;
	s22 =	simm.s32 @!p5 $0xE  }
0xa0: {  	_ =	swait.ge @!p5 [sflag:s22], $0x2000  }
0xa1: {  	[sflag:s22] =	ssyncset.done @!p5 $0x0  }
0xa2: {  	[sflag:s22] =	ssyncadd.s32 @!p5 $0xFFFFE000;
	s22 =	simm.s32 @!p5 $0x12  }
0xa3: {  	_ =	swait.ge @!p5 [sflag:s22], $0x40  }
0xa4: {  	[sflag:s22] =	ssyncset.done @!p5 $0x0  }
0xa5: {  	[sflag:s22] =	ssyncadd.s32 @!p5 $0xFFFFFFC0;
	s22 =	rddreg [dreg:$0x17]  }
0xa6: {  	s24 =	simm.s32 @!p5 $0x0;
	s28 =	simm.s32 @!p5 $0x280;
	s22 =	sadd.s32 @!p5 s11, s22  }
0xa7: {  	[tilespmem:s28], [sflag:$0x6] =	stream.linear.gather @!p5 [hbm4b:s22+s24], $0x40, $0x38;
	[tilespmem:$0x1BFB8] =	vst v63  }
0xa8: {  	s22 =	simm.s32 @!p5 $0x2  }
0xa9: {  	_ =	swait.ge @!p5 [sflag:s22], $0x40  }
0xaa: {  	s31 =	simm.s32 @!p5 $0x2400;
	[sflag:s22] =	ssyncset.done @!p5 $0x0  }
0xab: {  	s28 =	simm.s32 @!p5 $0x80;
	[sflag:s22] =	ssyncadd.s32 @!p5 $0xFFFFFFC0;
	s22 =	simm.s32 @!p5 $0x40  }
0xac: {  	[tilespmem:s31], [sflag:$0xA] =	stream.indirect.gather @!p5 [hbm4b:s6+s22], $0x80, s28, s22, $0xb8;
	[tilespmem:$0x1BFB8] =	vst v63  }
0xad: {  	s22 =	simm.s32 @!p5 $0xC  }
0xae: {  	_ =	swait.ge @!p5 [sflag:s22], $0x2000  }
0xaf: {  	[sflag:s22] =	ssyncset.done @!p5 $0x0  }
0xb0: {  	[sflag:s22] =	ssyncadd.s32 @!p5 $0xFFFFE000;
	s22 =	rddreg [dreg:$0x15]  }
0xb1: {  	s28 =	simm.s32 @!p5 $0x180;
	s22 =	sadd.s32 @!p5 s11, s22;
	s11 =	sadd.s32 $0x20, s11  }
0xb2: {  	[tilespmem:s28], [sflag:$0x4] =	stream.linear.gather @!p5 [hbm4b:s22+s24], $0x40, $0x38;
	[tilespmem:$0x1BFB8] =	vst v63  }
0xb3: {  	p5 =	sne.s32 s11, $0x500;
	_ =	swait.ge [sflag:s7], $0x40  }
.Ltmp3:
0xb4: {  	[sflag:s7] =	ssyncset.done $0x0;
	(pc) =	sbr.rel @!p5 .LBB2_8-.Ltmp3, $4  }
0xb5: {  	[sflag:s7] =	ssyncadd.s32 $0xFFFFFFC0  }
0xb6: {  	[spmem:s1] =	stream.indirect.scatter.add.f32 [tilespmem:s8], [sflag:$0x10], $0x80, s0, s14, $0xb8;
	[tilespmem:$0x1BFB8] =	vst v63  }
0xb7: {  	_ = 	snop  }
0xb8: {  	[spmem:s2] =	stream.indirect.scatter.add.f32 [tilespmem:s19], [sflag:$0x14], $0x1, s0, s14, $0xb8;
	[tilespmem:$0x1BFB8] =	vst v63  }
.LBB2_2:
0xb9: {  	p5 =	seq.s32 s11, $0x0  }
0xba: {  	s22 =	simm.s32 @!p5 $0xF  }
0xbb: {  	_ =	swait.ge @!p5 [sflag:s22], $0x2000  }
0xbc: {  	[sflag:s22] =	ssyncset.done @!p5 $0x0  }
0xbd: {  	[sflag:s22] =	ssyncadd.s32 @!p5 $0xFFFFE000;
	s22 =	simm.s32 @!p5 $0x13  }
0xbe: {  	_ =	swait.ge @!p5 [sflag:s22], $0x40  }
0xbf: {  	s24 =	rddreg [dreg:$0x1d]  }
0xc0: {  	s28 =	rddreg [dreg:$0xa];
	s24 =	sadd.s32 @!p5 s11, s24  }
0xc1: {  	[sflag:s22] =	ssyncset.done @!p5 $0x0;
	s31 =	rddreg [dreg:$0x6];
	s24 =	smov.u32 @p5 s28  }
0xc2: {  	[sflag:s22] =	ssyncadd.s32 @!p5 $0xFFFFFFC0;
	s22 =	sadd.s32 s31, s24  }
0xc3: {  	[tilespmem:s21], [sflag:$0x7] =	stream.linear.gather [hbm4b:s22+s4], $0x40, $0x38;
	[tilespmem:$0x1BFB8] =	vst v63  }
0xc4: {  	_ =	swait.ge [sflag:s26], $0x40  }
0xc5: {  	[sflag:s26] =	ssyncset.done $0x0  }
0xc6: {  	s28 =	simm.s32 $0x100;
	[sflag:s26] =	ssyncadd.s32 $0xFFFFFFC0  }
0xc7: {  	[tilespmem:s3], [sflag:$0xB] =	stream.indirect.gather [hbm4b:s6+s14], $0x80, s28, s14, $0xb8;
	[tilespmem:$0x1BFB8] =	vst v63  }
0xc8: {  	_ =	swait.ge [sflag:s17], $0x2000  }
0xc9: {  	p5 =	seq.s32 s11, $0x4E0;
	[sflag:s17] =	ssyncset.done $0x0;
	s22 =	rddreg [dreg:$0x1a]  }
0xca: {  	s24 =	simm.s32 @!p5 $0x0;
	[sflag:s17] =	ssyncadd.s32 $0xFFFFE000;
	s22 =	sadd.s32 @!p5 s11, s22  }
0xcb: {  	[tilespmem:s24], [sflag:$0x1] =	stream.linear.gather @!p5 [hbm4b:s22+s24], $0x40, $0x38;
	[tilespmem:$0x1BFB8] =	vst v63  }
0xcc: {  	p6 =	sne.s32 s11, $0x0;
	_ =	swait.ge [sflag:s15], $0x40  }
.Ltmp4:
0xcd: {  	[sflag:s15] =	ssyncset.done $0x0;
	(pc) =	sbr.rel @!p6 .LBB2_3-.Ltmp4, $4  }
0xce: {  	s31 =	simm.s32 $0x400;
	[sflag:s15] =	ssyncadd.s32 $0xFFFFFFC0  }
0xcf: {  	[spmem:s1] =	stream.indirect.scatter.add.f32 [tilespmem:s31], [sflag:$0xD], $0x80, s10, s14, $0xb8;
	[tilespmem:$0x1BFB8] =	vst v63  }
0xd0: {  	_ = 	snop  }
0xd1: {  	[spmem:s2] =	stream.indirect.scatter.add.f32 [tilespmem:s19], [sflag:$0x11], $0x1, s10, s14, $0xb8;
	[tilespmem:$0x1BFB8] =	vst v63  }
0xd2: {  	_ =	swait.ge [sflag:s5], $0x2000  }
0xd3: {  	[sflag:s5] =	ssyncset.done $0x0  }
0xd4: {  	[sflag:s5] =	ssyncadd.s32 $0xFFFFE000  }
0xd5: {  	_ =	swait.ge [sflag:s16], $0x40  }
0xd6: {  	[sflag:s16] =	ssyncset.done $0x0;
	s22 =	rddreg [dreg:$0x1c]  }
0xd7: {  	[sflag:s16] =	ssyncadd.s32 $0xFFFFFFC0;
	s22 =	sadd.s32 s11, s22  }
0xd8: {  	[tilespmem:s0], [sflag:$0x8] =	stream.linear.gather [hbm4b:s22+s4], $0x40, $0x38;
	[tilespmem:$0x1BFB8] =	vst v63  }
0xd9: {  	_ =	swait.ge [sflag:s18], $0x40  }
0xda: {  	[sflag:s18] =	ssyncset.done $0x0  }
0xdb: {  	s31 =	simm.s32 $0x180;
	[sflag:s18] =	ssyncadd.s32 $0xFFFFFFC0  }
0xdc: {  	[tilespmem:s8], [sflag:$0xC] =	stream.indirect.gather [hbm4b:s6+s14], $0x80, s31, s14, $0xb8;
	[tilespmem:$0x1BFB8] =	vst v63  }
.Ltmp5:
0xdd: {  	_ = 	snop;
	(pc) =	sbr.rel @p5 .LBB2_6-.Ltmp5, $4  }
.Ltmp6:
0xde: {  	_ = 	snop;
	(pc) =	sbr.rel @!p5 .LBB2_5-.Ltmp6, $4  }
0xdf: {  	_ =	swait.ge [sflag:s9], $0x2000  }
0xe0: {  	[sflag:s9] =	ssyncset.done $0x0  }
0xe1: {  	[sflag:s9] =	ssyncadd.s32 $0xFFFFE000  }
0xe2: {  	_ = 	snop  }
.LBB2_3:
0xe3: {  	s22 =	rddreg [dreg:$0x11]  }
0xe4: {  	[tilespmem:s0], [sflag:$0x8] =	stream.linear.gather [hbm4b:s22+s4], $0x40, $0x38;
	[tilespmem:$0x1BFB8] =	vst v63  }
0xe5: {  	_ =	swait.ge [sflag:s18], $0x40  }
0xe6: {  	[sflag:s18] =	ssyncset.done $0x0  }
0xe7: {  	s31 =	simm.s32 $0x180;
	[sflag:s18] =	ssyncadd.s32 $0xFFFFFFC0  }
0xe8: {  	[tilespmem:s8], [sflag:$0xC] =	stream.indirect.gather [hbm4b:s6+s14], $0x80, s31, s14, $0xb8;
	[tilespmem:$0x1BFB8] =	vst v63  }
0xe9: {  	_ =	swait.ge [sflag:s9], $0x2000  }
0xea: {  	[sflag:s9] =	ssyncset.done $0x0  }
0xeb: {  	[sflag:s9] =	ssyncadd.s32 $0xFFFFE000  }
.LBB2_5:
0xec: {  	s22 =	rddreg [dreg:$0x18]  }
0xed: {  	s24 =	simm.s32 $0x80;
	s22 =	sadd.s32 s11, s22  }
0xee: {  	[tilespmem:s24], [sflag:$0x2] =	stream.linear.gather [hbm4b:s22+s4], $0x40, $0x38;
	[tilespmem:$0x1BFB8] =	vst v63  }
0xef: {  	_ =	swait.ge [sflag:s20], $0x40  }
0xf0: {  	[sflag:s20] =	ssyncset.done $0x0  }
0xf1: {  	s28 =	simm.s32 $0x2400;
	[sflag:s20] =	ssyncadd.s32 $0xFFFFFFC0  }
0xf2: {  	[spmem:s1] =	stream.indirect.scatter.add.f32 [tilespmem:s28], [sflag:$0xE], $0x80, s12, s14, $0xb8;
	[tilespmem:$0x1BFB8] =	vst v63  }
0xf3: {  	_ = 	snop  }
0xf4: {  	[spmem:s2] =	stream.indirect.scatter.add.f32 [tilespmem:s19], [sflag:$0x12], $0x1, s12, s14, $0xb8;
	[tilespmem:$0x1BFB8] =	vst v63  }
0xf5: {  	_ =	swait.ge [sflag:s30], $0x2000  }
0xf6: {  	[sflag:s30] =	ssyncset.done $0x0  }
0xf7: {  	[sflag:s30] =	ssyncadd.s32 $0xFFFFE000  }
0xf8: {  	_ =	swait.ge [sflag:s23], $0x40  }
0xf9: {  	[sflag:s23] =	ssyncset.done $0x0;
	s31 =	rddreg [dreg:$0x1b]  }
0xfa: {  	[sflag:s23] =	ssyncadd.s32 $0xFFFFFFC0;
	s22 =	sadd.s32 s11, s31  }
0xfb: {  	[tilespmem:s10], [sflag:$0x5] =	stream.linear.gather [hbm4b:s22+s4], $0x40, $0x38;
	[tilespmem:$0x1BFB8] =	vst v63  }
0xfc: {  	_ =	swait.ge [sflag:s13], $0x40  }
0xfd: {  	[sflag:s13] =	ssyncset.done $0x0  }
0xfe: {  	s24 =	simm.s32 $0x400;
	[sflag:s13] =	ssyncadd.s32 $0xFFFFFFC0  }
0xff: {  	[tilespmem:s24], [sflag:$0x9] =	stream.indirect.gather [hbm4b:s6+s14], $0x80, s4, s14, $0xb8;
	[tilespmem:$0x1BFB8] =	vst v63  }
.Ltmp7:
0x100: {  	_ = 	snop;
	(pc) =	sbr.rel .LBB2_7-.Ltmp7, $4  }
0x101: {  	_ =	swait.ge [sflag:s25], $0x2000  }
0x102: {  	[sflag:s25] =	ssyncset.done $0x0;
	s28 =	rddreg [dreg:$0x16]  }
0x103: {  	s31 =	simm.s32 $0x100;
	[sflag:s25] =	ssyncadd.s32 $0xFFFFE000;
	s22 =	sadd.s32 s11, s28  }
0x104: {  	[tilespmem:s31], [sflag:$0x3] =	stream.linear.gather [hbm4b:s22+s4], $0x40, $0x38;
	[tilespmem:$0x1BFB8] =	vst v63  }
.LBB2_9:
0x105: {  	_ =	sfence.sel $0x180000  }
0x106: {  	[bflag:$0x0] =	sbarrier.arrive $0xFFFF  }
0x107: {  	_ =	strace $0x90000047  }
0x108: {  	[bflag:$0x2] =	sbarrier.arrive $0xFFFF  }
0x109: {  	p0 =	sne.s32 s31, $0x0;
	s0 =	rddreg [dreg:$0x4]  }
0x10a: {  	s0 =	sadd.s32 @!p0 $0x100000, s0  }
0x10b: {  	[sflag:s0] =	ssyncadd.tile.s32 @!p0 $0x1;
	_ =	shalt  }
.Lfunc_end2:
_tile_overlayer_lowered:
.L_overlay_start_2:
0x10c: {  	(tag) =	ssettag $0x2  }
0x10d: {  	s0 =	rddreg [dreg:$0x0];
	s2 =	stileid.u32  }
0x10e: {  	s1 =	rddreg [dreg:$0x1];
	p0 =	sne.s32 s2, $0x0  }
0x10f: {  	s3 =	rddreg [dreg:$0x2];
	[bflag:$0x3] =	sbarrier.arrive $0xFFFF;
	s2 =	simm.s32 @!p0 $0x1C15  }
0x110: {  	[timem:s3], [sflag:s2] =	dma.local @!p0 [hbm:s0], s1  }
0x111: {  	s0 =	simm.s32 @!p0 $0x15  }
0x112: {  	_ =	swait.ge @!p0 [sflag:s0], s1  }
0x113: {  	s1 =	ssub.s32 @!p0 $0x0, s1;
	[sflag:s0] =	ssyncset.done @!p0 $0x0  }
0x114: {  	[sflag:s0] =	ssyncadd.s32 @!p0 s1  }
0x115: {  	[bflag:$0x3] =	sbarrier.arrive $0xFFFF  }
0x116: {  	_ =	shalt  }

</sc_bundles>
